<compile_context>
chip_gen: v7x
topology: tpu7x:2x2x1
jax: 0.10.2.dev20260603
libtpu: 0.0.44.dev20260713+nightly
codegen_flags: <defaults>
</compile_context>

<pallas_src>
import functools

import jax
import jax.numpy as jnp
from jax import lax
from jax.experimental import pallas as pl
from jax.experimental.pallas import tpu as pltpu
from jax.experimental.pallas import tpu_sc as plsc

N = 32768
B = 16
LBL = 4096
NC, NS, L = 2, 16, 16
NW = NC * NS
PW = N // NW
NROW = 8
RW = PW // NROW
CHUNKS = PW // L
BIG = float(3.0e38)
EXIST_THRESH = float(1.0e38)

_mesh = plsc.VectorSubcoreMesh(
    core_axis_name="c", subcore_axis_name="s", num_cores=NC, num_subcores=NS
)

_out_t = jax.ShapeDtypeStruct((NC, NS, 3, L), jnp.float32)


_scratch_t = [
    pltpu.VMEM((PW,), jnp.int32),
    pltpu.VMEM((PW,), jnp.int32),
    pltpu.VMEM((PW // 128, 128), jnp.float32),
    pltpu.VMEM((PW,), jnp.int32),
    pltpu.VMEM((NROW, RW), jnp.int32),
    pltpu.VMEM((4, L), jnp.float32),
    pltpu.VMEM((3, L), jnp.float32),
    pltpu.SMEM((1,), jnp.int32),
    pltpu.SemaphoreType.DMA,
]


def _sc_body(x_hbm, lab_hbm, bi_hbm, lid_hbm, part_out,
             bi_v, lid_v, x_v, t_v, idx_v, seg_v, acc_v, cur_s, sem):
    cid = lax.axis_index("c")
    sid = lax.axis_index("s")
    wid = sid * NC + cid
    base = wid * PW

    stage = [
        pltpu.async_copy(bi_hbm.at[pl.ds(base, PW)], bi_v, sem),
        pltpu.async_copy(lid_hbm.at[pl.ds(base, PW)], lid_v, sem),
        pltpu.async_copy(x_hbm.at[pl.ds(wid * (PW // 128), PW // 128)], x_v, sem),
    ]
    for cp in stage:
        cp.wait()

    copies = []
    for j in range(NROW):
        for k in range(RW // L):
            o = j * RW + k * L
            bi = bi_v[pl.ds(o, L)]
            lid = lid_v[pl.ds(o, L)]
            idx_v[j, pl.ds(k * L, L)] = bi * LBL + ((lid + (LBL - 1)) & (LBL - 1))
        copies.append(
            pltpu.async_copy(lab_hbm.at[idx_v.at[j]], t_v.at[pl.ds(j * RW, RW)], sem)
        )
    for cp in copies:
        cp.wait()

    lane = lax.iota(jnp.int32, L)
    perms = [lane ^ sh for sh in (8, 4, 2, 1)]

    def bmin(x):
        for p in perms:
            x = jnp.minimum(x, x.at[p].get(mode="promise_in_bounds"))
        return x

    def bmax(x):
        for p in perms:
            x = jnp.maximum(x, x.at[p].get(mode="promise_in_bounds"))
        return x

    seg_v[0] = jnp.full((L,), BIG, jnp.float32)
    seg_v[1] = jnp.full((L,), -BIG, jnp.float32)
    seg_v[2] = jnp.full((L,), BIG, jnp.float32)
    seg_v[3] = jnp.full((L,), -BIG, jnp.float32)
    cur_s[0] = bi_v[pl.ds(0, L)][0]

    def flush(cur):
        oh = lane == cur
        seg_v[0] = jnp.minimum(seg_v[0], jnp.where(oh, bmin(seg_v[2]), BIG))
        seg_v[1] = jnp.maximum(seg_v[1], jnp.where(oh, bmax(seg_v[3]), -BIG))

    def chunk_body(c, xt):
        o = c * L
        bi = bi_v[pl.ds(o, L)]
        x = x_v[c // 8, pl.ds((c % 8) * L, L)]
        t = t_v[pl.ds(o, L)]
        pos = t > 0
        xt = xt + jnp.where(pos, x, 0.0)
        b0 = bi[0]
        b1 = bi[L - 1]
        xp = jnp.where(pos, x, BIG)
        xn = jnp.where(pos, -BIG, x)
        cur = cur_s[0]
        same = jnp.logical_and(b0 == cur, b1 == cur)

        @pl.when(same)
        def _():
            seg_v[2] = jnp.minimum(seg_v[2], xp)
            seg_v[3] = jnp.maximum(seg_v[3], xn)

        @pl.when(jnp.logical_not(same))
        def _():
            flush(cur)
            seg_v[2] = jnp.full((L,), BIG, jnp.float32)
            seg_v[3] = jnp.full((L,), -BIG, jnp.float32)
            cur_s[0] = b1

            def seg_body(b, carr):
                cp, cn = carr
                mb = bi == b
                pv = bmin(jnp.where(mb, xp, BIG))
                nv = bmax(jnp.where(mb, xn, -BIG))
                oh = lane == b
                cp = jnp.minimum(cp, jnp.where(oh, pv, BIG))
                cn = jnp.maximum(cn, jnp.where(oh, nv, -BIG))
                return cp, cn

            cp, cn = lax.fori_loop(b0, b1 + 1, seg_body, (seg_v[0], seg_v[1]))
            seg_v[0] = cp
            seg_v[1] = cn

        return xt

    xt = lax.fori_loop(0, CHUNKS, chunk_body, jnp.zeros((L,), jnp.float32),
                       unroll=2)
    flush(cur_s[0])

    acc_v[0] = seg_v[0]
    acc_v[1] = seg_v[1]
    acc_v[2] = xt

    pltpu.sync_copy(acc_v, part_out.at[cid, sid])


_sc_loss = pl.kernel(
    _sc_body, out_type=_out_t, mesh=_mesh, scratch_types=_scratch_t
)


def _final_body(x_ref, part_ref, out_ref):
    x = x_ref[...]
    y = jnp.maximum(x, 0.0) + jnp.log1p(jnp.exp(-jnp.abs(x)))
    dense = jnp.sum(y)

    part = part_ref[...]
    pm = jnp.min(part[:, :, 0, :], axis=(0, 1))
    nm = jnp.max(part[:, :, 1, :], axis=(0, 1))
    xt = jnp.sum(part[:, :, 2, :])

    exists_pos = pm < EXIST_THRESH
    exists_neg = nm > -EXIST_THRESH
    has_both = exists_pos & exists_neg
    sp = jax.nn.sigmoid(pm)
    sn = jax.nn.sigmoid(nm)
    total = jnp.sum(jnp.where(has_both, jnp.maximum(0.5 + sn - sp, 0.0), 0.0))
    num_uniq = jnp.sum(exists_pos | exists_neg).astype(jnp.float32)
    avg = jnp.float32(N) / jnp.maximum(num_uniq, 1.0)
    temperature = 0.07 * (10.0 / jnp.maximum(avg, 1.0))
    contrastive = total * temperature * 0.1

    bce = (dense - xt) / jnp.float32(N)
    out_ref[...] = (bce + contrastive).reshape(1, 1)


def _final(x2d, part):
    return pl.pallas_call(
        _final_body,
        out_shape=jax.ShapeDtypeStruct((1, 1), jnp.float32),
    )(x2d, part)


def kernel(logits, labels, batch_indices, label_ids):
    x2d = logits.reshape(N // 128, 128)
    lab_flat = labels.reshape(B * LBL)
    bi = batch_indices.astype(jnp.int32)
    lid = label_ids.astype(jnp.int32)

    part = _sc_loss(x2d, lab_flat, bi, lid)
    out = _final(x2d, part)
    return out.reshape(())

# --- scband reference (transcript-rebuilt; emitter-appended) ---
"""Pipeline reference for scband-gli-znet-loss-30837865185708 (READ-ONLY COPY).

The authoritative reference and input builder live on the scoring server;
editing this copy changes nothing except your own understanding.
"""

import jax, jax.numpy as jnp
import numpy as np

MARGIN = 0.5
SCALE_LOSS = 1.0
CONTRASTIVE_W = 0.1
TEMPERATURE = 0.07
BARLOW_W = 0.01


def setup_inputs(seed: int = 0) -> dict:
    key = jax.random.key(seed)
    k1, k2, k3, k4 = jax.random.split(key, 4)
    logits = jax.random.normal(k1, (32768, 1), dtype=jnp.float32)
    labels = jax.random.randint(k2, (16, 4096), 0, 2)
    batch_indices = jnp.sort(jax.random.randint(k3, (32768,), 0, 16))
    label_ids = jax.random.randint(k4, (32768,), 0, 4096)
    return {"logits": logits, "labels": labels, "batch_indices": batch_indices, "label_ids": label_ids}


def reference(logits, labels, batch_indices, label_ids):
    target_indices = label_ids - 1
    targets = labels[batch_indices, target_indices].astype(jnp.float32).reshape(-1, 1)
    valid_mask = targets != -100.0
    any_valid = jnp.any(valid_mask)
    mask_flat = valid_mask.reshape(-1)
    valid_logits = jnp.where(valid_mask, logits, 0.0)
    valid_targets = jnp.where(valid_mask, targets, 0.0)
    x = valid_logits
    t = valid_targets
    bce = (jnp.maximum(x, 0.0) - x * t + jnp.log1p(jnp.exp(-jnp.abs(x)))).mean() * SCALE_LOSS
    contrastive_loss = jnp.asarray(0.0, dtype=jnp.float32)
    if CONTRASTIVE_W > 0:
        num_batches = labels.shape[0]
        counts = jnp.bincount(batch_indices, weights=mask_flat.astype(jnp.float32), length=num_batches)
        num_uniq = jnp.sum(counts > 0)
        sig = jax.nn.sigmoid(valid_logits)
        sig_flat = sig.reshape(-1)
        t_flat = valid_targets.reshape(-1)
        avg_valid_labels = valid_logits.shape[0] / jnp.maximum(num_uniq, 1)
        temperature = TEMPERATURE * (10.0 / jnp.maximum(avg_valid_labels, 1.0))
        total = jnp.asarray(0.0, dtype=jnp.float32)
        for b in range(num_batches):
            in_b = mask_flat & (batch_indices == b)
            pos_mask = in_b & (t_flat == 1.0)
            neg_mask = in_b & (t_flat != 1.0)
            has_both = jnp.any(pos_mask) & jnp.any(neg_mask)
            neg_max = jnp.max(jnp.where(neg_mask, sig_flat, -jnp.inf))
            pos_min = jnp.min(jnp.where(pos_mask, sig_flat, jnp.inf))
            total = total + jnp.where(has_both, jax.nn.relu(MARGIN + neg_max - pos_min), 0.0)
        contrastive_loss = total * temperature * CONTRASTIVE_W
    loss = bce + contrastive_loss
    if BARLOW_W > 0:
        z = valid_logits
        z_norm = (z - z.mean(axis=0)) / (jnp.std(z, axis=0, ddof=1) + 1e-06)
        c = jnp.matmul(z_norm.T, z_norm) / z_norm.shape[0]
        off_diag = c.flatten()[1:].reshape(c.shape[0], -1)
        barlow = 0.005 * jnp.sum(off_diag ** 2)
        loss = loss + BARLOW_W * barlow
    return jnp.where(any_valid, loss, jnp.asarray(0.0, dtype=jnp.float32))

if __name__ == "__main__":
    import jax
    _d = setup_inputs()
    print(jax.jit(kernel)(*tuple(_d.values())))

</pallas_src>

<mosaic_0001>
#map = affine_map<(d0, d1) -> (0, 0)>
#map1 = affine_map<(d0, d1) -> (0)>
#map2 = affine_map<(d0, d1) -> (0, 0, 0, 0)>
module attributes {stable_mosaic.version = 14 : i64} {
  func.func @_sc_body(%arg0: i32, %arg1: i32, %arg2: memref<256x128xf32, #tpu.memory_space<hbm>>, %arg3: memref<65536xi32, #tpu.memory_space<hbm>>, %arg4: memref<32768xi32, #tpu.memory_space<hbm>>, %arg5: memref<32768xi32, #tpu.memory_space<hbm>>, %arg6: memref<2x16x3x16xf32, #tpu.memory_space<hbm>>, %arg7: memref<1024xi32, #tpu.memory_space<vmem>>, %arg8: memref<1024xi32, #tpu.memory_space<vmem>>, %arg9: memref<8x128xf32, #tpu.memory_space<vmem>>, %arg10: memref<1024xi32, #tpu.memory_space<vmem>>, %arg11: memref<8x128xi32, #tpu.memory_space<vmem>>, %arg12: memref<4x16xf32, #tpu.memory_space<vmem>>, %arg13: memref<3x16xf32, #tpu.memory_space<vmem>>, %arg14: memref<1xi32, #tpu.memory_space<smem>>, %arg15: memref<!tpu.dma_semaphore, #tpu.memory_space<semaphore_mem>>) attributes {dimension_semantics = [#tpu.dimension_semantics<core_parallel>, #tpu.dimension_semantics<subcore_parallel>], iteration_bounds = array<i64: 2, 16>, scalar_prefetch = 0 : i64, scratch_operands = 9 : i64, tpu.core_type = #tpu.core_type<sc_vector_subcore>, window_params = [{transform_indices = #map}, {transform_indices = #map1}, {transform_indices = #map1}, {transform_indices = #map1}, {transform_indices = #map2}]} {
    %mul3A = arith.constant 2 : i32
    %mul3A_0 = arith.muli %arg1, %mul3A : i32
    %add3A = arith.addi %mul3A_0, %arg0 : i32
    %mul3A_1 = arith.constant 1024 : i32
    %mul3A_2 = arith.muli %add3A, %mul3A_1 : i32
    %dma_start3A = tpu.memref_slice %arg4[%mul3A_2] : memref<32768xi32, #tpu.memory_space<hbm>> -> memref<1024xi32, #tpu.memory_space<hbm>>
    %dma_start3A_3 = tpu.memref_slice %arg4[%mul3A_2] : memref<32768xi32, #tpu.memory_space<hbm>> -> memref<1024xi32, #tpu.memory_space<hbm>>
    tpu.enqueue_dma source(%dma_start3A_3 : memref<1024xi32, #tpu.memory_space<hbm>>) target(%arg7 : memref<1024xi32, #tpu.memory_space<vmem>>) target_semaphore(%arg15 : memref<!tpu.dma_semaphore, #tpu.memory_space<semaphore_mem>>)
    %dma_start3A_4 = tpu.memref_slice %arg5[%mul3A_2] : memref<32768xi32, #tpu.memory_space<hbm>> -> memref<1024xi32, #tpu.memory_space<hbm>>
    %dma_start3A_5 = tpu.memref_slice %arg5[%mul3A_2] : memref<32768xi32, #tpu.memory_space<hbm>> -> memref<1024xi32, #tpu.memory_space<hbm>>
    tpu.enqueue_dma source(%dma_start3A_5 : memref<1024xi32, #tpu.memory_space<hbm>>) target(%arg8 : memref<1024xi32, #tpu.memory_space<vmem>>) target_semaphore(%arg15 : memref<!tpu.dma_semaphore, #tpu.memory_space<semaphore_mem>>)
    %mul3A_6 = arith.constant 8 : i32
    %mul3A_7 = arith.muli %add3A, %mul3A_6 : i32
    %dma_start3A_8 = arith.constant 0 : i32
    %dma_start3A_9 = tpu.memref_slice %arg2[%mul3A_7, %dma_start3A_8] : memref<256x128xf32, #tpu.memory_space<hbm>> -> memref<8x128xf32, #tpu.memory_space<hbm>>
    %dma_start3A_10 = arith.constant 0 : i32
    %dma_start3A_11 = tpu.memref_slice %arg2[%mul3A_7, %dma_start3A_10] : memref<256x128xf32, #tpu.memory_space<hbm>> -> memref<8x128xf32, #tpu.memory_space<hbm>>
    tpu.enqueue_dma source(%dma_start3A_11 : memref<8x128xf32, #tpu.memory_space<hbm>>) target(%arg9 : memref<8x128xf32, #tpu.memory_space<vmem>>) target_semaphore(%arg15 : memref<!tpu.dma_semaphore, #tpu.memory_space<semaphore_mem>>)
    %dma_wait3A = tpu.memref_slice %arg4[%mul3A_2] : memref<32768xi32, #tpu.memory_space<hbm>> -> memref<1024xi32, #tpu.memory_space<hbm>>
    %dma_wait3A_12 = tpu.memref_slice %arg4[%mul3A_2] : memref<32768xi32, #tpu.memory_space<hbm>> -> memref<1024xi32, #tpu.memory_space<hbm>>
    tpu.wait_dma2 semaphore(%arg15 : memref<!tpu.dma_semaphore, #tpu.memory_space<semaphore_mem>>) src(%dma_wait3A_12 : memref<1024xi32, #tpu.memory_space<hbm>>) dst(%arg7 : memref<1024xi32, #tpu.memory_space<vmem>>)
    %dma_wait3A_13 = tpu.memref_slice %arg5[%mul3A_2] : memref<32768xi32, #tpu.memory_space<hbm>> -> memref<1024xi32, #tpu.memory_space<hbm>>
    %dma_wait3A_14 = tpu.memref_slice %arg5[%mul3A_2] : memref<32768xi32, #tpu.memory_space<hbm>> -> memref<1024xi32, #tpu.memory_space<hbm>>
    tpu.wait_dma2 semaphore(%arg15 : memref<!tpu.dma_semaphore, #tpu.memory_space<semaphore_mem>>) src(%dma_wait3A_14 : memref<1024xi32, #tpu.memory_space<hbm>>) dst(%arg8 : memref<1024xi32, #tpu.memory_space<vmem>>)
    %dma_wait3A_15 = arith.constant 0 : i32
    %dma_wait3A_16 = tpu.memref_slice %arg2[%mul3A_7, %dma_wait3A_15] : memref<256x128xf32, #tpu.memory_space<hbm>> -> memref<8x128xf32, #tpu.memory_space<hbm>>
    %dma_wait3A_17 = arith.constant 0 : i32
    %dma_wait3A_18 = tpu.memref_slice %arg2[%mul3A_7, %dma_wait3A_17] : memref<256x128xf32, #tpu.memory_space<hbm>> -> memref<8x128xf32, #tpu.memory_space<hbm>>
    tpu.wait_dma2 semaphore(%arg15 : memref<!tpu.dma_semaphore, #tpu.memory_space<semaphore_mem>>) src(%dma_wait3A_18 : memref<8x128xf32, #tpu.memory_space<hbm>>) dst(%arg9 : memref<8x128xf32, #tpu.memory_space<vmem>>)
    %get3A = arith.constant 0 : index
    %get3A_19 = tpu.vector_load %arg7[%get3A] {strides = array<i32>} : memref<1024xi32, #tpu.memory_space<vmem>>, vector<16xi32>,
    %get3A_20 = vector.shape_cast %get3A_19 : vector<16xi32> to vector<16xi32>
    %get3A_21 = arith.constant 0 : index
    %get3A_22 = tpu.vector_load %arg8[%get3A_21] {strides = array<i32>} : memref<1024xi32, #tpu.memory_space<vmem>>, vector<16xi32>,
    %get3A_23 = vector.shape_cast %get3A_22 : vector<16xi32> to vector<16xi32>
    %mul3A_24 = arith.constant 4096 : i32
    %mul3A_25 = vector.broadcast %mul3A_24 : i32 to vector<16xi32>
    %mul3A_26 = arith.muli %get3A_20, %mul3A_25 : vector<16xi32>
    %add3A_27 = arith.constant 4095 : i32
    %add3A_28 = vector.broadcast %add3A_27 : i32 to vector<16xi32>
    %add3A_29 = arith.addi %get3A_23, %add3A_28 : vector<16xi32>
    %and3A = arith.constant 4095 : i32
    %and3A_30 = vector.broadcast %and3A : i32 to vector<16xi32>
    %and3A_31 = arith.andi %add3A_29, %and3A_30 : vector<16xi32>
    %add3A_32 = arith.addi %mul3A_26, %and3A_31 : vector<16xi32>
    %swap3A = arith.constant 0 : i32
    %swap3A_33 = arith.index_cast %swap3A : i32 to index
    %swap3A_34 = arith.constant 0 : index
    %swap3A_35 = tpu.vector_load %arg11[%swap3A_33, %swap3A_34] {strides = array<i32>} : memref<8x128xi32, #tpu.memory_space<vmem>>, vector<1x16xi32>,
    %swap3A_36 = vector.shape_cast %swap3A_35 : vector<1x16xi32> to vector<16xi32>
    %swap3A_37 = vector.shape_cast %add3A_32 : vector<16xi32> to vector<1x16xi32>
    tpu.vector_store %arg11[%swap3A_33, %swap3A_34], %swap3A_37 {strides = array<i32>} : memref<8x128xi32, #tpu.memory_space<vmem>>, vector<1x16xi32>,
    %get3A_38 = arith.constant 16 : index
    %get3A_39 = tpu.vector_load %arg7[%get3A_38] {strides = array<i32>} : memref<1024xi32, #tpu.memory_space<vmem>>, vector<16xi32>,
    %get3A_40 = vector.shape_cast %get3A_39 : vector<16xi32> to vector<16xi32>
    %get3A_41 = arith.constant 16 : index
    %get3A_42 = tpu.vector_load %arg8[%get3A_41] {strides = array<i32>} : memref<1024xi32, #tpu.memory_space<vmem>>, vector<16xi32>,
    %get3A_43 = vector.shape_cast %get3A_42 : vector<16xi32> to vector<16xi32>
    %mul3A_44 = arith.constant 4096 : i32
    %mul3A_45 = vector.broadcast %mul3A_44 : i32 to vector<16xi32>
    %mul3A_46 = arith.muli %get3A_40, %mul3A_45 : vector<16xi32>
    %add3A_47 = arith.constant 4095 : i32
    %add3A_48 = vector.broadcast %add3A_47 : i32 to vector<16xi32>
    %add3A_49 = arith.addi %get3A_43, %add3A_48 : vector<16xi32>
    %and3A_50 = arith.constant 4095 : i32
    %and3A_51 = vector.broadcast %and3A_50 : i32 to vector<16xi32>
    %and3A_52 = arith.andi %add3A_49, %and3A_51 : vector<16xi32>
    %add3A_53 = arith.addi %mul3A_46, %and3A_52 : vector<16xi32>
    %swap3A_54 = arith.constant 0 : i32
    %swap3A_55 = arith.index_cast %swap3A_54 : i32 to index
    %swap3A_56 = arith.constant 16 : index
    %swap3A_57 = tpu.vector_load %arg11[%swap3A_55, %swap3A_56] {strides = array<i32>} : memref<8x128xi32, #tpu.memory_space<vmem>>, vector<1x16xi32>,
    %swap3A_58 = vector.shape_cast %swap3A_57 : vector<1x16xi32> to vector<16xi32>
    %swap3A_59 = vector.shape_cast %add3A_53 : vector<16xi32> to vector<1x16xi32>
    tpu.vector_store %arg11[%swap3A_55, %swap3A_56], %swap3A_59 {strides = array<i32>} : memref<8x128xi32, #tpu.memory_space<vmem>>, vector<1x16xi32>,
    %get3A_60 = arith.constant 32 : index
    %get3A_61 = tpu.vector_load %arg7[%get3A_60] {strides = array<i32>} : memref<1024xi32, #tpu.memory_space<vmem>>, vector<16xi32>,
    %get3A_62 = vector.shape_cast %get3A_61 : vector<16xi32> to vector<16xi32>
    %get3A_63 = arith.constant 32 : index
    %get3A_64 = tpu.vector_load %arg8[%get3A_63] {strides = array<i32>} : memref<1024xi32, #tpu.memory_space<vmem>>, vector<16xi32>,
    %get3A_65 = vector.shape_cast %get3A_64 : vector<16xi32> to vector<16xi32>
    %mul3A_66 = arith.constant 4096 : i32
    %mul3A_67 = vector.broadcast %mul3A_66 : i32 to vector<16xi32>
    %mul3A_68 = arith.muli %get3A_62, %mul3A_67 : vector<16xi32>
    %add3A_69 = arith.constant 4095 : i32
    %add3A_70 = vector.broadcast %add3A_69 : i32 to vector<16xi32>
    %add3A_71 = arith.addi %get3A_65, %add3A_70 : vector<16xi32>
    %and3A_72 = arith.constant 4095 : i32
    %and3A_73 = vector.broadcast %and3A_72 : i32 to vector<16xi32>
    %and3A_74 = arith.andi %add3A_71, %and3A_73 : vector<16xi32>
    %add3A_75 = arith.addi %mul3A_68, %and3A_74 : vector<16xi32>
    %swap3A_76 = arith.constant 0 : i32
    %swap3A_77 = arith.index_cast %swap3A_76 : i32 to index
    %swap3A_78 = arith.constant 32 : index
    %swap3A_79 = tpu.vector_load %arg11[%swap3A_77, %swap3A_78] {strides = array<i32>} : memref<8x128xi32, #tpu.memory_space<vmem>>, vector<1x16xi32>,
    %swap3A_80 = vector.shape_cast %swap3A_79 : vector<1x16xi32> to vector<16xi32>
    %swap3A_81 = vector.shape_cast %add3A_75 : vector<16xi32> to vector<1x16xi32>
    tpu.vector_store %arg11[%swap3A_77, %swap3A_78], %swap3A_81 {strides = array<i32>} : memref<8x128xi32, #tpu.memory_space<vmem>>, vector<1x16xi32>,
    %get3A_82 = arith.constant 48 : index
    %get3A_83 = tpu.vector_load %arg7[%get3A_82] {strides = array<i32>} : memref<1024xi32, #tpu.memory_space<vmem>>, vector<16xi32>,
    %get3A_84 = vector.shape_cast %get3A_83 : vector<16xi32> to vector<16xi32>
    %get3A_85 = arith.constant 48 : index
    %get3A_86 = tpu.vector_load %arg8[%get3A_85] {strides = array<i32>} : memref<1024xi32, #tpu.memory_space<vmem>>, vector<16xi32>,
    %get3A_87 = vector.shape_cast %get3A_86 : vector<16xi32> to vector<16xi32>
    %mul3A_88 = arith.constant 4096 : i32
    %mul3A_89 = vector.broadcast %mul3A_88 : i32 to vector<16xi32>
    %mul3A_90 = arith.muli %get3A_84, %mul3A_89 : vector<16xi32>
    %add3A_91 = arith.constant 4095 : i32
    %add3A_92 = vector.broadcast %add3A_91 : i32 to vector<16xi32>
    %add3A_93 = arith.addi %get3A_87, %add3A_92 : vector<16xi32>
    %and3A_94 = arith.constant 4095 : i32
    %and3A_95 = vector.broadcast %and3A_94 : i32 to vector<16xi32>
    %and3A_96 = arith.andi %add3A_93, %and3A_95 : vector<16xi32>
    %add3A_97 = arith.addi %mul3A_90, %and3A_96 : vector<16xi32>
    %swap3A_98 = arith.constant 0 : i32
    %swap3A_99 = arith.index_cast %swap3A_98 : i32 to index
    %swap3A_100 = arith.constant 48 : index
    %swap3A_101 = tpu.vector_load %arg11[%swap3A_99, %swap3A_100] {strides = array<i32>} : memref<8x128xi32, #tpu.memory_space<vmem>>, vector<1x16xi32>,
    %swap3A_102 = vector.shape_cast %swap3A_101 : vector<1x16xi32> to vector<16xi32>
    %swap3A_103 = vector.shape_cast %add3A_97 : vector<16xi32> to vector<1x16xi32>
    tpu.vector_store %arg11[%swap3A_99, %swap3A_100], %swap3A_103 {strides = array<i32>} : memref<8x128xi32, #tpu.memory_space<vmem>>, vector<1x16xi32>,
    %get3A_104 = arith.constant 64 : index
    %get3A_105 = tpu.vector_load %arg7[%get3A_104] {strides = array<i32>} : memref<1024xi32, #tpu.memory_space<vmem>>, vector<16xi32>,
    %get3A_106 = vector.shape_cast %get3A_105 : vector<16xi32> to vector<16xi32>
    %get3A_107 = arith.constant 64 : index
    %get3A_108 = tpu.vector_load %arg8[%get3A_107] {strides = array<i32>} : memref<1024xi32, #tpu.memory_space<vmem>>, vector<16xi32>,
    %get3A_109 = vector.shape_cast %get3A_108 : vector<16xi32> to vector<16xi32>
    %mul3A_110 = arith.constant 4096 : i32
    %mul3A_111 = vector.broadcast %mul3A_110 : i32 to vector<16xi32>
    %mul3A_112 = arith.muli %get3A_106, %mul3A_111 : vector<16xi32>
    %add3A_113 = arith.constant 4095 : i32
    %add3A_114 = vector.broadcast %add3A_113 : i32 to vector<16xi32>
    %add3A_115 = arith.addi %get3A_109, %add3A_114 : vector<16xi32>
    %and3A_116 = arith.constant 4095 : i32
    %and3A_117 = vector.broadcast %and3A_116 : i32 to vector<16xi32>
    %and3A_118 = arith.andi %add3A_115, %and3A_117 : vector<16xi32>
    %add3A_119 = arith.addi %mul3A_112, %and3A_118 : vector<16xi32>
    %swap3A_120 = arith.constant 0 : i32
    %swap3A_121 = arith.index_cast %swap3A_120 : i32 to index
    %swap3A_122 = arith.constant 64 : index
    %swap3A_123 = tpu.vector_load %arg11[%swap3A_121, %swap3A_122] {strides = array<i32>} : memref<8x128xi32, #tpu.memory_space<vmem>>, vector<1x16xi32>,
    %swap3A_124 = vector.shape_cast %swap3A_123 : vector<1x16xi32> to vector<16xi32>
    %swap3A_125 = vector.shape_cast %add3A_119 : vector<16xi32> to vector<1x16xi32>
    tpu.vector_store %arg11[%swap3A_121, %swap3A_122], %swap3A_125 {strides = array<i32>} : memref<8x128xi32, #tpu.memory_space<vmem>>, vector<1x16xi32>,
    %get3A_126 = arith.constant 80 : index
    %get3A_127 = tpu.vector_load %arg7[%get3A_126] {strides = array<i32>} : memref<1024xi32, #tpu.memory_space<vmem>>, vector<16xi32>,
    %get3A_128 = vector.shape_cast %get3A_127 : vector<16xi32> to vector<16xi32>
    %get3A_129 = arith.constant 80 : index
    %get3A_130 = tpu.vector_load %arg8[%get3A_129] {strides = array<i32>} : memref<1024xi32, #tpu.memory_space<vmem>>, vector<16xi32>,
    %get3A_131 = vector.shape_cast %get3A_130 : vector<16xi32> to vector<16xi32>
    %mul3A_132 = arith.constant 4096 : i32
    %mul3A_133 = vector.broadcast %mul3A_132 : i32 to vector<16xi32>
    %mul3A_134 = arith.muli %get3A_128, %mul3A_133 : vector<16xi32>
    %add3A_135 = arith.constant 4095 : i32
    %add3A_136 = vector.broadcast %add3A_135 : i32 to vector<16xi32>
    %add3A_137 = arith.addi %get3A_131, %add3A_136 : vector<16xi32>
    %and3A_138 = arith.constant 4095 : i32
    %and3A_139 = vector.broadcast %and3A_138 : i32 to vector<16xi32>
    %and3A_140 = arith.andi %add3A_137, %and3A_139 : vector<16xi32>
    %add3A_141 = arith.addi %mul3A_134, %and3A_140 : vector<16xi32>
    %swap3A_142 = arith.constant 0 : i32
    %swap3A_143 = arith.index_cast %swap3A_142 : i32 to index
    %swap3A_144 = arith.constant 80 : index
    %swap3A_145 = tpu.vector_load %arg11[%swap3A_143, %swap3A_144] {strides = array<i32>} : memref<8x128xi32, #tpu.memory_space<vmem>>, vector<1x16xi32>,
    %swap3A_146 = vector.shape_cast %swap3A_145 : vector<1x16xi32> to vector<16xi32>
    %swap3A_147 = vector.shape_cast %add3A_141 : vector<16xi32> to vector<1x16xi32>
    tpu.vector_store %arg11[%swap3A_143, %swap3A_144], %swap3A_147 {strides = array<i32>} : memref<8x128xi32, #tpu.memory_space<vmem>>, vector<1x16xi32>,
    %get3A_148 = arith.constant 96 : index
    %get3A_149 = tpu.vector_load %arg7[%get3A_148] {strides = array<i32>} : memref<1024xi32, #tpu.memory_space<vmem>>, vector<16xi32>,
    %get3A_150 = vector.shape_cast %get3A_149 : vector<16xi32> to vector<16xi32>
    %get3A_151 = arith.constant 96 : index
    %get3A_152 = tpu.vector_load %arg8[%get3A_151] {strides = array<i32>} : memref<1024xi32, #tpu.memory_space<vmem>>, vector<16xi32>,
    %get3A_153 = vector.shape_cast %get3A_152 : vector<16xi32> to vector<16xi32>
    %mul3A_154 = arith.constant 4096 : i32
    %mul3A_155 = vector.broadcast %mul3A_154 : i32 to vector<16xi32>
    %mul3A_156 = arith.muli %get3A_150, %mul3A_155 : vector<16xi32>
    %add3A_157 = arith.constant 4095 : i32
    %add3A_158 = vector.broadcast %add3A_157 : i32 to vector<16xi32>
    %add3A_159 = arith.addi %get3A_153, %add3A_158 : vector<16xi32>
    %and3A_160 = arith.constant 4095 : i32
    %and3A_161 = vector.broadcast %and3A_160 : i32 to vector<16xi32>
    %and3A_162 = arith.andi %add3A_159, %and3A_161 : vector<16xi32>
    %add3A_163 = arith.addi %mul3A_156, %and3A_162 : vector<16xi32>
    %swap3A_164 = arith.constant 0 : i32
    %swap3A_165 = arith.index_cast %swap3A_164 : i32 to index
    %swap3A_166 = arith.constant 96 : index
    %swap3A_167 = tpu.vector_load %arg11[%swap3A_165, %swap3A_166] {strides = array<i32>} : memref<8x128xi32, #tpu.memory_space<vmem>>, vector<1x16xi32>,
    %swap3A_168 = vector.shape_cast %swap3A_167 : vector<1x16xi32> to vector<16xi32>
    %swap3A_169 = vector.shape_cast %add3A_163 : vector<16xi32> to vector<1x16xi32>
    tpu.vector_store %arg11[%swap3A_165, %swap3A_166], %swap3A_169 {strides = array<i32>} : memref<8x128xi32, #tpu.memory_space<vmem>>, vector<1x16xi32>,
    %get3A_170 = arith.constant 112 : index
    %get3A_171 = tpu.vector_load %arg7[%get3A_170] {strides = array<i32>} : memref<1024xi32, #tpu.memory_space<vmem>>, vector<16xi32>,
    %get3A_172 = vector.shape_cast %get3A_171 : vector<16xi32> to vector<16xi32>
    %get3A_173 = arith.constant 112 : index
    %get3A_174 = tpu.vector_load %arg8[%get3A_173] {strides = array<i32>} : memref<1024xi32, #tpu.memory_space<vmem>>, vector<16xi32>,
    %get3A_175 = vector.shape_cast %get3A_174 : vector<16xi32> to vector<16xi32>
    %mul3A_176 = arith.constant 4096 : i32
    %mul3A_177 = vector.broadcast %mul3A_176 : i32 to vector<16xi32>
    %mul3A_178 = arith.muli %get3A_172, %mul3A_177 : vector<16xi32>
    %add3A_179 = arith.constant 4095 : i32
    %add3A_180 = vector.broadcast %add3A_179 : i32 to vector<16xi32>
    %add3A_181 = arith.addi %get3A_175, %add3A_180 : vector<16xi32>
    %and3A_182 = arith.constant 4095 : i32
    %and3A_183 = vector.broadcast %and3A_182 : i32 to vector<16xi32>
    %and3A_184 = arith.andi %add3A_181, %and3A_183 : vector<16xi32>
    %add3A_185 = arith.addi %mul3A_178, %and3A_184 : vector<16xi32>
    %swap3A_186 = arith.constant 0 : i32
    %swap3A_187 = arith.index_cast %swap3A_186 : i32 to index
    %swap3A_188 = arith.constant 112 : index
    %swap3A_189 = tpu.vector_load %arg11[%swap3A_187, %swap3A_188] {strides = array<i32>} : memref<8x128xi32, #tpu.memory_space<vmem>>, vector<1x16xi32>,
    %swap3A_190 = vector.shape_cast %swap3A_189 : vector<1x16xi32> to vector<16xi32>
    %swap3A_191 = vector.shape_cast %add3A_185 : vector<16xi32> to vector<1x16xi32>
    tpu.vector_store %arg11[%swap3A_187, %swap3A_188], %swap3A_191 {strides = array<i32>} : memref<8x128xi32, #tpu.memory_space<vmem>>, vector<1x16xi32>,
    %dma_start3A_192 = arith.constant 0 : i32
    %dma_start3A_193 = arith.constant 0 : i32
    %dma_start3A_194 = tpu.memref_slice %arg10[%dma_start3A_193] : memref<1024xi32, #tpu.memory_space<vmem>> -> memref<128xi32, #tpu.memory_space<vmem>>
    %dma_start3A_195 = arith.constant 0 : i32
    %dma_start3A_196 = tpu.memref_slice %arg11[%dma_start3A_192, %dma_start3A_195] : memref<8x128xi32, #tpu.memory_space<vmem>> -> memref<1x128xi32, #tpu.memory_space<vmem>>
    %dma_start3A_197 = tpu.memref_squeeze %dma_start3A_196 : memref<1x128xi32, #tpu.memory_space<vmem>> -> memref<128xi32, #tpu.memory_space<vmem>>
    %dma_start3A_198 = arith.constant 0 : i32
    %dma_start3A_199 = tpu.memref_slice %arg3[%dma_start3A_198] : memref<65536xi32, #tpu.memory_space<hbm>> -> memref<65536xi32, #tpu.memory_space<hbm>>
    tpu.enqueue_indirect_dma source(%dma_start3A_199 : memref<65536xi32, #tpu.memory_space<hbm>>) target(%dma_start3A_194 : memref<128xi32, #tpu.memory_space<vmem>>) offsets(%dma_start3A_197 : memref<128xi32, #tpu.memory_space<vmem>>) semaphore(%arg15 : memref<!tpu.dma_semaphore, #tpu.memory_space<semaphore_mem>>)
    %get3A_200 = arith.constant 128 : index
    %get3A_201 = tpu.vector_load %arg7[%get3A_200] {strides = array<i32>} : memref<1024xi32, #tpu.memory_space<vmem>>, vector<16xi32>,
    %get3A_202 = vector.shape_cast %get3A_201 : vector<16xi32> to vector<16xi32>
    %get3A_203 = arith.constant 128 : index
    %get3A_204 = tpu.vector_load %arg8[%get3A_203] {strides = array<i32>} : memref<1024xi32, #tpu.memory_space<vmem>>, vector<16xi32>,
    %get3A_205 = vector.shape_cast %get3A_204 : vector<16xi32> to vector<16xi32>
    %mul3A_206 = arith.constant 4096 : i32
    %mul3A_207 = vector.broadcast %mul3A_206 : i32 to vector<16xi32>
    %mul3A_208 = arith.muli %get3A_202, %mul3A_207 : vector<16xi32>
    %add3A_209 = arith.constant 4095 : i32
    %add3A_210 = vector.broadcast %add3A_209 : i32 to vector<16xi32>
    %add3A_211 = arith.addi %get3A_205, %add3A_210 : vector<16xi32>
    %and3A_212 = arith.constant 4095 : i32
    %and3A_213 = vector.broadcast %and3A_212 : i32 to vector<16xi32>
    %and3A_214 = arith.andi %add3A_211, %and3A_213 : vector<16xi32>
    %add3A_215 = arith.addi %mul3A_208, %and3A_214 : vector<16xi32>
    %swap3A_216 = arith.constant 1 : i32
    %swap3A_217 = arith.index_cast %swap3A_216 : i32 to index
    %swap3A_218 = arith.constant 0 : index
    %swap3A_219 = tpu.vector_load %arg11[%swap3A_217, %swap3A_218] {strides = array<i32>} : memref<8x128xi32, #tpu.memory_space<vmem>>, vector<1x16xi32>,
    %swap3A_220 = vector.shape_cast %swap3A_219 : vector<1x16xi32> to vector<16xi32>
    %swap3A_221 = vector.shape_cast %add3A_215 : vector<16xi32> to vector<1x16xi32>
    tpu.vector_store %arg11[%swap3A_217, %swap3A_218], %swap3A_221 {strides = array<i32>} : memref<8x128xi32, #tpu.memory_space<vmem>>, vector<1x16xi32>,
    %get3A_222 = arith.constant 144 : index
    %get3A_223 = tpu.vector_load %arg7[%get3A_222] {strides = array<i32>} : memref<1024xi32, #tpu.memory_space<vmem>>, vector<16xi32>,
    %get3A_224 = vector.shape_cast %get3A_223 : vector<16xi32> to vector<16xi32>
    %get3A_225 = arith.constant 144 : index
    %get3A_226 = tpu.vector_load %arg8[%get3A_225] {strides = array<i32>} : memref<1024xi32, #tpu.memory_space<vmem>>, vector<16xi32>,
    %get3A_227 = vector.shape_cast %get3A_226 : vector<16xi32> to vector<16xi32>
    %mul3A_228 = arith.constant 4096 : i32
    %mul3A_229 = vector.broadcast %mul3A_228 : i32 to vector<16xi32>
    %mul3A_230 = arith.muli %get3A_224, %mul3A_229 : vector<16xi32>
    %add3A_231 = arith.constant 4095 : i32
    %add3A_232 = vector.broadcast %add3A_231 : i32 to vector<16xi32>
    %add3A_233 = arith.addi %get3A_227, %add3A_232 : vector<16xi32>
    %and3A_234 = arith.constant 4095 : i32
    %and3A_235 = vector.broadcast %and3A_234 : i32 to vector<16xi32>
    %and3A_236 = arith.andi %add3A_233, %and3A_235 : vector<16xi32>
    %add3A_237 = arith.addi %mul3A_230, %and3A_236 : vector<16xi32>
    %swap3A_238 = arith.constant 1 : i32
    %swap3A_239 = arith.index_cast %swap3A_238 : i32 to index
    %swap3A_240 = arith.constant 16 : index
    %swap3A_241 = tpu.vector_load %arg11[%swap3A_239, %swap3A_240] {strides = array<i32>} : memref<8x128xi32, #tpu.memory_space<vmem>>, vector<1x16xi32>,
    %swap3A_242 = vector.shape_cast %swap3A_241 : vector<1x16xi32> to vector<16xi32>
    %swap3A_243 = vector.shape_cast %add3A_237 : vector<16xi32> to vector<1x16xi32>
    tpu.vector_store %arg11[%swap3A_239, %swap3A_240], %swap3A_243 {strides = array<i32>} : memref<8x128xi32, #tpu.memory_space<vmem>>, vector<1x16xi32>,
    %get3A_244 = arith.constant 160 : index
    %get3A_245 = tpu.vector_load %arg7[%get3A_244] {strides = array<i32>} : memref<1024xi32, #tpu.memory_space<vmem>>, vector<16xi32>,
    %get3A_246 = vector.shape_cast %get3A_245 : vector<16xi32> to vector<16xi32>
    %get3A_247 = arith.constant 160 : index
    %get3A_248 = tpu.vector_load %arg8[%get3A_247] {strides = array<i32>} : memref<1024xi32, #tpu.memory_space<vmem>>, vector<16xi32>,
    %get3A_249 = vector.shape_cast %get3A_248 : vector<16xi32> to vector<16xi32>
    %mul3A_250 = arith.constant 4096 : i32
    %mul3A_251 = vector.broadcast %mul3A_250 : i32 to vector<16xi32>
    %mul3A_252 = arith.muli %get3A_246, %mul3A_251 : vector<16xi32>
    %add3A_253 = arith.constant 4095 : i32
    %add3A_254 = vector.broadcast %add3A_253 : i32 to vector<16xi32>
    %add3A_255 = arith.addi %get3A_249, %add3A_254 : vector<16xi32>
    %and3A_256 = arith.constant 4095 : i32
    %and3A_257 = vector.broadcast %and3A_256 : i32 to vector<16xi32>
    %and3A_258 = arith.andi %add3A_255, %and3A_257 : vector<16xi32>
    %add3A_259 = arith.addi %mul3A_252, %and3A_258 : vector<16xi32>
    %swap3A_260 = arith.constant 1 : i32
    %swap3A_261 = arith.index_cast %swap3A_260 : i32 to index
    %swap3A_262 = arith.constant 32 : index
    %swap3A_263 = tpu.vector_load %arg11[%swap3A_261, %swap3A_262] {strides = array<i32>} : memref<8x128xi32, #tpu.memory_space<vmem>>, vector<1x16xi32>,
    %swap3A_264 = vector.shape_cast %swap3A_263 : vector<1x16xi32> to vector<16xi32>
    %swap3A_265 = vector.shape_cast %add3A_259 : vector<16xi32> to vector<1x16xi32>
    tpu.vector_store %arg11[%swap3A_261, %swap3A_262], %swap3A_265 {strides = array<i32>} : memref<8x128xi32, #tpu.memory_space<vmem>>, vector<1x16xi32>,
    %get3A_266 = arith.constant 176 : index
    %get3A_267 = tpu.vector_load %arg7[%get3A_266] {strides = array<i32>} : memref<1024xi32, #tpu.memory_space<vmem>>, vector<16xi32>,
    %get3A_268 = vector.shape_cast %get3A_267 : vector<16xi32> to vector<16xi32>
    %get3A_269 = arith.constant 176 : index
    %get3A_270 = tpu.vector_load %arg8[%get3A_269] {strides = array<i32>} : memref<1024xi32, #tpu.memory_space<vmem>>, vector<16xi32>,
    %get3A_271 = vector.shape_cast %get3A_270 : vector<16xi32> to vector<16xi32>
    %mul3A_272 = arith.constant 4096 : i32
    %mul3A_273 = vector.broadcast %mul3A_272 : i32 to vector<16xi32>
    %mul3A_274 = arith.muli %get3A_268, %mul3A_273 : vector<16xi32>
    %add3A_275 = arith.constant 4095 : i32
    %add3A_276 = vector.broadcast %add3A_275 : i32 to vector<16xi32>
    %add3A_277 = arith.addi %get3A_271, %add3A_276 : vector<16xi32>
    %and3A_278 = arith.constant 4095 : i32
    %and3A_279 = vector.broadcast %and3A_278 : i32 to vector<16xi32>
    %and3A_280 = arith.andi %add3A_277, %and3A_279 : vector<16xi32>
    %add3A_281 = arith.addi %mul3A_274, %and3A_280 : vector<16xi32>
    %swap3A_282 = arith.constant 1 : i32
    %swap3A_283 = arith.index_cast %swap3A_282 : i32 to index
    %swap3A_284 = arith.constant 48 : index
    %swap3A_285 = tpu.vector_load %arg11[%swap3A_283, %swap3A_284] {strides = array<i32>} : memref<8x128xi32, #tpu.memory_space<vmem>>, vector<1x16xi32>,
    %swap3A_286 = vector.shape_cast %swap3A_285 : vector<1x16xi32> to vector<16xi32>
    %swap3A_287 = vector.shape_cast %add3A_281 : vector<16xi32> to vector<1x16xi32>
    tpu.vector_store %arg11[%swap3A_283, %swap3A_284], %swap3A_287 {strides = array<i32>} : memref<8x128xi32, #tpu.memory_space<vmem>>, vector<1x16xi32>,
    %get3A_288 = arith.constant 192 : index
    %get3A_289 = tpu.vector_load %arg7[%get3A_288] {strides = array<i32>} : memref<1024xi32, #tpu.memory_space<vmem>>, vector<16xi32>,
    %get3A_290 = vector.shape_cast %get3A_289 : vector<16xi32> to vector<16xi32>
    %get3A_291 = arith.constant 192 : index
    %get3A_292 = tpu.vector_load %arg8[%get3A_291] {strides = array<i32>} : memref<1024xi32, #tpu.memory_space<vmem>>, vector<16xi32>,
    %get3A_293 = vector.shape_cast %get3A_292 : vector<16xi32> to vector<16xi32>
    %mul3A_294 = arith.constant 4096 : i32
    %mul3A_295 = vector.broadcast %mul3A_294 : i32 to vector<16xi32>
    %mul3A_296 = arith.muli %get3A_290, %mul3A_295 : vector<16xi32>
    %add3A_297 = arith.constant 4095 : i32
    %add3A_298 = vector.broadcast %add3A_297 : i32 to vector<16xi32>
    %add3A_299 = arith.addi %get3A_293, %add3A_298 : vector<16xi32>
    %and3A_300 = arith.constant 4095 : i32
    %and3A_301 = vector.broadcast %and3A_300 : i32 to vector<16xi32>
    %and3A_302 = arith.andi %add3A_299, %and3A_301 : vector<16xi32>
    %add3A_303 = arith.addi %mul3A_296, %and3A_302 : vector<16xi32>
    %swap3A_304 = arith.constant 1 : i32
    %swap3A_305 = arith.index_cast %swap3A_304 : i32 to index
    %swap3A_306 = arith.constant 64 : index
    %swap3A_307 = tpu.vector_load %arg11[%swap3A_305, %swap3A_306] {strides = array<i32>} : memref<8x128xi32, #tpu.memory_space<vmem>>, vector<1x16xi32>,
    %swap3A_308 = vector.shape_cast %swap3A_307 : vector<1x16xi32> to vector<16xi32>
    %swap3A_309 = vector.shape_cast %add3A_303 : vector<16xi32> to vector<1x16xi32>
    tpu.vector_store %arg11[%swap3A_305, %swap3A_306], %swap3A_309 {strides = array<i32>} : memref<8x128xi32, #tpu.memory_space<vmem>>, vector<1x16xi32>,
    %get3A_310 = arith.constant 208 : index
    %get3A_311 = tpu.vector_load %arg7[%get3A_310] {strides = array<i32>} : memref<1024xi32, #tpu.memory_space<vmem>>, vector<16xi32>,
    %get3A_312 = vector.shape_cast %get3A_311 : vector<16xi32> to vector<16xi32>
    %get3A_313 = arith.constant 208 : index
    %get3A_314 = tpu.vector_load %arg8[%get3A_313] {strides = array<i32>} : memref<1024xi32, #tpu.memory_space<vmem>>, vector<16xi32>,
    %get3A_315 = vector.shape_cast %get3A_314 : vector<16xi32> to vector<16xi32>
    %mul3A_316 = arith.constant 4096 : i32
    %mul3A_317 = vector.broadcast %mul3A_316 : i32 to vector<16xi32>
    %mul3A_318 = arith.muli %get3A_312, %mul3A_317 : vector<16xi32>
    %add3A_319 = arith.constant 4095 : i32
    %add3A_320 = vector.broadcast %add3A_319 : i32 to vector<16xi32>
    %add3A_321 = arith.addi %get3A_315, %add3A_320 : vector<16xi32>
    %and3A_322 = arith.constant 4095 : i32
    %and3A_323 = vector.broadcast %and3A_322 : i32 to vector<16xi32>
    %and3A_324 = arith.andi %add3A_321, %and3A_323 : vector<16xi32>
    %add3A_325 = arith.addi %mul3A_318, %and3A_324 : vector<16xi32>
    %swap3A_326 = arith.constant 1 : i32
    %swap3A_327 = arith.index_cast %swap3A_326 : i32 to index
    %swap3A_328 = arith.constant 80 : index
    %swap3A_329 = tpu.vector_load %arg11[%swap3A_327, %swap3A_328] {strides = array<i32>} : memref<8x128xi32, #tpu.memory_space<vmem>>, vector<1x16xi32>,
    %swap3A_330 = vector.shape_cast %swap3A_329 : vector<1x16xi32> to vector<16xi32>
    %swap3A_331 = vector.shape_cast %add3A_325 : vector<16xi32> to vector<1x16xi32>
    tpu.vector_store %arg11[%swap3A_327, %swap3A_328], %swap3A_331 {strides = array<i32>} : memref<8x128xi32, #tpu.memory_space<vmem>>, vector<1x16xi32>,
    %get3A_332 = arith.constant 224 : index
    %get3A_333 = tpu.vector_load %arg7[%get3A_332] {strides = array<i32>} : memref<1024xi32, #tpu.memory_space<vmem>>, vector<16xi32>,
    %get3A_334 = vector.shape_cast %get3A_333 : vector<16xi32> to vector<16xi32>
    %get3A_335 = arith.constant 224 : index
    %get3A_336 = tpu.vector_load %arg8[%get3A_335] {strides = array<i32>} : memref<1024xi32, #tpu.memory_space<vmem>>, vector<16xi32>,
    %get3A_337 = vector.shape_cast %get3A_336 : vector<16xi32> to vector<16xi32>
    %mul3A_338 = arith.constant 4096 : i32
    %mul3A_339 = vector.broadcast %mul3A_338 : i32 to vector<16xi32>
    %mul3A_340 = arith.muli %get3A_334, %mul3A_339 : vector<16xi32>
    %add3A_341 = arith.constant 4095 : i32
    %add3A_342 = vector.broadcast %add3A_341 : i32 to vector<16xi32>
    %add3A_343 = arith.addi %get3A_337, %add3A_342 : vector<16xi32>
    %and3A_344 = arith.constant 4095 : i32
    %and3A_345 = vector.broadcast %and3A_344 : i32 to vector<16xi32>
    %and3A_346 = arith.andi %add3A_343, %and3A_345 : vector<16xi32>
    %add3A_347 = arith.addi %mul3A_340, %and3A_346 : vector<16xi32>
    %swap3A_348 = arith.constant 1 : i32
    %swap3A_349 = arith.index_cast %swap3A_348 : i32 to index
    %swap3A_350 = arith.constant 96 : index
    %swap3A_351 = tpu.vector_load %arg11[%swap3A_349, %swap3A_350] {strides = array<i32>} : memref<8x128xi32, #tpu.memory_space<vmem>>, vector<1x16xi32>,
    %swap3A_352 = vector.shape_cast %swap3A_351 : vector<1x16xi32> to vector<16xi32>
    %swap3A_353 = vector.shape_cast %add3A_347 : vector<16xi32> to vector<1x16xi32>
    tpu.vector_store %arg11[%swap3A_349, %swap3A_350], %swap3A_353 {strides = array<i32>} : memref<8x128xi32, #tpu.memory_space<vmem>>, vector<1x16xi32>,
    %get3A_354 = arith.constant 240 : index
    %get3A_355 = tpu.vector_load %arg7[%get3A_354] {strides = array<i32>} : memref<1024xi32, #tpu.memory_space<vmem>>, vector<16xi32>,
    %get3A_356 = vector.shape_cast %get3A_355 : vector<16xi32> to vector<16xi32>
    %get3A_357 = arith.constant 240 : index
    %get3A_358 = tpu.vector_load %arg8[%get3A_357] {strides = array<i32>} : memref<1024xi32, #tpu.memory_space<vmem>>, vector<16xi32>,
    %get3A_359 = vector.shape_cast %get3A_358 : vector<16xi32> to vector<16xi32>
    %mul3A_360 = arith.constant 4096 : i32
    %mul3A_361 = vector.broadcast %mul3A_360 : i32 to vector<16xi32>
    %mul3A_362 = arith.muli %get3A_356, %mul3A_361 : vector<16xi32>
    %add3A_363 = arith.constant 4095 : i32
    %add3A_364 = vector.broadcast %add3A_363 : i32 to vector<16xi32>
    %add3A_365 = arith.addi %get3A_359, %add3A_364 : vector<16xi32>
    %and3A_366 = arith.constant 4095 : i32
    %and3A_367 = vector.broadcast %and3A_366 : i32 to vector<16xi32>
    %and3A_368 = arith.andi %add3A_365, %and3A_367 : vector<16xi32>
    %add3A_369 = arith.addi %mul3A_362, %and3A_368 : vector<16xi32>
    %swap3A_370 = arith.constant 1 : i32
    %swap3A_371 = arith.index_cast %swap3A_370 : i32 to index
    %swap3A_372 = arith.constant 112 : index
    %swap3A_373 = tpu.vector_load %arg11[%swap3A_371, %swap3A_372] {strides = array<i32>} : memref<8x128xi32, #tpu.memory_space<vmem>>, vector<1x16xi32>,
    %swap3A_374 = vector.shape_cast %swap3A_373 : vector<1x16xi32> to vector<16xi32>
    %swap3A_375 = vector.shape_cast %add3A_369 : vector<16xi32> to vector<1x16xi32>
    tpu.vector_store %arg11[%swap3A_371, %swap3A_372], %swap3A_375 {strides = array<i32>} : memref<8x128xi32, #tpu.memory_space<vmem>>, vector<1x16xi32>,
    %dma_start3A_376 = arith.constant 1 : i32
    %dma_start3A_377 = arith.constant 128 : i32
    %dma_start3A_378 = tpu.memref_slice %arg10[%dma_start3A_377] : memref<1024xi32, #tpu.memory_space<vmem>> -> memref<128xi32, #tpu.memory_space<vmem>>
    %dma_start3A_379 = arith.constant 0 : i32
    %dma_start3A_380 = tpu.memref_slice %arg11[%dma_start3A_376, %dma_start3A_379] : memref<8x128xi32, #tpu.memory_space<vmem>> -> memref<1x128xi32, #tpu.memory_space<vmem>>
    %dma_start3A_381 = tpu.memref_squeeze %dma_start3A_380 : memref<1x128xi32, #tpu.memory_space<vmem>> -> memref<128xi32, #tpu.memory_space<vmem>>
    %dma_start3A_382 = arith.constant 0 : i32
    %dma_start3A_383 = tpu.memref_slice %arg3[%dma_start3A_382] : memref<65536xi32, #tpu.memory_space<hbm>> -> memref<65536xi32, #tpu.memory_space<hbm>>
    tpu.enqueue_indirect_dma source(%dma_start3A_383 : memref<65536xi32, #tpu.memory_space<hbm>>) target(%dma_start3A_378 : memref<128xi32, #tpu.memory_space<vmem>>) offsets(%dma_start3A_381 : memref<128xi32, #tpu.memory_space<vmem>>) semaphore(%arg15 : memref<!tpu.dma_semaphore, #tpu.memory_space<semaphore_mem>>)
    %get3A_384 = arith.constant 256 : index
    %get3A_385 = tpu.vector_load %arg7[%get3A_384] {strides = array<i32>} : memref<1024xi32, #tpu.memory_space<vmem>>, vector<16xi32>,
    %get3A_386 = vector.shape_cast %get3A_385 : vector<16xi32> to vector<16xi32>
    %get3A_387 = arith.constant 256 : index
    %get3A_388 = tpu.vector_load %arg8[%get3A_387] {strides = array<i32>} : memref<1024xi32, #tpu.memory_space<vmem>>, vector<16xi32>,
    %get3A_389 = vector.shape_cast %get3A_388 : vector<16xi32> to vector<16xi32>
    %mul3A_390 = arith.constant 4096 : i32
    %mul3A_391 = vector.broadcast %mul3A_390 : i32 to vector<16xi32>
    %mul3A_392 = arith.muli %get3A_386, %mul3A_391 : vector<16xi32>
    %add3A_393 = arith.constant 4095 : i32
    %add3A_394 = vector.broadcast %add3A_393 : i32 to vector<16xi32>
    %add3A_395 = arith.addi %get3A_389, %add3A_394 : vector<16xi32>
    %and3A_396 = arith.constant 4095 : i32
    %and3A_397 = vector.broadcast %and3A_396 : i32 to vector<16xi32>
    %and3A_398 = arith.andi %add3A_395, %and3A_397 : vector<16xi32>
    %add3A_399 = arith.addi %mul3A_392, %and3A_398 : vector<16xi32>
    %swap3A_400 = arith.constant 2 : i32
    %swap3A_401 = arith.index_cast %swap3A_400 : i32 to index
    %swap3A_402 = arith.constant 0 : index
    %swap3A_403 = tpu.vector_load %arg11[%swap3A_401, %swap3A_402] {strides = array<i32>} : memref<8x128xi32, #tpu.memory_space<vmem>>, vector<1x16xi32>,
    %swap3A_404 = vector.shape_cast %swap3A_403 : vector<1x16xi32> to vector<16xi32>
    %swap3A_405 = vector.shape_cast %add3A_399 : vector<16xi32> to vector<1x16xi32>
    tpu.vector_store %arg11[%swap3A_401, %swap3A_402], %swap3A_405 {strides = array<i32>} : memref<8x128xi32, #tpu.memory_space<vmem>>, vector<1x16xi32>,
    %get3A_406 = arith.constant 272 : index
    %get3A_407 = tpu.vector_load %arg7[%get3A_406] {strides = array<i32>} : memref<1024xi32, #tpu.memory_space<vmem>>, vector<16xi32>,
    %get3A_408 = vector.shape_cast %get3A_407 : vector<16xi32> to vector<16xi32>
    %get3A_409 = arith.constant 272 : index
    %get3A_410 = tpu.vector_load %arg8[%get3A_409] {strides = array<i32>} : memref<1024xi32, #tpu.memory_space<vmem>>, vector<16xi32>,
    %get3A_411 = vector.shape_cast %get3A_410 : vector<16xi32> to vector<16xi32>
    %mul3A_412 = arith.constant 4096 : i32
    %mul3A_413 = vector.broadcast %mul3A_412 : i32 to vector<16xi32>
    %mul3A_414 = arith.muli %get3A_408, %mul3A_413 : vector<16xi32>
    %add3A_415 = arith.constant 4095 : i32
    %add3A_416 = vector.broadcast %add3A_415 : i32 to vector<16xi32>
    %add3A_417 = arith.addi %get3A_411, %add3A_416 : vector<16xi32>
    %and3A_418 = arith.constant 4095 : i32
    %and3A_419 = vector.broadcast %and3A_418 : i32 to vector<16xi32>
    %and3A_420 = arith.andi %add3A_417, %and3A_419 : vector<16xi32>
    %add3A_421 = arith.addi %mul3A_414, %and3A_420 : vector<16xi32>
    %swap3A_422 = arith.constant 2 : i32
    %swap3A_423 = arith.index_cast %swap3A_422 : i32 to index
    %swap3A_424 = arith.constant 16 : index
    %swap3A_425 = tpu.vector_load %arg11[%swap3A_423, %swap3A_424] {strides = array<i32>} : memref<8x128xi32, #tpu.memory_space<vmem>>, vector<1x16xi32>,
    %swap3A_426 = vector.shape_cast %swap3A_425 : vector<1x16xi32> to vector<16xi32>
    %swap3A_427 = vector.shape_cast %add3A_421 : vector<16xi32> to vector<1x16xi32>
    tpu.vector_store %arg11[%swap3A_423, %swap3A_424], %swap3A_427 {strides = array<i32>} : memref<8x128xi32, #tpu.memory_space<vmem>>, vector<1x16xi32>,
    %get3A_428 = arith.constant 288 : index
    %get3A_429 = tpu.vector_load %arg7[%get3A_428] {strides = array<i32>} : memref<1024xi32, #tpu.memory_space<vmem>>, vector<16xi32>,
    %get3A_430 = vector.shape_cast %get3A_429 : vector<16xi32> to vector<16xi32>
    %get3A_431 = arith.constant 288 : index
    %get3A_432 = tpu.vector_load %arg8[%get3A_431] {strides = array<i32>} : memref<1024xi32, #tpu.memory_space<vmem>>, vector<16xi32>,
    %get3A_433 = vector.shape_cast %get3A_432 : vector<16xi32> to vector<16xi32>
    %mul3A_434 = arith.constant 4096 : i32
    %mul3A_435 = vector.broadcast %mul3A_434 : i32 to vector<16xi32>
    %mul3A_436 = arith.muli %get3A_430, %mul3A_435 : vector<16xi32>
    %add3A_437 = arith.constant 4095 : i32
    %add3A_438 = vector.broadcast %add3A_437 : i32 to vector<16xi32>
    %add3A_439 = arith.addi %get3A_433, %add3A_438 : vector<16xi32>
    %and3A_440 = arith.constant 4095 : i32
    %and3A_441 = vector.broadcast %and3A_440 : i32 to vector<16xi32>
    %and3A_442 = arith.andi %add3A_439, %and3A_441 : vector<16xi32>
    %add3A_443 = arith.addi %mul3A_436, %and3A_442 : vector<16xi32>
    %swap3A_444 = arith.constant 2 : i32
    %swap3A_445 = arith.index_cast %swap3A_444 : i32 to index
    %swap3A_446 = arith.constant 32 : index
    %swap3A_447 = tpu.vector_load %arg11[%swap3A_445, %swap3A_446] {strides = array<i32>} : memref<8x128xi32, #tpu.memory_space<vmem>>, vector<1x16xi32>,
    %swap3A_448 = vector.shape_cast %swap3A_447 : vector<1x16xi32> to vector<16xi32>
    %swap3A_449 = vector.shape_cast %add3A_443 : vector<16xi32> to vector<1x16xi32>
    tpu.vector_store %arg11[%swap3A_445, %swap3A_446], %swap3A_449 {strides = array<i32>} : memref<8x128xi32, #tpu.memory_space<vmem>>, vector<1x16xi32>,
    %get3A_450 = arith.constant 304 : index
    %get3A_451 = tpu.vector_load %arg7[%get3A_450] {strides = array<i32>} : memref<1024xi32, #tpu.memory_space<vmem>>, vector<16xi32>,
    %get3A_452 = vector.shape_cast %get3A_451 : vector<16xi32> to vector<16xi32>
    %get3A_453 = arith.constant 304 : index
    %get3A_454 = tpu.vector_load %arg8[%get3A_453] {strides = array<i32>} : memref<1024xi32, #tpu.memory_space<vmem>>, vector<16xi32>,
    %get3A_455 = vector.shape_cast %get3A_454 : vector<16xi32> to vector<16xi32>
    %mul3A_456 = arith.constant 4096 : i32
    %mul3A_457 = vector.broadcast %mul3A_456 : i32 to vector<16xi32>
    %mul3A_458 = arith.muli %get3A_452, %mul3A_457 : vector<16xi32>
    %add3A_459 = arith.constant 4095 : i32
    %add3A_460 = vector.broadcast %add3A_459 : i32 to vector<16xi32>
    %add3A_461 = arith.addi %get3A_455, %add3A_460 : vector<16xi32>
    %and3A_462 = arith.constant 4095 : i32
    %and3A_463 = vector.broadcast %and3A_462 : i32 to vector<16xi32>
    %and3A_464 = arith.andi %add3A_461, %and3A_463 : vector<16xi32>
    %add3A_465 = arith.addi %mul3A_458, %and3A_464 : vector<16xi32>
    %swap3A_466 = arith.constant 2 : i32
    %swap3A_467 = arith.index_cast %swap3A_466 : i32 to index
    %swap3A_468 = arith.constant 48 : index
    %swap3A_469 = tpu.vector_load %arg11[%swap3A_467, %swap3A_468] {strides = array<i32>} : memref<8x128xi32, #tpu.memory_space<vmem>>, vector<1x16xi32>,
    %swap3A_470 = vector.shape_cast %swap3A_469 : vector<1x16xi32> to vector<16xi32>
    %swap3A_471 = vector.shape_cast %add3A_465 : vector<16xi32> to vector<1x16xi32>
    tpu.vector_store %arg11[%swap3A_467, %swap3A_468], %swap3A_471 {strides = array<i32>} : memref<8x128xi32, #tpu.memory_space<vmem>>, vector<1x16xi32>,
    %get3A_472 = arith.constant 320 : index
    %get3A_473 = tpu.vector_load %arg7[%get3A_472] {strides = array<i32>} : memref<1024xi32, #tpu.memory_space<vmem>>, vector<16xi32>,
    %get3A_474 = vector.shape_cast %get3A_473 : vector<16xi32> to vector<16xi32>
    %get3A_475 = arith.constant 320 : index
    %get3A_476 = tpu.vector_load %arg8[%get3A_475] {strides = array<i32>} : memref<1024xi32, #tpu.memory_space<vmem>>, vector<16xi32>,
    %get3A_477 = vector.shape_cast %get3A_476 : vector<16xi32> to vector<16xi32>
    %mul3A_478 = arith.constant 4096 : i32
    %mul3A_479 = vector.broadcast %mul3A_478 : i32 to vector<16xi32>
    %mul3A_480 = arith.muli %get3A_474, %mul3A_479 : vector<16xi32>
    %add3A_481 = arith.constant 4095 : i32
    %add3A_482 = vector.broadcast %add3A_481 : i32 to vector<16xi32>
    %add3A_483 = arith.addi %get3A_477, %add3A_482 : vector<16xi32>
    %and3A_484 = arith.constant 4095 : i32
    %and3A_485 = vector.broadcast %and3A_484 : i32 to vector<16xi32>
    %and3A_486 = arith.andi %add3A_483, %and3A_485 : vector<16xi32>
    %add3A_487 = arith.addi %mul3A_480, %and3A_486 : vector<16xi32>
    %swap3A_488 = arith.constant 2 : i32
    %swap3A_489 = arith.index_cast %swap3A_488 : i32 to index
    %swap3A_490 = arith.constant 64 : index
    %swap3A_491 = tpu.vector_load %arg11[%swap3A_489, %swap3A_490] {strides = array<i32>} : memref<8x128xi32, #tpu.memory_space<vmem>>, vector<1x16xi32>,
    %swap3A_492 = vector.shape_cast %swap3A_491 : vector<1x16xi32> to vector<16xi32>
    %swap3A_493 = vector.shape_cast %add3A_487 : vector<16xi32> to vector<1x16xi32>
    tpu.vector_store %arg11[%swap3A_489, %swap3A_490], %swap3A_493 {strides = array<i32>} : memref<8x128xi32, #tpu.memory_space<vmem>>, vector<1x16xi32>,
    %get3A_494 = arith.constant 336 : index
    %get3A_495 = tpu.vector_load %arg7[%get3A_494] {strides = array<i32>} : memref<1024xi32, #tpu.memory_space<vmem>>, vector<16xi32>,
    %get3A_496 = vector.shape_cast %get3A_495 : vector<16xi32> to vector<16xi32>
    %get3A_497 = arith.constant 336 : index
    %get3A_498 = tpu.vector_load %arg8[%get3A_497] {strides = array<i32>} : memref<1024xi32, #tpu.memory_space<vmem>>, vector<16xi32>,
    %get3A_499 = vector.shape_cast %get3A_498 : vector<16xi32> to vector<16xi32>
    %mul3A_500 = arith.constant 4096 : i32
    %mul3A_501 = vector.broadcast %mul3A_500 : i32 to vector<16xi32>
    %mul3A_502 = arith.muli %get3A_496, %mul3A_501 : vector<16xi32>
    %add3A_503 = arith.constant 4095 : i32
    %add3A_504 = vector.broadcast %add3A_503 : i32 to vector<16xi32>
    %add3A_505 = arith.addi %get3A_499, %add3A_504 : vector<16xi32>
    %and3A_506 = arith.constant 4095 : i32
    %and3A_507 = vector.broadcast %and3A_506 : i32 to vector<16xi32>
    %and3A_508 = arith.andi %add3A_505, %and3A_507 : vector<16xi32>
    %add3A_509 = arith.addi %mul3A_502, %and3A_508 : vector<16xi32>
    %swap3A_510 = arith.constant 2 : i32
    %swap3A_511 = arith.index_cast %swap3A_510 : i32 to index
    %swap3A_512 = arith.constant 80 : index
    %swap3A_513 = tpu.vector_load %arg11[%swap3A_511, %swap3A_512] {strides = array<i32>} : memref<8x128xi32, #tpu.memory_space<vmem>>, vector<1x16xi32>,
    %swap3A_514 = vector.shape_cast %swap3A_513 : vector<1x16xi32> to vector<16xi32>
    %swap3A_515 = vector.shape_cast %add3A_509 : vector<16xi32> to vector<1x16xi32>
    tpu.vector_store %arg11[%swap3A_511, %swap3A_512], %swap3A_515 {strides = array<i32>} : memref<8x128xi32, #tpu.memory_space<vmem>>, vector<1x16xi32>,
    %get3A_516 = arith.constant 352 : index
    %get3A_517 = tpu.vector_load %arg7[%get3A_516] {strides = array<i32>} : memref<1024xi32, #tpu.memory_space<vmem>>, vector<16xi32>,
    %get3A_518 = vector.shape_cast %get3A_517 : vector<16xi32> to vector<16xi32>
    %get3A_519 = arith.constant 352 : index
    %get3A_520 = tpu.vector_load %arg8[%get3A_519] {strides = array<i32>} : memref<1024xi32, #tpu.memory_space<vmem>>, vector<16xi32>,
    %get3A_521 = vector.shape_cast %get3A_520 : vector<16xi32> to vector<16xi32>
    %mul3A_522 = arith.constant 4096 : i32
    %mul3A_523 = vector.broadcast %mul3A_522 : i32 to vector<16xi32>
    %mul3A_524 = arith.muli %get3A_518, %mul3A_523 : vector<16xi32>
    %add3A_525 = arith.constant 4095 : i32
    %add3A_526 = vector.broadcast %add3A_525 : i32 to vector<16xi32>
    %add3A_527 = arith.addi %get3A_521, %add3A_526 : vector<16xi32>
    %and3A_528 = arith.constant 4095 : i32
    %and3A_529 = vector.broadcast %and3A_528 : i32 to vector<16xi32>
    %and3A_530 = arith.andi %add3A_527, %and3A_529 : vector<16xi32>
    %add3A_531 = arith.addi %mul3A_524, %and3A_530 : vector<16xi32>
    %swap3A_532 = arith.constant 2 : i32
    %swap3A_533 = arith.index_cast %swap3A_532 : i32 to index
    %swap3A_534 = arith.constant 96 : index
    %swap3A_535 = tpu.vector_load %arg11[%swap3A_533, %swap3A_534] {strides = array<i32>} : memref<8x128xi32, #tpu.memory_space<vmem>>, vector<1x16xi32>,
    %swap3A_536 = vector.shape_cast %swap3A_535 : vector<1x16xi32> to vector<16xi32>
    %swap3A_537 = vector.shape_cast %add3A_531 : vector<16xi32> to vector<1x16xi32>
    tpu.vector_store %arg11[%swap3A_533, %swap3A_534], %swap3A_537 {strides = array<i32>} : memref<8x128xi32, #tpu.memory_space<vmem>>, vector<1x16xi32>,
    %get3A_538 = arith.constant 368 : index
    %get3A_539 = tpu.vector_load %arg7[%get3A_538] {strides = array<i32>} : memref<1024xi32, #tpu.memory_space<vmem>>, vector<16xi32>,
    %get3A_540 = vector.shape_cast %get3A_539 : vector<16xi32> to vector<16xi32>
    %get3A_541 = arith.constant 368 : index
    %get3A_542 = tpu.vector_load %arg8[%get3A_541] {strides = array<i32>} : memref<1024xi32, #tpu.memory_space<vmem>>, vector<16xi32>,
    %get3A_543 = vector.shape_cast %get3A_542 : vector<16xi32> to vector<16xi32>
    %mul3A_544 = arith.constant 4096 : i32
    %mul3A_545 = vector.broadcast %mul3A_544 : i32 to vector<16xi32>
    %mul3A_546 = arith.muli %get3A_540, %mul3A_545 : vector<16xi32>
    %add3A_547 = arith.constant 4095 : i32
    %add3A_548 = vector.broadcast %add3A_547 : i32 to vector<16xi32>
    %add3A_549 = arith.addi %get3A_543, %add3A_548 : vector<16xi32>
    %and3A_550 = arith.constant 4095 : i32
    %and3A_551 = vector.broadcast %and3A_550 : i32 to vector<16xi32>
    %and3A_552 = arith.andi %add3A_549, %and3A_551 : vector<16xi32>
    %add3A_553 = arith.addi %mul3A_546, %and3A_552 : vector<16xi32>
    %swap3A_554 = arith.constant 2 : i32
    %swap3A_555 = arith.index_cast %swap3A_554 : i32 to index
    %swap3A_556 = arith.constant 112 : index
    %swap3A_557 = tpu.vector_load %arg11[%swap3A_555, %swap3A_556] {strides = array<i32>} : memref<8x128xi32, #tpu.memory_space<vmem>>, vector<1x16xi32>,
    %swap3A_558 = vector.shape_cast %swap3A_557 : vector<1x16xi32> to vector<16xi32>
    %swap3A_559 = vector.shape_cast %add3A_553 : vector<16xi32> to vector<1x16xi32>
    tpu.vector_store %arg11[%swap3A_555, %swap3A_556], %swap3A_559 {strides = array<i32>} : memref<8x128xi32, #tpu.memory_space<vmem>>, vector<1x16xi32>,
    %dma_start3A_560 = arith.constant 2 : i32
    %dma_start3A_561 = arith.constant 256 : i32
    %dma_start3A_562 = tpu.memref_slice %arg10[%dma_start3A_561] : memref<1024xi32, #tpu.memory_space<vmem>> -> memref<128xi32, #tpu.memory_space<vmem>>
    %dma_start3A_563 = arith.constant 0 : i32
    %dma_start3A_564 = tpu.memref_slice %arg11[%dma_start3A_560, %dma_start3A_563] : memref<8x128xi32, #tpu.memory_space<vmem>> -> memref<1x128xi32, #tpu.memory_space<vmem>>
    %dma_start3A_565 = tpu.memref_squeeze %dma_start3A_564 : memref<1x128xi32, #tpu.memory_space<vmem>> -> memref<128xi32, #tpu.memory_space<vmem>>
    %dma_start3A_566 = arith.constant 0 : i32
    %dma_start3A_567 = tpu.memref_slice %arg3[%dma_start3A_566] : memref<65536xi32, #tpu.memory_space<hbm>> -> memref<65536xi32, #tpu.memory_space<hbm>>
    tpu.enqueue_indirect_dma source(%dma_start3A_567 : memref<65536xi32, #tpu.memory_space<hbm>>) target(%dma_start3A_562 : memref<128xi32, #tpu.memory_space<vmem>>) offsets(%dma_start3A_565 : memref<128xi32, #tpu.memory_space<vmem>>) semaphore(%arg15 : memref<!tpu.dma_semaphore, #tpu.memory_space<semaphore_mem>>)
    %get3A_568 = arith.constant 384 : index
    %get3A_569 = tpu.vector_load %arg7[%get3A_568] {strides = array<i32>} : memref<1024xi32, #tpu.memory_space<vmem>>, vector<16xi32>,
    %get3A_570 = vector.shape_cast %get3A_569 : vector<16xi32> to vector<16xi32>
    %get3A_571 = arith.constant 384 : index
    %get3A_572 = tpu.vector_load %arg8[%get3A_571] {strides = array<i32>} : memref<1024xi32, #tpu.memory_space<vmem>>, vector<16xi32>,
    %get3A_573 = vector.shape_cast %get3A_572 : vector<16xi32> to vector<16xi32>
    %mul3A_574 = arith.constant 4096 : i32
    %mul3A_575 = vector.broadcast %mul3A_574 : i32 to vector<16xi32>
    %mul3A_576 = arith.muli %get3A_570, %mul3A_575 : vector<16xi32>
    %add3A_577 = arith.constant 4095 : i32
    %add3A_578 = vector.broadcast %add3A_577 : i32 to vector<16xi32>
    %add3A_579 = arith.addi %get3A_573, %add3A_578 : vector<16xi32>
    %and3A_580 = arith.constant 4095 : i32
    %and3A_581 = vector.broadcast %and3A_580 : i32 to vector<16xi32>
    %and3A_582 = arith.andi %add3A_579, %and3A_581 : vector<16xi32>
    %add3A_583 = arith.addi %mul3A_576, %and3A_582 : vector<16xi32>
    %swap3A_584 = arith.constant 3 : i32
    %swap3A_585 = arith.index_cast %swap3A_584 : i32 to index
    %swap3A_586 = arith.constant 0 : index
    %swap3A_587 = tpu.vector_load %arg11[%swap3A_585, %swap3A_586] {strides = array<i32>} : memref<8x128xi32, #tpu.memory_space<vmem>>, vector<1x16xi32>,
    %swap3A_588 = vector.shape_cast %swap3A_587 : vector<1x16xi32> to vector<16xi32>
    %swap3A_589 = vector.shape_cast %add3A_583 : vector<16xi32> to vector<1x16xi32>
    tpu.vector_store %arg11[%swap3A_585, %swap3A_586], %swap3A_589 {strides = array<i32>} : memref<8x128xi32, #tpu.memory_space<vmem>>, vector<1x16xi32>,
    %get3A_590 = arith.constant 400 : index
    %get3A_591 = tpu.vector_load %arg7[%get3A_590] {strides = array<i32>} : memref<1024xi32, #tpu.memory_space<vmem>>, vector<16xi32>,
    %get3A_592 = vector.shape_cast %get3A_591 : vector<16xi32> to vector<16xi32>
    %get3A_593 = arith.constant 400 : index
    %get3A_594 = tpu.vector_load %arg8[%get3A_593] {strides = array<i32>} : memref<1024xi32, #tpu.memory_space<vmem>>, vector<16xi32>,
    %get3A_595 = vector.shape_cast %get3A_594 : vector<16xi32> to vector<16xi32>
    %mul3A_596 = arith.constant 4096 : i32
    %mul3A_597 = vector.broadcast %mul3A_596 : i32 to vector<16xi32>
    %mul3A_598 = arith.muli %get3A_592, %mul3A_597 : vector<16xi32>
    %add3A_599 = arith.constant 4095 : i32
    %add3A_600 = vector.broadcast %add3A_599 : i32 to vector<16xi32>
    %add3A_601 = arith.addi %get3A_595, %add3A_600 : vector<16xi32>
    %and3A_602 = arith.constant 4095 : i32
    %and3A_603 = vector.broadcast %and3A_602 : i32 to vector<16xi32>
    %and3A_604 = arith.andi %add3A_601, %and3A_603 : vector<16xi32>
    %add3A_605 = arith.addi %mul3A_598, %and3A_604 : vector<16xi32>
    %swap3A_606 = arith.constant 3 : i32
    %swap3A_607 = arith.index_cast %swap3A_606 : i32 to index
    %swap3A_608 = arith.constant 16 : index
    %swap3A_609 = tpu.vector_load %arg11[%swap3A_607, %swap3A_608] {strides = array<i32>} : memref<8x128xi32, #tpu.memory_space<vmem>>, vector<1x16xi32>,
    %swap3A_610 = vector.shape_cast %swap3A_609 : vector<1x16xi32> to vector<16xi32>
    %swap3A_611 = vector.shape_cast %add3A_605 : vector<16xi32> to vector<1x16xi32>
    tpu.vector_store %arg11[%swap3A_607, %swap3A_608], %swap3A_611 {strides = array<i32>} : memref<8x128xi32, #tpu.memory_space<vmem>>, vector<1x16xi32>,
    %get3A_612 = arith.constant 416 : index
    %get3A_613 = tpu.vector_load %arg7[%get3A_612] {strides = array<i32>} : memref<1024xi32, #tpu.memory_space<vmem>>, vector<16xi32>,
    %get3A_614 = vector.shape_cast %get3A_613 : vector<16xi32> to vector<16xi32>
    %get3A_615 = arith.constant 416 : index
    %get3A_616 = tpu.vector_load %arg8[%get3A_615] {strides = array<i32>} : memref<1024xi32, #tpu.memory_space<vmem>>, vector<16xi32>,
    %get3A_617 = vector.shape_cast %get3A_616 : vector<16xi32> to vector<16xi32>
    %mul3A_618 = arith.constant 4096 : i32
    %mul3A_619 = vector.broadcast %mul3A_618 : i32 to vector<16xi32>
    %mul3A_620 = arith.muli %get3A_614, %mul3A_619 : vector<16xi32>
    %add3A_621 = arith.constant 4095 : i32
    %add3A_622 = vector.broadcast %add3A_621 : i32 to vector<16xi32>
    %add3A_623 = arith.addi %get3A_617, %add3A_622 : vector<16xi32>
    %and3A_624 = arith.constant 4095 : i32
    %and3A_625 = vector.broadcast %and3A_624 : i32 to vector<16xi32>
    %and3A_626 = arith.andi %add3A_623, %and3A_625 : vector<16xi32>
    %add3A_627 = arith.addi %mul3A_620, %and3A_626 : vector<16xi32>
    %swap3A_628 = arith.constant 3 : i32
    %swap3A_629 = arith.index_cast %swap3A_628 : i32 to index
    %swap3A_630 = arith.constant 32 : index
    %swap3A_631 = tpu.vector_load %arg11[%swap3A_629, %swap3A_630] {strides = array<i32>} : memref<8x128xi32, #tpu.memory_space<vmem>>, vector<1x16xi32>,
    %swap3A_632 = vector.shape_cast %swap3A_631 : vector<1x16xi32> to vector<16xi32>
    %swap3A_633 = vector.shape_cast %add3A_627 : vector<16xi32> to vector<1x16xi32>
    tpu.vector_store %arg11[%swap3A_629, %swap3A_630], %swap3A_633 {strides = array<i32>} : memref<8x128xi32, #tpu.memory_space<vmem>>, vector<1x16xi32>,
    %get3A_634 = arith.constant 432 : index
    %get3A_635 = tpu.vector_load %arg7[%get3A_634] {strides = array<i32>} : memref<1024xi32, #tpu.memory_space<vmem>>, vector<16xi32>,
    %get3A_636 = vector.shape_cast %get3A_635 : vector<16xi32> to vector<16xi32>
    %get3A_637 = arith.constant 432 : index
    %get3A_638 = tpu.vector_load %arg8[%get3A_637] {strides = array<i32>} : memref<1024xi32, #tpu.memory_space<vmem>>, vector<16xi32>,
    %get3A_639 = vector.shape_cast %get3A_638 : vector<16xi32> to vector<16xi32>
    %mul3A_640 = arith.constant 4096 : i32
    %mul3A_641 = vector.broadcast %mul3A_640 : i32 to vector<16xi32>
    %mul3A_642 = arith.muli %get3A_636, %mul3A_641 : vector<16xi32>
    %add3A_643 = arith.constant 4095 : i32
    %add3A_644 = vector.broadcast %add3A_643 : i32 to vector<16xi32>
    %add3A_645 = arith.addi %get3A_639, %add3A_644 : vector<16xi32>
    %and3A_646 = arith.constant 4095 : i32
    %and3A_647 = vector.broadcast %and3A_646 : i32 to vector<16xi32>
    %and3A_648 = arith.andi %add3A_645, %and3A_647 : vector<16xi32>
    %add3A_649 = arith.addi %mul3A_642, %and3A_648 : vector<16xi32>
    %swap3A_650 = arith.constant 3 : i32
    %swap3A_651 = arith.index_cast %swap3A_650 : i32 to index
    %swap3A_652 = arith.constant 48 : index
    %swap3A_653 = tpu.vector_load %arg11[%swap3A_651, %swap3A_652] {strides = array<i32>} : memref<8x128xi32, #tpu.memory_space<vmem>>, vector<1x16xi32>,
    %swap3A_654 = vector.shape_cast %swap3A_653 : vector<1x16xi32> to vector<16xi32>
    %swap3A_655 = vector.shape_cast %add3A_649 : vector<16xi32> to vector<1x16xi32>
    tpu.vector_store %arg11[%swap3A_651, %swap3A_652], %swap3A_655 {strides = array<i32>} : memref<8x128xi32, #tpu.memory_space<vmem>>, vector<1x16xi32>,
    %get3A_656 = arith.constant 448 : index
    %get3A_657 = tpu.vector_load %arg7[%get3A_656] {strides = array<i32>} : memref<1024xi32, #tpu.memory_space<vmem>>, vector<16xi32>,
    %get3A_658 = vector.shape_cast %get3A_657 : vector<16xi32> to vector<16xi32>
    %get3A_659 = arith.constant 448 : index
    %get3A_660 = tpu.vector_load %arg8[%get3A_659] {strides = array<i32>} : memref<1024xi32, #tpu.memory_space<vmem>>, vector<16xi32>,
    %get3A_661 = vector.shape_cast %get3A_660 : vector<16xi32> to vector<16xi32>
    %mul3A_662 = arith.constant 4096 : i32
    %mul3A_663 = vector.broadcast %mul3A_662 : i32 to vector<16xi32>
    %mul3A_664 = arith.muli %get3A_658, %mul3A_663 : vector<16xi32>
    %add3A_665 = arith.constant 4095 : i32
    %add3A_666 = vector.broadcast %add3A_665 : i32 to vector<16xi32>
    %add3A_667 = arith.addi %get3A_661, %add3A_666 : vector<16xi32>
    %and3A_668 = arith.constant 4095 : i32
    %and3A_669 = vector.broadcast %and3A_668 : i32 to vector<16xi32>
    %and3A_670 = arith.andi %add3A_667, %and3A_669 : vector<16xi32>
    %add3A_671 = arith.addi %mul3A_664, %and3A_670 : vector<16xi32>
    %swap3A_672 = arith.constant 3 : i32
    %swap3A_673 = arith.index_cast %swap3A_672 : i32 to index
    %swap3A_674 = arith.constant 64 : index
    %swap3A_675 = tpu.vector_load %arg11[%swap3A_673, %swap3A_674] {strides = array<i32>} : memref<8x128xi32, #tpu.memory_space<vmem>>, vector<1x16xi32>,
    %swap3A_676 = vector.shape_cast %swap3A_675 : vector<1x16xi32> to vector<16xi32>
    %swap3A_677 = vector.shape_cast %add3A_671 : vector<16xi32> to vector<1x16xi32>
    tpu.vector_store %arg11[%swap3A_673, %swap3A_674], %swap3A_677 {strides = array<i32>} : memref<8x128xi32, #tpu.memory_space<vmem>>, vector<1x16xi32>,
    %get3A_678 = arith.constant 464 : index
    %get3A_679 = tpu.vector_load %arg7[%get3A_678] {strides = array<i32>} : memref<1024xi32, #tpu.memory_space<vmem>>, vector<16xi32>,
    %get3A_680 = vector.shape_cast %get3A_679 : vector<16xi32> to vector<16xi32>
    %get3A_681 = arith.constant 464 : index
    %get3A_682 = tpu.vector_load %arg8[%get3A_681] {strides = array<i32>} : memref<1024xi32, #tpu.memory_space<vmem>>, vector<16xi32>,
    %get3A_683 = vector.shape_cast %get3A_682 : vector<16xi32> to vector<16xi32>
    %mul3A_684 = arith.constant 4096 : i32
    %mul3A_685 = vector.broadcast %mul3A_684 : i32 to vector<16xi32>
    %mul3A_686 = arith.muli %get3A_680, %mul3A_685 : vector<16xi32>
    %add3A_687 = arith.constant 4095 : i32
    %add3A_688 = vector.broadcast %add3A_687 : i32 to vector<16xi32>
    %add3A_689 = arith.addi %get3A_683, %add3A_688 : vector<16xi32>
    %and3A_690 = arith.constant 4095 : i32
    %and3A_691 = vector.broadcast %and3A_690 : i32 to vector<16xi32>
    %and3A_692 = arith.andi %add3A_689, %and3A_691 : vector<16xi32>
    %add3A_693 = arith.addi %mul3A_686, %and3A_692 : vector<16xi32>
    %swap3A_694 = arith.constant 3 : i32
    %swap3A_695 = arith.index_cast %swap3A_694 : i32 to index
    %swap3A_696 = arith.constant 80 : index
    %swap3A_697 = tpu.vector_load %arg11[%swap3A_695, %swap3A_696] {strides = array<i32>} : memref<8x128xi32, #tpu.memory_space<vmem>>, vector<1x16xi32>,
    %swap3A_698 = vector.shape_cast %swap3A_697 : vector<1x16xi32> to vector<16xi32>
    %swap3A_699 = vector.shape_cast %add3A_693 : vector<16xi32> to vector<1x16xi32>
    tpu.vector_store %arg11[%swap3A_695, %swap3A_696], %swap3A_699 {strides = array<i32>} : memref<8x128xi32, #tpu.memory_space<vmem>>, vector<1x16xi32>,
    %get3A_700 = arith.constant 480 : index
    %get3A_701 = tpu.vector_load %arg7[%get3A_700] {strides = array<i32>} : memref<1024xi32, #tpu.memory_space<vmem>>, vector<16xi32>,
    %get3A_702 = vector.shape_cast %get3A_701 : vector<16xi32> to vector<16xi32>
    %get3A_703 = arith.constant 480 : index
    %get3A_704 = tpu.vector_load %arg8[%get3A_703] {strides = array<i32>} : memref<1024xi32, #tpu.memory_space<vmem>>, vector<16xi32>,
    %get3A_705 = vector.shape_cast %get3A_704 : vector<16xi32> to vector<16xi32>
    %mul3A_706 = arith.constant 4096 : i32
    %mul3A_707 = vector.broadcast %mul3A_706 : i32 to vector<16xi32>
    %mul3A_708 = arith.muli %get3A_702, %mul3A_707 : vector<16xi32>
    %add3A_709 = arith.constant 4095 : i32
    %add3A_710 = vector.broadcast %add3A_709 : i32 to vector<16xi32>
    %add3A_711 = arith.addi %get3A_705, %add3A_710 : vector<16xi32>
    %and3A_712 = arith.constant 4095 : i32
    %and3A_713 = vector.broadcast %and3A_712 : i32 to vector<16xi32>
    %and3A_714 = arith.andi %add3A_711, %and3A_713 : vector<16xi32>
    %add3A_715 = arith.addi %mul3A_708, %and3A_714 : vector<16xi32>
    %swap3A_716 = arith.constant 3 : i32
    %swap3A_717 = arith.index_cast %swap3A_716 : i32 to index
    %swap3A_718 = arith.constant 96 : index
    %swap3A_719 = tpu.vector_load %arg11[%swap3A_717, %swap3A_718] {strides = array<i32>} : memref<8x128xi32, #tpu.memory_space<vmem>>, vector<1x16xi32>,
    %swap3A_720 = vector.shape_cast %swap3A_719 : vector<1x16xi32> to vector<16xi32>
    %swap3A_721 = vector.shape_cast %add3A_715 : vector<16xi32> to vector<1x16xi32>
    tpu.vector_store %arg11[%swap3A_717, %swap3A_718], %swap3A_721 {strides = array<i32>} : memref<8x128xi32, #tpu.memory_space<vmem>>, vector<1x16xi32>,
    %get3A_722 = arith.constant 496 : index
    %get3A_723 = tpu.vector_load %arg7[%get3A_722] {strides = array<i32>} : memref<1024xi32, #tpu.memory_space<vmem>>, vector<16xi32>,
    %get3A_724 = vector.shape_cast %get3A_723 : vector<16xi32> to vector<16xi32>
    %get3A_725 = arith.constant 496 : index
    %get3A_726 = tpu.vector_load %arg8[%get3A_725] {strides = array<i32>} : memref<1024xi32, #tpu.memory_space<vmem>>, vector<16xi32>,
    %get3A_727 = vector.shape_cast %get3A_726 : vector<16xi32> to vector<16xi32>
    %mul3A_728 = arith.constant 4096 : i32
    %mul3A_729 = vector.broadcast %mul3A_728 : i32 to vector<16xi32>
    %mul3A_730 = arith.muli %get3A_724, %mul3A_729 : vector<16xi32>
    %add3A_731 = arith.constant 4095 : i32
    %add3A_732 = vector.broadcast %add3A_731 : i32 to vector<16xi32>
    %add3A_733 = arith.addi %get3A_727, %add3A_732 : vector<16xi32>
    %and3A_734 = arith.constant 4095 : i32
    %and3A_735 = vector.broadcast %and3A_734 : i32 to vector<16xi32>
    %and3A_736 = arith.andi %add3A_733, %and3A_735 : vector<16xi32>
    %add3A_737 = arith.addi %mul3A_730, %and3A_736 : vector<16xi32>
    %swap3A_738 = arith.constant 3 : i32
    %swap3A_739 = arith.index_cast %swap3A_738 : i32 to index
    %swap3A_740 = arith.constant 112 : index
    %swap3A_741 = tpu.vector_load %arg11[%swap3A_739, %swap3A_740] {strides = array<i32>} : memref<8x128xi32, #tpu.memory_space<vmem>>, vector<1x16xi32>,
    %swap3A_742 = vector.shape_cast %swap3A_741 : vector<1x16xi32> to vector<16xi32>
    %swap3A_743 = vector.shape_cast %add3A_737 : vector<16xi32> to vector<1x16xi32>
    tpu.vector_store %arg11[%swap3A_739, %swap3A_740], %swap3A_743 {strides = array<i32>} : memref<8x128xi32, #tpu.memory_space<vmem>>, vector<1x16xi32>,
    %dma_start3A_744 = arith.constant 3 : i32
    %dma_start3A_745 = arith.constant 384 : i32
    %dma_start3A_746 = tpu.memref_slice %arg10[%dma_start3A_745] : memref<1024xi32, #tpu.memory_space<vmem>> -> memref<128xi32, #tpu.memory_space<vmem>>
    %dma_start3A_747 = arith.constant 0 : i32
    %dma_start3A_748 = tpu.memref_slice %arg11[%dma_start3A_744, %dma_start3A_747] : memref<8x128xi32, #tpu.memory_space<vmem>> -> memref<1x128xi32, #tpu.memory_space<vmem>>
    %dma_start3A_749 = tpu.memref_squeeze %dma_start3A_748 : memref<1x128xi32, #tpu.memory_space<vmem>> -> memref<128xi32, #tpu.memory_space<vmem>>
    %dma_start3A_750 = arith.constant 0 : i32
    %dma_start3A_751 = tpu.memref_slice %arg3[%dma_start3A_750] : memref<65536xi32, #tpu.memory_space<hbm>> -> memref<65536xi32, #tpu.memory_space<hbm>>
    tpu.enqueue_indirect_dma source(%dma_start3A_751 : memref<65536xi32, #tpu.memory_space<hbm>>) target(%dma_start3A_746 : memref<128xi32, #tpu.memory_space<vmem>>) offsets(%dma_start3A_749 : memref<128xi32, #tpu.memory_space<vmem>>) semaphore(%arg15 : memref<!tpu.dma_semaphore, #tpu.memory_space<semaphore_mem>>)
    %get3A_752 = arith.constant 512 : index
    %get3A_753 = tpu.vector_load %arg7[%get3A_752] {strides = array<i32>} : memref<1024xi32, #tpu.memory_space<vmem>>, vector<16xi32>,
    %get3A_754 = vector.shape_cast %get3A_753 : vector<16xi32> to vector<16xi32>
    %get3A_755 = arith.constant 512 : index
    %get3A_756 = tpu.vector_load %arg8[%get3A_755] {strides = array<i32>} : memref<1024xi32, #tpu.memory_space<vmem>>, vector<16xi32>,
    %get3A_757 = vector.shape_cast %get3A_756 : vector<16xi32> to vector<16xi32>
    %mul3A_758 = arith.constant 4096 : i32
    %mul3A_759 = vector.broadcast %mul3A_758 : i32 to vector<16xi32>
    %mul3A_760 = arith.muli %get3A_754, %mul3A_759 : vector<16xi32>
    %add3A_761 = arith.constant 4095 : i32
    %add3A_762 = vector.broadcast %add3A_761 : i32 to vector<16xi32>
    %add3A_763 = arith.addi %get3A_757, %add3A_762 : vector<16xi32>
    %and3A_764 = arith.constant 4095 : i32
    %and3A_765 = vector.broadcast %and3A_764 : i32 to vector<16xi32>
    %and3A_766 = arith.andi %add3A_763, %and3A_765 : vector<16xi32>
    %add3A_767 = arith.addi %mul3A_760, %and3A_766 : vector<16xi32>
    %swap3A_768 = arith.constant 4 : i32
    %swap3A_769 = arith.index_cast %swap3A_768 : i32 to index
    %swap3A_770 = arith.constant 0 : index
    %swap3A_771 = tpu.vector_load %arg11[%swap3A_769, %swap3A_770] {strides = array<i32>} : memref<8x128xi32, #tpu.memory_space<vmem>>, vector<1x16xi32>,
    %swap3A_772 = vector.shape_cast %swap3A_771 : vector<1x16xi32> to vector<16xi32>
    %swap3A_773 = vector.shape_cast %add3A_767 : vector<16xi32> to vector<1x16xi32>
    tpu.vector_store %arg11[%swap3A_769, %swap3A_770], %swap3A_773 {strides = array<i32>} : memref<8x128xi32, #tpu.memory_space<vmem>>, vector<1x16xi32>,
    %get3A_774 = arith.constant 528 : index
    %get3A_775 = tpu.vector_load %arg7[%get3A_774] {strides = array<i32>} : memref<1024xi32, #tpu.memory_space<vmem>>, vector<16xi32>,
    %get3A_776 = vector.shape_cast %get3A_775 : vector<16xi32> to vector<16xi32>
    %get3A_777 = arith.constant 528 : index
    %get3A_778 = tpu.vector_load %arg8[%get3A_777] {strides = array<i32>} : memref<1024xi32, #tpu.memory_space<vmem>>, vector<16xi32>,
    %get3A_779 = vector.shape_cast %get3A_778 : vector<16xi32> to vector<16xi32>
    %mul3A_780 = arith.constant 4096 : i32
    %mul3A_781 = vector.broadcast %mul3A_780 : i32 to vector<16xi32>
    %mul3A_782 = arith.muli %get3A_776, %mul3A_781 : vector<16xi32>
    %add3A_783 = arith.constant 4095 : i32
    %add3A_784 = vector.broadcast %add3A_783 : i32 to vector<16xi32>
    %add3A_785 = arith.addi %get3A_779, %add3A_784 : vector<16xi32>
    %and3A_786 = arith.constant 4095 : i32
    %and3A_787 = vector.broadcast %and3A_786 : i32 to vector<16xi32>
    %and3A_788 = arith.andi %add3A_785, %and3A_787 : vector<16xi32>
    %add3A_789 = arith.addi %mul3A_782, %and3A_788 : vector<16xi32>
    %swap3A_790 = arith.constant 4 : i32
    %swap3A_791 = arith.index_cast %swap3A_790 : i32 to index
    %swap3A_792 = arith.constant 16 : index
    %swap3A_793 = tpu.vector_load %arg11[%swap3A_791, %swap3A_792] {strides = array<i32>} : memref<8x128xi32, #tpu.memory_space<vmem>>, vector<1x16xi32>,
    %swap3A_794 = vector.shape_cast %swap3A_793 : vector<1x16xi32> to vector<16xi32>
    %swap3A_795 = vector.shape_cast %add3A_789 : vector<16xi32> to vector<1x16xi32>
    tpu.vector_store %arg11[%swap3A_791, %swap3A_792], %swap3A_795 {strides = array<i32>} : memref<8x128xi32, #tpu.memory_space<vmem>>, vector<1x16xi32>,
    %get3A_796 = arith.constant 544 : index
    %get3A_797 = tpu.vector_load %arg7[%get3A_796] {strides = array<i32>} : memref<1024xi32, #tpu.memory_space<vmem>>, vector<16xi32>,
    %get3A_798 = vector.shape_cast %get3A_797 : vector<16xi32> to vector<16xi32>
    %get3A_799 = arith.constant 544 : index
    %get3A_800 = tpu.vector_load %arg8[%get3A_799] {strides = array<i32>} : memref<1024xi32, #tpu.memory_space<vmem>>, vector<16xi32>,
    %get3A_801 = vector.shape_cast %get3A_800 : vector<16xi32> to vector<16xi32>
    %mul3A_802 = arith.constant 4096 : i32
    %mul3A_803 = vector.broadcast %mul3A_802 : i32 to vector<16xi32>
    %mul3A_804 = arith.muli %get3A_798, %mul3A_803 : vector<16xi32>
    %add3A_805 = arith.constant 4095 : i32
    %add3A_806 = vector.broadcast %add3A_805 : i32 to vector<16xi32>
    %add3A_807 = arith.addi %get3A_801, %add3A_806 : vector<16xi32>
    %and3A_808 = arith.constant 4095 : i32
    %and3A_809 = vector.broadcast %and3A_808 : i32 to vector<16xi32>
    %and3A_810 = arith.andi %add3A_807, %and3A_809 : vector<16xi32>
    %add3A_811 = arith.addi %mul3A_804, %and3A_810 : vector<16xi32>
    %swap3A_812 = arith.constant 4 : i32
    %swap3A_813 = arith.index_cast %swap3A_812 : i32 to index
    %swap3A_814 = arith.constant 32 : index
    %swap3A_815 = tpu.vector_load %arg11[%swap3A_813, %swap3A_814] {strides = array<i32>} : memref<8x128xi32, #tpu.memory_space<vmem>>, vector<1x16xi32>,
    %swap3A_816 = vector.shape_cast %swap3A_815 : vector<1x16xi32> to vector<16xi32>
    %swap3A_817 = vector.shape_cast %add3A_811 : vector<16xi32> to vector<1x16xi32>
    tpu.vector_store %arg11[%swap3A_813, %swap3A_814], %swap3A_817 {strides = array<i32>} : memref<8x128xi32, #tpu.memory_space<vmem>>, vector<1x16xi32>,
    %get3A_818 = arith.constant 560 : index
    %get3A_819 = tpu.vector_load %arg7[%get3A_818] {strides = array<i32>} : memref<1024xi32, #tpu.memory_space<vmem>>, vector<16xi32>,
    %get3A_820 = vector.shape_cast %get3A_819 : vector<16xi32> to vector<16xi32>
    %get3A_821 = arith.constant 560 : index
    %get3A_822 = tpu.vector_load %arg8[%get3A_821] {strides = array<i32>} : memref<1024xi32, #tpu.memory_space<vmem>>, vector<16xi32>,
    %get3A_823 = vector.shape_cast %get3A_822 : vector<16xi32> to vector<16xi32>
    %mul3A_824 = arith.constant 4096 : i32
    %mul3A_825 = vector.broadcast %mul3A_824 : i32 to vector<16xi32>
    %mul3A_826 = arith.muli %get3A_820, %mul3A_825 : vector<16xi32>
    %add3A_827 = arith.constant 4095 : i32
    %add3A_828 = vector.broadcast %add3A_827 : i32 to vector<16xi32>
    %add3A_829 = arith.addi %get3A_823, %add3A_828 : vector<16xi32>
    %and3A_830 = arith.constant 4095 : i32
    %and3A_831 = vector.broadcast %and3A_830 : i32 to vector<16xi32>
    %and3A_832 = arith.andi %add3A_829, %and3A_831 : vector<16xi32>
    %add3A_833 = arith.addi %mul3A_826, %and3A_832 : vector<16xi32>
    %swap3A_834 = arith.constant 4 : i32
    %swap3A_835 = arith.index_cast %swap3A_834 : i32 to index
    %swap3A_836 = arith.constant 48 : index
    %swap3A_837 = tpu.vector_load %arg11[%swap3A_835, %swap3A_836] {strides = array<i32>} : memref<8x128xi32, #tpu.memory_space<vmem>>, vector<1x16xi32>,
    %swap3A_838 = vector.shape_cast %swap3A_837 : vector<1x16xi32> to vector<16xi32>
    %swap3A_839 = vector.shape_cast %add3A_833 : vector<16xi32> to vector<1x16xi32>
    tpu.vector_store %arg11[%swap3A_835, %swap3A_836], %swap3A_839 {strides = array<i32>} : memref<8x128xi32, #tpu.memory_space<vmem>>, vector<1x16xi32>,
    %get3A_840 = arith.constant 576 : index
    %get3A_841 = tpu.vector_load %arg7[%get3A_840] {strides = array<i32>} : memref<1024xi32, #tpu.memory_space<vmem>>, vector<16xi32>,
    %get3A_842 = vector.shape_cast %get3A_841 : vector<16xi32> to vector<16xi32>
    %get3A_843 = arith.constant 576 : index
    %get3A_844 = tpu.vector_load %arg8[%get3A_843] {strides = array<i32>} : memref<1024xi32, #tpu.memory_space<vmem>>, vector<16xi32>,
    %get3A_845 = vector.shape_cast %get3A_844 : vector<16xi32> to vector<16xi32>
    %mul3A_846 = arith.constant 4096 : i32
    %mul3A_847 = vector.broadcast %mul3A_846 : i32 to vector<16xi32>
    %mul3A_848 = arith.muli %get3A_842, %mul3A_847 : vector<16xi32>
    %add3A_849 = arith.constant 4095 : i32
    %add3A_850 = vector.broadcast %add3A_849 : i32 to vector<16xi32>
    %add3A_851 = arith.addi %get3A_845, %add3A_850 : vector<16xi32>
    %and3A_852 = arith.constant 4095 : i32
    %and3A_853 = vector.broadcast %and3A_852 : i32 to vector<16xi32>
    %and3A_854 = arith.andi %add3A_851, %and3A_853 : vector<16xi32>
    %add3A_855 = arith.addi %mul3A_848, %and3A_854 : vector<16xi32>
    %swap3A_856 = arith.constant 4 : i32
    %swap3A_857 = arith.index_cast %swap3A_856 : i32 to index
    %swap3A_858 = arith.constant 64 : index
    %swap3A_859 = tpu.vector_load %arg11[%swap3A_857, %swap3A_858] {strides = array<i32>} : memref<8x128xi32, #tpu.memory_space<vmem>>, vector<1x16xi32>,
    %swap3A_860 = vector.shape_cast %swap3A_859 : vector<1x16xi32> to vector<16xi32>
    %swap3A_861 = vector.shape_cast %add3A_855 : vector<16xi32> to vector<1x16xi32>
    tpu.vector_store %arg11[%swap3A_857, %swap3A_858], %swap3A_861 {strides = array<i32>} : memref<8x128xi32, #tpu.memory_space<vmem>>, vector<1x16xi32>,
    %get3A_862 = arith.constant 592 : index
    %get3A_863 = tpu.vector_load %arg7[%get3A_862] {strides = array<i32>} : memref<1024xi32, #tpu.memory_space<vmem>>, vector<16xi32>,
    %get3A_864 = vector.shape_cast %get3A_863 : vector<16xi32> to vector<16xi32>
    %get3A_865 = arith.constant 592 : index
    %get3A_866 = tpu.vector_load %arg8[%get3A_865] {strides = array<i32>} : memref<1024xi32, #tpu.memory_space<vmem>>, vector<16xi32>,
    %get3A_867 = vector.shape_cast %get3A_866 : vector<16xi32> to vector<16xi32>
    %mul3A_868 = arith.constant 4096 : i32
    %mul3A_869 = vector.broadcast %mul3A_868 : i32 to vector<16xi32>
    %mul3A_870 = arith.muli %get3A_864, %mul3A_869 : vector<16xi32>
    %add3A_871 = arith.constant 4095 : i32
    %add3A_872 = vector.broadcast %add3A_871 : i32 to vector<16xi32>
    %add3A_873 = arith.addi %get3A_867, %add3A_872 : vector<16xi32>
    %and3A_874 = arith.constant 4095 : i32
    %and3A_875 = vector.broadcast %and3A_874 : i32 to vector<16xi32>
    %and3A_876 = arith.andi %add3A_873, %and3A_875 : vector<16xi32>
    %add3A_877 = arith.addi %mul3A_870, %and3A_876 : vector<16xi32>
    %swap3A_878 = arith.constant 4 : i32
    %swap3A_879 = arith.index_cast %swap3A_878 : i32 to index
    %swap3A_880 = arith.constant 80 : index
    %swap3A_881 = tpu.vector_load %arg11[%swap3A_879, %swap3A_880] {strides = array<i32>} : memref<8x128xi32, #tpu.memory_space<vmem>>, vector<1x16xi32>,
    %swap3A_882 = vector.shape_cast %swap3A_881 : vector<1x16xi32> to vector<16xi32>
    %swap3A_883 = vector.shape_cast %add3A_877 : vector<16xi32> to vector<1x16xi32>
    tpu.vector_store %arg11[%swap3A_879, %swap3A_880], %swap3A_883 {strides = array<i32>} : memref<8x128xi32, #tpu.memory_space<vmem>>, vector<1x16xi32>,
    %get3A_884 = arith.constant 608 : index
    %get3A_885 = tpu.vector_load %arg7[%get3A_884] {strides = array<i32>} : memref<1024xi32, #tpu.memory_space<vmem>>, vector<16xi32>,
    %get3A_886 = vector.shape_cast %get3A_885 : vector<16xi32> to vector<16xi32>
    %get3A_887 = arith.constant 608 : index
    %get3A_888 = tpu.vector_load %arg8[%get3A_887] {strides = array<i32>} : memref<1024xi32, #tpu.memory_space<vmem>>, vector<16xi32>,
    %get3A_889 = vector.shape_cast %get3A_888 : vector<16xi32> to vector<16xi32>
    %mul3A_890 = arith.constant 4096 : i32
    %mul3A_891 = vector.broadcast %mul3A_890 : i32 to vector<16xi32>
    %mul3A_892 = arith.muli %get3A_886, %mul3A_891 : vector<16xi32>
    %add3A_893 = arith.constant 4095 : i32
    %add3A_894 = vector.broadcast %add3A_893 : i32 to vector<16xi32>
    %add3A_895 = arith.addi %get3A_889, %add3A_894 : vector<16xi32>
    %and3A_896 = arith.constant 4095 : i32
    %and3A_897 = vector.broadcast %and3A_896 : i32 to vector<16xi32>
    %and3A_898 = arith.andi %add3A_895, %and3A_897 : vector<16xi32>
    %add3A_899 = arith.addi %mul3A_892, %and3A_898 : vector<16xi32>
    %swap3A_900 = arith.constant 4 : i32
    %swap3A_901 = arith.index_cast %swap3A_900 : i32 to index
    %swap3A_902 = arith.constant 96 : index
    %swap3A_903 = tpu.vector_load %arg11[%swap3A_901, %swap3A_902] {strides = array<i32>} : memref<8x128xi32, #tpu.memory_space<vmem>>, vector<1x16xi32>,
    %swap3A_904 = vector.shape_cast %swap3A_903 : vector<1x16xi32> to vector<16xi32>
    %swap3A_905 = vector.shape_cast %add3A_899 : vector<16xi32> to vector<1x16xi32>
    tpu.vector_store %arg11[%swap3A_901, %swap3A_902], %swap3A_905 {strides = array<i32>} : memref<8x128xi32, #tpu.memory_space<vmem>>, vector<1x16xi32>,
    %get3A_906 = arith.constant 624 : index
    %get3A_907 = tpu.vector_load %arg7[%get3A_906] {strides = array<i32>} : memref<1024xi32, #tpu.memory_space<vmem>>, vector<16xi32>,
    %get3A_908 = vector.shape_cast %get3A_907 : vector<16xi32> to vector<16xi32>
    %get3A_909 = arith.constant 624 : index
    %get3A_910 = tpu.vector_load %arg8[%get3A_909] {strides = array<i32>} : memref<1024xi32, #tpu.memory_space<vmem>>, vector<16xi32>,
    %get3A_911 = vector.shape_cast %get3A_910 : vector<16xi32> to vector<16xi32>
    %mul3A_912 = arith.constant 4096 : i32
    %mul3A_913 = vector.broadcast %mul3A_912 : i32 to vector<16xi32>
    %mul3A_914 = arith.muli %get3A_908, %mul3A_913 : vector<16xi32>
    %add3A_915 = arith.constant 4095 : i32
    %add3A_916 = vector.broadcast %add3A_915 : i32 to vector<16xi32>
    %add3A_917 = arith.addi %get3A_911, %add3A_916 : vector<16xi32>
    %and3A_918 = arith.constant 4095 : i32
    %and3A_919 = vector.broadcast %and3A_918 : i32 to vector<16xi32>
    %and3A_920 = arith.andi %add3A_917, %and3A_919 : vector<16xi32>
    %add3A_921 = arith.addi %mul3A_914, %and3A_920 : vector<16xi32>
    %swap3A_922 = arith.constant 4 : i32
    %swap3A_923 = arith.index_cast %swap3A_922 : i32 to index
    %swap3A_924 = arith.constant 112 : index
    %swap3A_925 = tpu.vector_load %arg11[%swap3A_923, %swap3A_924] {strides = array<i32>} : memref<8x128xi32, #tpu.memory_space<vmem>>, vector<1x16xi32>,
    %swap3A_926 = vector.shape_cast %swap3A_925 : vector<1x16xi32> to vector<16xi32>
    %swap3A_927 = vector.shape_cast %add3A_921 : vector<16xi32> to vector<1x16xi32>
    tpu.vector_store %arg11[%swap3A_923, %swap3A_924], %swap3A_927 {strides = array<i32>} : memref<8x128xi32, #tpu.memory_space<vmem>>, vector<1x16xi32>,
    %dma_start3A_928 = arith.constant 4 : i32
    %dma_start3A_929 = arith.constant 512 : i32
    %dma_start3A_930 = tpu.memref_slice %arg10[%dma_start3A_929] : memref<1024xi32, #tpu.memory_space<vmem>> -> memref<128xi32, #tpu.memory_space<vmem>>
    %dma_start3A_931 = arith.constant 0 : i32
    %dma_start3A_932 = tpu.memref_slice %arg11[%dma_start3A_928, %dma_start3A_931] : memref<8x128xi32, #tpu.memory_space<vmem>> -> memref<1x128xi32, #tpu.memory_space<vmem>>
    %dma_start3A_933 = tpu.memref_squeeze %dma_start3A_932 : memref<1x128xi32, #tpu.memory_space<vmem>> -> memref<128xi32, #tpu.memory_space<vmem>>
    %dma_start3A_934 = arith.constant 0 : i32
    %dma_start3A_935 = tpu.memref_slice %arg3[%dma_start3A_934] : memref<65536xi32, #tpu.memory_space<hbm>> -> memref<65536xi32, #tpu.memory_space<hbm>>
    tpu.enqueue_indirect_dma source(%dma_start3A_935 : memref<65536xi32, #tpu.memory_space<hbm>>) target(%dma_start3A_930 : memref<128xi32, #tpu.memory_space<vmem>>) offsets(%dma_start3A_933 : memref<128xi32, #tpu.memory_space<vmem>>) semaphore(%arg15 : memref<!tpu.dma_semaphore, #tpu.memory_space<semaphore_mem>>)
    %get3A_936 = arith.constant 640 : index
    %get3A_937 = tpu.vector_load %arg7[%get3A_936] {strides = array<i32>} : memref<1024xi32, #tpu.memory_space<vmem>>, vector<16xi32>,
    %get3A_938 = vector.shape_cast %get3A_937 : vector<16xi32> to vector<16xi32>
    %get3A_939 = arith.constant 640 : index
    %get3A_940 = tpu.vector_load %arg8[%get3A_939] {strides = array<i32>} : memref<1024xi32, #tpu.memory_space<vmem>>, vector<16xi32>,
    %get3A_941 = vector.shape_cast %get3A_940 : vector<16xi32> to vector<16xi32>
    %mul3A_942 = arith.constant 4096 : i32
    %mul3A_943 = vector.broadcast %mul3A_942 : i32 to vector<16xi32>
    %mul3A_944 = arith.muli %get3A_938, %mul3A_943 : vector<16xi32>
    %add3A_945 = arith.constant 4095 : i32
    %add3A_946 = vector.broadcast %add3A_945 : i32 to vector<16xi32>
    %add3A_947 = arith.addi %get3A_941, %add3A_946 : vector<16xi32>
    %and3A_948 = arith.constant 4095 : i32
    %and3A_949 = vector.broadcast %and3A_948 : i32 to vector<16xi32>
    %and3A_950 = arith.andi %add3A_947, %and3A_949 : vector<16xi32>
    %add3A_951 = arith.addi %mul3A_944, %and3A_950 : vector<16xi32>
    %swap3A_952 = arith.constant 5 : i32
    %swap3A_953 = arith.index_cast %swap3A_952 : i32 to index
    %swap3A_954 = arith.constant 0 : index
    %swap3A_955 = tpu.vector_load %arg11[%swap3A_953, %swap3A_954] {strides = array<i32>} : memref<8x128xi32, #tpu.memory_space<vmem>>, vector<1x16xi32>,
    %swap3A_956 = vector.shape_cast %swap3A_955 : vector<1x16xi32> to vector<16xi32>
    %swap3A_957 = vector.shape_cast %add3A_951 : vector<16xi32> to vector<1x16xi32>
    tpu.vector_store %arg11[%swap3A_953, %swap3A_954], %swap3A_957 {strides = array<i32>} : memref<8x128xi32, #tpu.memory_space<vmem>>, vector<1x16xi32>,
    %get3A_958 = arith.constant 656 : index
    %get3A_959 = tpu.vector_load %arg7[%get3A_958] {strides = array<i32>} : memref<1024xi32, #tpu.memory_space<vmem>>, vector<16xi32>,
    %get3A_960 = vector.shape_cast %get3A_959 : vector<16xi32> to vector<16xi32>
    %get3A_961 = arith.constant 656 : index
    %get3A_962 = tpu.vector_load %arg8[%get3A_961] {strides = array<i32>} : memref<1024xi32, #tpu.memory_space<vmem>>, vector<16xi32>,
    %get3A_963 = vector.shape_cast %get3A_962 : vector<16xi32> to vector<16xi32>
    %mul3A_964 = arith.constant 4096 : i32
    %mul3A_965 = vector.broadcast %mul3A_964 : i32 to vector<16xi32>
    %mul3A_966 = arith.muli %get3A_960, %mul3A_965 : vector<16xi32>
    %add3A_967 = arith.constant 4095 : i32
    %add3A_968 = vector.broadcast %add3A_967 : i32 to vector<16xi32>
    %add3A_969 = arith.addi %get3A_963, %add3A_968 : vector<16xi32>
    %and3A_970 = arith.constant 4095 : i32
    %and3A_971 = vector.broadcast %and3A_970 : i32 to vector<16xi32>
    %and3A_972 = arith.andi %add3A_969, %and3A_971 : vector<16xi32>
    %add3A_973 = arith.addi %mul3A_966, %and3A_972 : vector<16xi32>
    %swap3A_974 = arith.constant 5 : i32
    %swap3A_975 = arith.index_cast %swap3A_974 : i32 to index
    %swap3A_976 = arith.constant 16 : index
    %swap3A_977 = tpu.vector_load %arg11[%swap3A_975, %swap3A_976] {strides = array<i32>} : memref<8x128xi32, #tpu.memory_space<vmem>>, vector<1x16xi32>,
    %swap3A_978 = vector.shape_cast %swap3A_977 : vector<1x16xi32> to vector<16xi32>
    %swap3A_979 = vector.shape_cast %add3A_973 : vector<16xi32> to vector<1x16xi32>
    tpu.vector_store %arg11[%swap3A_975, %swap3A_976], %swap3A_979 {strides = array<i32>} : memref<8x128xi32, #tpu.memory_space<vmem>>, vector<1x16xi32>,
    %get3A_980 = arith.constant 672 : index
    %get3A_981 = tpu.vector_load %arg7[%get3A_980] {strides = array<i32>} : memref<1024xi32, #tpu.memory_space<vmem>>, vector<16xi32>,
    %get3A_982 = vector.shape_cast %get3A_981 : vector<16xi32> to vector<16xi32>
    %get3A_983 = arith.constant 672 : index
    %get3A_984 = tpu.vector_load %arg8[%get3A_983] {strides = array<i32>} : memref<1024xi32, #tpu.memory_space<vmem>>, vector<16xi32>,
    %get3A_985 = vector.shape_cast %get3A_984 : vector<16xi32> to vector<16xi32>
    %mul3A_986 = arith.constant 4096 : i32
    %mul3A_987 = vector.broadcast %mul3A_986 : i32 to vector<16xi32>
    %mul3A_988 = arith.muli %get3A_982, %mul3A_987 : vector<16xi32>
    %add3A_989 = arith.constant 4095 : i32
    %add3A_990 = vector.broadcast %add3A_989 : i32 to vector<16xi32>
    %add3A_991 = arith.addi %get3A_985, %add3A_990 : vector<16xi32>
    %and3A_992 = arith.constant 4095 : i32
    %and3A_993 = vector.broadcast %and3A_992 : i32 to vector<16xi32>
    %and3A_994 = arith.andi %add3A_991, %and3A_993 : vector<16xi32>
    %add3A_995 = arith.addi %mul3A_988, %and3A_994 : vector<16xi32>
    %swap3A_996 = arith.constant 5 : i32
    %swap3A_997 = arith.index_cast %swap3A_996 : i32 to index
    %swap3A_998 = arith.constant 32 : index
    %swap3A_999 = tpu.vector_load %arg11[%swap3A_997, %swap3A_998] {strides = array<i32>} : memref<8x128xi32, #tpu.memory_space<vmem>>, vector<1x16xi32>,
    %swap3A_1000 = vector.shape_cast %swap3A_999 : vector<1x16xi32> to vector<16xi32>
    %swap3A_1001 = vector.shape_cast %add3A_995 : vector<16xi32> to vector<1x16xi32>
    tpu.vector_store %arg11[%swap3A_997, %swap3A_998], %swap3A_1001 {strides = array<i32>} : memref<8x128xi32, #tpu.memory_space<vmem>>, vector<1x16xi32>,
    %get3A_1002 = arith.constant 688 : index
    %get3A_1003 = tpu.vector_load %arg7[%get3A_1002] {strides = array<i32>} : memref<1024xi32, #tpu.memory_space<vmem>>, vector<16xi32>,
    %get3A_1004 = vector.shape_cast %get3A_1003 : vector<16xi32> to vector<16xi32>
    %get3A_1005 = arith.constant 688 : index
    %get3A_1006 = tpu.vector_load %arg8[%get3A_1005] {strides = array<i32>} : memref<1024xi32, #tpu.memory_space<vmem>>, vector<16xi32>,
    %get3A_1007 = vector.shape_cast %get3A_1006 : vector<16xi32> to vector<16xi32>
    %mul3A_1008 = arith.constant 4096 : i32
    %mul3A_1009 = vector.broadcast %mul3A_1008 : i32 to vector<16xi32>
    %mul3A_1010 = arith.muli %get3A_1004, %mul3A_1009 : vector<16xi32>
    %add3A_1011 = arith.constant 4095 : i32
    %add3A_1012 = vector.broadcast %add3A_1011 : i32 to vector<16xi32>
    %add3A_1013 = arith.addi %get3A_1007, %add3A_1012 : vector<16xi32>
    %and3A_1014 = arith.constant 4095 : i32
    %and3A_1015 = vector.broadcast %and3A_1014 : i32 to vector<16xi32>
    %and3A_1016 = arith.andi %add3A_1013, %and3A_1015 : vector<16xi32>
    %add3A_1017 = arith.addi %mul3A_1010, %and3A_1016 : vector<16xi32>
    %swap3A_1018 = arith.constant 5 : i32
    %swap3A_1019 = arith.index_cast %swap3A_1018 : i32 to index
    %swap3A_1020 = arith.constant 48 : index
    %swap3A_1021 = tpu.vector_load %arg11[%swap3A_1019, %swap3A_1020] {strides = array<i32>} : memref<8x128xi32, #tpu.memory_space<vmem>>, vector<1x16xi32>,
    %swap3A_1022 = vector.shape_cast %swap3A_1021 : vector<1x16xi32> to vector<16xi32>
    %swap3A_1023 = vector.shape_cast %add3A_1017 : vector<16xi32> to vector<1x16xi32>
    tpu.vector_store %arg11[%swap3A_1019, %swap3A_1020], %swap3A_1023 {strides = array<i32>} : memref<8x128xi32, #tpu.memory_space<vmem>>, vector<1x16xi32>,
    %get3A_1024 = arith.constant 704 : index
    %get3A_1025 = tpu.vector_load %arg7[%get3A_1024] {strides = array<i32>} : memref<1024xi32, #tpu.memory_space<vmem>>, vector<16xi32>,
    %get3A_1026 = vector.shape_cast %get3A_1025 : vector<16xi32> to vector<16xi32>
    %get3A_1027 = arith.constant 704 : index
    %get3A_1028 = tpu.vector_load %arg8[%get3A_1027] {strides = array<i32>} : memref<1024xi32, #tpu.memory_space<vmem>>, vector<16xi32>,
    %get3A_1029 = vector.shape_cast %get3A_1028 : vector<16xi32> to vector<16xi32>
    %mul3A_1030 = arith.constant 4096 : i32
    %mul3A_1031 = vector.broadcast %mul3A_1030 : i32 to vector<16xi32>
    %mul3A_1032 = arith.muli %get3A_1026, %mul3A_1031 : vector<16xi32>
    %add3A_1033 = arith.constant 4095 : i32
    %add3A_1034 = vector.broadcast %add3A_1033 : i32 to vector<16xi32>
    %add3A_1035 = arith.addi %get3A_1029, %add3A_1034 : vector<16xi32>
    %and3A_1036 = arith.constant 4095 : i32
    %and3A_1037 = vector.broadcast %and3A_1036 : i32 to vector<16xi32>
    %and3A_1038 = arith.andi %add3A_1035, %and3A_1037 : vector<16xi32>
    %add3A_1039 = arith.addi %mul3A_1032, %and3A_1038 : vector<16xi32>
    %swap3A_1040 = arith.constant 5 : i32
    %swap3A_1041 = arith.index_cast %swap3A_1040 : i32 to index
    %swap3A_1042 = arith.constant 64 : index
    %swap3A_1043 = tpu.vector_load %arg11[%swap3A_1041, %swap3A_1042] {strides = array<i32>} : memref<8x128xi32, #tpu.memory_space<vmem>>, vector<1x16xi32>,
    %swap3A_1044 = vector.shape_cast %swap3A_1043 : vector<1x16xi32> to vector<16xi32>
    %swap3A_1045 = vector.shape_cast %add3A_1039 : vector<16xi32> to vector<1x16xi32>
    tpu.vector_store %arg11[%swap3A_1041, %swap3A_1042], %swap3A_1045 {strides = array<i32>} : memref<8x128xi32, #tpu.memory_space<vmem>>, vector<1x16xi32>,
    %get3A_1046 = arith.constant 720 : index
    %get3A_1047 = tpu.vector_load %arg7[%get3A_1046] {strides = array<i32>} : memref<1024xi32, #tpu.memory_space<vmem>>, vector<16xi32>,
    %get3A_1048 = vector.shape_cast %get3A_1047 : vector<16xi32> to vector<16xi32>
    %get3A_1049 = arith.constant 720 : index
    %get3A_1050 = tpu.vector_load %arg8[%get3A_1049] {strides = array<i32>} : memref<1024xi32, #tpu.memory_space<vmem>>, vector<16xi32>,
    %get3A_1051 = vector.shape_cast %get3A_1050 : vector<16xi32> to vector<16xi32>
    %mul3A_1052 = arith.constant 4096 : i32
    %mul3A_1053 = vector.broadcast %mul3A_1052 : i32 to vector<16xi32>
    %mul3A_1054 = arith.muli %get3A_1048, %mul3A_1053 : vector<16xi32>
    %add3A_1055 = arith.constant 4095 : i32
    %add3A_1056 = vector.broadcast %add3A_1055 : i32 to vector<16xi32>
    %add3A_1057 = arith.addi %get3A_1051, %add3A_1056 : vector<16xi32>
    %and3A_1058 = arith.constant 4095 : i32
    %and3A_1059 = vector.broadcast %and3A_1058 : i32 to vector<16xi32>
    %and3A_1060 = arith.andi %add3A_1057, %and3A_1059 : vector<16xi32>
    %add3A_1061 = arith.addi %mul3A_1054, %and3A_1060 : vector<16xi32>
    %swap3A_1062 = arith.constant 5 : i32
    %swap3A_1063 = arith.index_cast %swap3A_1062 : i32 to index
    %swap3A_1064 = arith.constant 80 : index
    %swap3A_1065 = tpu.vector_load %arg11[%swap3A_1063, %swap3A_1064] {strides = array<i32>} : memref<8x128xi32, #tpu.memory_space<vmem>>, vector<1x16xi32>,
    %swap3A_1066 = vector.shape_cast %swap3A_1065 : vector<1x16xi32> to vector<16xi32>
    %swap3A_1067 = vector.shape_cast %add3A_1061 : vector<16xi32> to vector<1x16xi32>
    tpu.vector_store %arg11[%swap3A_1063, %swap3A_1064], %swap3A_1067 {strides = array<i32>} : memref<8x128xi32, #tpu.memory_space<vmem>>, vector<1x16xi32>,
    %get3A_1068 = arith.constant 736 : index
    %get3A_1069 = tpu.vector_load %arg7[%get3A_1068] {strides = array<i32>} : memref<1024xi32, #tpu.memory_space<vmem>>, vector<16xi32>,
    %get3A_1070 = vector.shape_cast %get3A_1069 : vector<16xi32> to vector<16xi32>
    %get3A_1071 = arith.constant 736 : index
    %get3A_1072 = tpu.vector_load %arg8[%get3A_1071] {strides = array<i32>} : memref<1024xi32, #tpu.memory_space<vmem>>, vector<16xi32>,
    %get3A_1073 = vector.shape_cast %get3A_1072 : vector<16xi32> to vector<16xi32>
    %mul3A_1074 = arith.constant 4096 : i32
    %mul3A_1075 = vector.broadcast %mul3A_1074 : i32 to vector<16xi32>
    %mul3A_1076 = arith.muli %get3A_1070, %mul3A_1075 : vector<16xi32>
    %add3A_1077 = arith.constant 4095 : i32
    %add3A_1078 = vector.broadcast %add3A_1077 : i32 to vector<16xi32>
    %add3A_1079 = arith.addi %get3A_1073, %add3A_1078 : vector<16xi32>
    %and3A_1080 = arith.constant 4095 : i32
    %and3A_1081 = vector.broadcast %and3A_1080 : i32 to vector<16xi32>
    %and3A_1082 = arith.andi %add3A_1079, %and3A_1081 : vector<16xi32>
    %add3A_1083 = arith.addi %mul3A_1076, %and3A_1082 : vector<16xi32>
    %swap3A_1084 = arith.constant 5 : i32
    %swap3A_1085 = arith.index_cast %swap3A_1084 : i32 to index
    %swap3A_1086 = arith.constant 96 : index
    %swap3A_1087 = tpu.vector_load %arg11[%swap3A_1085, %swap3A_1086] {strides = array<i32>} : memref<8x128xi32, #tpu.memory_space<vmem>>, vector<1x16xi32>,
    %swap3A_1088 = vector.shape_cast %swap3A_1087 : vector<1x16xi32> to vector<16xi32>
    %swap3A_1089 = vector.shape_cast %add3A_1083 : vector<16xi32> to vector<1x16xi32>
    tpu.vector_store %arg11[%swap3A_1085, %swap3A_1086], %swap3A_1089 {strides = array<i32>} : memref<8x128xi32, #tpu.memory_space<vmem>>, vector<1x16xi32>,
    %get3A_1090 = arith.constant 752 : index
    %get3A_1091 = tpu.vector_load %arg7[%get3A_1090] {strides = array<i32>} : memref<1024xi32, #tpu.memory_space<vmem>>, vector<16xi32>,
    %get3A_1092 = vector.shape_cast %get3A_1091 : vector<16xi32> to vector<16xi32>
    %get3A_1093 = arith.constant 752 : index
    %get3A_1094 = tpu.vector_load %arg8[%get3A_1093] {strides = array<i32>} : memref<1024xi32, #tpu.memory_space<vmem>>, vector<16xi32>,
    %get3A_1095 = vector.shape_cast %get3A_1094 : vector<16xi32> to vector<16xi32>
    %mul3A_1096 = arith.constant 4096 : i32
    %mul3A_1097 = vector.broadcast %mul3A_1096 : i32 to vector<16xi32>
    %mul3A_1098 = arith.muli %get3A_1092, %mul3A_1097 : vector<16xi32>
    %add3A_1099 = arith.constant 4095 : i32
    %add3A_1100 = vector.broadcast %add3A_1099 : i32 to vector<16xi32>
    %add3A_1101 = arith.addi %get3A_1095, %add3A_1100 : vector<16xi32>
    %and3A_1102 = arith.constant 4095 : i32
    %and3A_1103 = vector.broadcast %and3A_1102 : i32 to vector<16xi32>
    %and3A_1104 = arith.andi %add3A_1101, %and3A_1103 : vector<16xi32>
    %add3A_1105 = arith.addi %mul3A_1098, %and3A_1104 : vector<16xi32>
    %swap3A_1106 = arith.constant 5 : i32
    %swap3A_1107 = arith.index_cast %swap3A_1106 : i32 to index
    %swap3A_1108 = arith.constant 112 : index
    %swap3A_1109 = tpu.vector_load %arg11[%swap3A_1107, %swap3A_1108] {strides = array<i32>} : memref<8x128xi32, #tpu.memory_space<vmem>>, vector<1x16xi32>,
    %swap3A_1110 = vector.shape_cast %swap3A_1109 : vector<1x16xi32> to vector<16xi32>
    %swap3A_1111 = vector.shape_cast %add3A_1105 : vector<16xi32> to vector<1x16xi32>
    tpu.vector_store %arg11[%swap3A_1107, %swap3A_1108], %swap3A_1111 {strides = array<i32>} : memref<8x128xi32, #tpu.memory_space<vmem>>, vector<1x16xi32>,
    %dma_start3A_1112 = arith.constant 5 : i32
    %dma_start3A_1113 = arith.constant 640 : i32
    %dma_start3A_1114 = tpu.memref_slice %arg10[%dma_start3A_1113] : memref<1024xi32, #tpu.memory_space<vmem>> -> memref<128xi32, #tpu.memory_space<vmem>>
    %dma_start3A_1115 = arith.constant 0 : i32
    %dma_start3A_1116 = tpu.memref_slice %arg11[%dma_start3A_1112, %dma_start3A_1115] : memref<8x128xi32, #tpu.memory_space<vmem>> -> memref<1x128xi32, #tpu.memory_space<vmem>>
    %dma_start3A_1117 = tpu.memref_squeeze %dma_start3A_1116 : memref<1x128xi32, #tpu.memory_space<vmem>> -> memref<128xi32, #tpu.memory_space<vmem>>
    %dma_start3A_1118 = arith.constant 0 : i32
    %dma_start3A_1119 = tpu.memref_slice %arg3[%dma_start3A_1118] : memref<65536xi32, #tpu.memory_space<hbm>> -> memref<65536xi32, #tpu.memory_space<hbm>>
    tpu.enqueue_indirect_dma source(%dma_start3A_1119 : memref<65536xi32, #tpu.memory_space<hbm>>) target(%dma_start3A_1114 : memref<128xi32, #tpu.memory_space<vmem>>) offsets(%dma_start3A_1117 : memref<128xi32, #tpu.memory_space<vmem>>) semaphore(%arg15 : memref<!tpu.dma_semaphore, #tpu.memory_space<semaphore_mem>>)
    %get3A_1120 = arith.constant 768 : index
    %get3A_1121 = tpu.vector_load %arg7[%get3A_1120] {strides = array<i32>} : memref<1024xi32, #tpu.memory_space<vmem>>, vector<16xi32>,
    %get3A_1122 = vector.shape_cast %get3A_1121 : vector<16xi32> to vector<16xi32>
    %get3A_1123 = arith.constant 768 : index
    %get3A_1124 = tpu.vector_load %arg8[%get3A_1123] {strides = array<i32>} : memref<1024xi32, #tpu.memory_space<vmem>>, vector<16xi32>,
    %get3A_1125 = vector.shape_cast %get3A_1124 : vector<16xi32> to vector<16xi32>
    %mul3A_1126 = arith.constant 4096 : i32
    %mul3A_1127 = vector.broadcast %mul3A_1126 : i32 to vector<16xi32>
    %mul3A_1128 = arith.muli %get3A_1122, %mul3A_1127 : vector<16xi32>
    %add3A_1129 = arith.constant 4095 : i32
    %add3A_1130 = vector.broadcast %add3A_1129 : i32 to vector<16xi32>
    %add3A_1131 = arith.addi %get3A_1125, %add3A_1130 : vector<16xi32>
    %and3A_1132 = arith.constant 4095 : i32
    %and3A_1133 = vector.broadcast %and3A_1132 : i32 to vector<16xi32>
    %and3A_1134 = arith.andi %add3A_1131, %and3A_1133 : vector<16xi32>
    %add3A_1135 = arith.addi %mul3A_1128, %and3A_1134 : vector<16xi32>
    %swap3A_1136 = arith.constant 6 : i32
    %swap3A_1137 = arith.index_cast %swap3A_1136 : i32 to index
    %swap3A_1138 = arith.constant 0 : index
    %swap3A_1139 = tpu.vector_load %arg11[%swap3A_1137, %swap3A_1138] {strides = array<i32>} : memref<8x128xi32, #tpu.memory_space<vmem>>, vector<1x16xi32>,
    %swap3A_1140 = vector.shape_cast %swap3A_1139 : vector<1x16xi32> to vector<16xi32>
    %swap3A_1141 = vector.shape_cast %add3A_1135 : vector<16xi32> to vector<1x16xi32>
    tpu.vector_store %arg11[%swap3A_1137, %swap3A_1138], %swap3A_1141 {strides = array<i32>} : memref<8x128xi32, #tpu.memory_space<vmem>>, vector<1x16xi32>,
    %get3A_1142 = arith.constant 784 : index
    %get3A_1143 = tpu.vector_load %arg7[%get3A_1142] {strides = array<i32>} : memref<1024xi32, #tpu.memory_space<vmem>>, vector<16xi32>,
    %get3A_1144 = vector.shape_cast %get3A_1143 : vector<16xi32> to vector<16xi32>
    %get3A_1145 = arith.constant 784 : index
    %get3A_1146 = tpu.vector_load %arg8[%get3A_1145] {strides = array<i32>} : memref<1024xi32, #tpu.memory_space<vmem>>, vector<16xi32>,
    %get3A_1147 = vector.shape_cast %get3A_1146 : vector<16xi32> to vector<16xi32>
    %mul3A_1148 = arith.constant 4096 : i32
    %mul3A_1149 = vector.broadcast %mul3A_1148 : i32 to vector<16xi32>
    %mul3A_1150 = arith.muli %get3A_1144, %mul3A_1149 : vector<16xi32>
    %add3A_1151 = arith.constant 4095 : i32
    %add3A_1152 = vector.broadcast %add3A_1151 : i32 to vector<16xi32>
    %add3A_1153 = arith.addi %get3A_1147, %add3A_1152 : vector<16xi32>
    %and3A_1154 = arith.constant 4095 : i32
    %and3A_1155 = vector.broadcast %and3A_1154 : i32 to vector<16xi32>
    %and3A_1156 = arith.andi %add3A_1153, %and3A_1155 : vector<16xi32>
    %add3A_1157 = arith.addi %mul3A_1150, %and3A_1156 : vector<16xi32>
    %swap3A_1158 = arith.constant 6 : i32
    %swap3A_1159 = arith.index_cast %swap3A_1158 : i32 to index
    %swap3A_1160 = arith.constant 16 : index
    %swap3A_1161 = tpu.vector_load %arg11[%swap3A_1159, %swap3A_1160] {strides = array<i32>} : memref<8x128xi32, #tpu.memory_space<vmem>>, vector<1x16xi32>,
    %swap3A_1162 = vector.shape_cast %swap3A_1161 : vector<1x16xi32> to vector<16xi32>
    %swap3A_1163 = vector.shape_cast %add3A_1157 : vector<16xi32> to vector<1x16xi32>
    tpu.vector_store %arg11[%swap3A_1159, %swap3A_1160], %swap3A_1163 {strides = array<i32>} : memref<8x128xi32, #tpu.memory_space<vmem>>, vector<1x16xi32>,
    %get3A_1164 = arith.constant 800 : index
    %get3A_1165 = tpu.vector_load %arg7[%get3A_1164] {strides = array<i32>} : memref<1024xi32, #tpu.memory_space<vmem>>, vector<16xi32>,
    %get3A_1166 = vector.shape_cast %get3A_1165 : vector<16xi32> to vector<16xi32>
    %get3A_1167 = arith.constant 800 : index
    %get3A_1168 = tpu.vector_load %arg8[%get3A_1167] {strides = array<i32>} : memref<1024xi32, #tpu.memory_space<vmem>>, vector<16xi32>,
    %get3A_1169 = vector.shape_cast %get3A_1168 : vector<16xi32> to vector<16xi32>
    %mul3A_1170 = arith.constant 4096 : i32
    %mul3A_1171 = vector.broadcast %mul3A_1170 : i32 to vector<16xi32>
    %mul3A_1172 = arith.muli %get3A_1166, %mul3A_1171 : vector<16xi32>
    %add3A_1173 = arith.constant 4095 : i32
    %add3A_1174 = vector.broadcast %add3A_1173 : i32 to vector<16xi32>
    %add3A_1175 = arith.addi %get3A_1169, %add3A_1174 : vector<16xi32>
    %and3A_1176 = arith.constant 4095 : i32
    %and3A_1177 = vector.broadcast %and3A_1176 : i32 to vector<16xi32>
    %and3A_1178 = arith.andi %add3A_1175, %and3A_1177 : vector<16xi32>
    %add3A_1179 = arith.addi %mul3A_1172, %and3A_1178 : vector<16xi32>
    %swap3A_1180 = arith.constant 6 : i32
    %swap3A_1181 = arith.index_cast %swap3A_1180 : i32 to index
    %swap3A_1182 = arith.constant 32 : index
    %swap3A_1183 = tpu.vector_load %arg11[%swap3A_1181, %swap3A_1182] {strides = array<i32>} : memref<8x128xi32, #tpu.memory_space<vmem>>, vector<1x16xi32>,
    %swap3A_1184 = vector.shape_cast %swap3A_1183 : vector<1x16xi32> to vector<16xi32>
    %swap3A_1185 = vector.shape_cast %add3A_1179 : vector<16xi32> to vector<1x16xi32>
    tpu.vector_store %arg11[%swap3A_1181, %swap3A_1182], %swap3A_1185 {strides = array<i32>} : memref<8x128xi32, #tpu.memory_space<vmem>>, vector<1x16xi32>,
    %get3A_1186 = arith.constant 816 : index
    %get3A_1187 = tpu.vector_load %arg7[%get3A_1186] {strides = array<i32>} : memref<1024xi32, #tpu.memory_space<vmem>>, vector<16xi32>,
    %get3A_1188 = vector.shape_cast %get3A_1187 : vector<16xi32> to vector<16xi32>
    %get3A_1189 = arith.constant 816 : index
    %get3A_1190 = tpu.vector_load %arg8[%get3A_1189] {strides = array<i32>} : memref<1024xi32, #tpu.memory_space<vmem>>, vector<16xi32>,
    %get3A_1191 = vector.shape_cast %get3A_1190 : vector<16xi32> to vector<16xi32>
    %mul3A_1192 = arith.constant 4096 : i32
    %mul3A_1193 = vector.broadcast %mul3A_1192 : i32 to vector<16xi32>
    %mul3A_1194 = arith.muli %get3A_1188, %mul3A_1193 : vector<16xi32>
    %add3A_1195 = arith.constant 4095 : i32
    %add3A_1196 = vector.broadcast %add3A_1195 : i32 to vector<16xi32>
    %add3A_1197 = arith.addi %get3A_1191, %add3A_1196 : vector<16xi32>
    %and3A_1198 = arith.constant 4095 : i32
    %and3A_1199 = vector.broadcast %and3A_1198 : i32 to vector<16xi32>
    %and3A_1200 = arith.andi %add3A_1197, %and3A_1199 : vector<16xi32>
    %add3A_1201 = arith.addi %mul3A_1194, %and3A_1200 : vector<16xi32>
    %swap3A_1202 = arith.constant 6 : i32
    %swap3A_1203 = arith.index_cast %swap3A_1202 : i32 to index
    %swap3A_1204 = arith.constant 48 : index
    %swap3A_1205 = tpu.vector_load %arg11[%swap3A_1203, %swap3A_1204] {strides = array<i32>} : memref<8x128xi32, #tpu.memory_space<vmem>>, vector<1x16xi32>,
    %swap3A_1206 = vector.shape_cast %swap3A_1205 : vector<1x16xi32> to vector<16xi32>
    %swap3A_1207 = vector.shape_cast %add3A_1201 : vector<16xi32> to vector<1x16xi32>
    tpu.vector_store %arg11[%swap3A_1203, %swap3A_1204], %swap3A_1207 {strides = array<i32>} : memref<8x128xi32, #tpu.memory_space<vmem>>, vector<1x16xi32>,
    %get3A_1208 = arith.constant 832 : index
    %get3A_1209 = tpu.vector_load %arg7[%get3A_1208] {strides = array<i32>} : memref<1024xi32, #tpu.memory_space<vmem>>, vector<16xi32>,
    %get3A_1210 = vector.shape_cast %get3A_1209 : vector<16xi32> to vector<16xi32>
    %get3A_1211 = arith.constant 832 : index
    %get3A_1212 = tpu.vector_load %arg8[%get3A_1211] {strides = array<i32>} : memref<1024xi32, #tpu.memory_space<vmem>>, vector<16xi32>,
    %get3A_1213 = vector.shape_cast %get3A_1212 : vector<16xi32> to vector<16xi32>
    %mul3A_1214 = arith.constant 4096 : i32
    %mul3A_1215 = vector.broadcast %mul3A_1214 : i32 to vector<16xi32>
    %mul3A_1216 = arith.muli %get3A_1210, %mul3A_1215 : vector<16xi32>
    %add3A_1217 = arith.constant 4095 : i32
    %add3A_1218 = vector.broadcast %add3A_1217 : i32 to vector<16xi32>
    %add3A_1219 = arith.addi %get3A_1213, %add3A_1218 : vector<16xi32>
    %and3A_1220 = arith.constant 4095 : i32
    %and3A_1221 = vector.broadcast %and3A_1220 : i32 to vector<16xi32>
    %and3A_1222 = arith.andi %add3A_1219, %and3A_1221 : vector<16xi32>
    %add3A_1223 = arith.addi %mul3A_1216, %and3A_1222 : vector<16xi32>
    %swap3A_1224 = arith.constant 6 : i32
    %swap3A_1225 = arith.index_cast %swap3A_1224 : i32 to index
    %swap3A_1226 = arith.constant 64 : index
    %swap3A_1227 = tpu.vector_load %arg11[%swap3A_1225, %swap3A_1226] {strides = array<i32>} : memref<8x128xi32, #tpu.memory_space<vmem>>, vector<1x16xi32>,
    %swap3A_1228 = vector.shape_cast %swap3A_1227 : vector<1x16xi32> to vector<16xi32>
    %swap3A_1229 = vector.shape_cast %add3A_1223 : vector<16xi32> to vector<1x16xi32>
    tpu.vector_store %arg11[%swap3A_1225, %swap3A_1226], %swap3A_1229 {strides = array<i32>} : memref<8x128xi32, #tpu.memory_space<vmem>>, vector<1x16xi32>,
    %get3A_1230 = arith.constant 848 : index
    %get3A_1231 = tpu.vector_load %arg7[%get3A_1230] {strides = array<i32>} : memref<1024xi32, #tpu.memory_space<vmem>>, vector<16xi32>,
    %get3A_1232 = vector.shape_cast %get3A_1231 : vector<16xi32> to vector<16xi32>
    %get3A_1233 = arith.constant 848 : index
    %get3A_1234 = tpu.vector_load %arg8[%get3A_1233] {strides = array<i32>} : memref<1024xi32, #tpu.memory_space<vmem>>, vector<16xi32>,
    %get3A_1235 = vector.shape_cast %get3A_1234 : vector<16xi32> to vector<16xi32>
    %mul3A_1236 = arith.constant 4096 : i32
    %mul3A_1237 = vector.broadcast %mul3A_1236 : i32 to vector<16xi32>
    %mul3A_1238 = arith.muli %get3A_1232, %mul3A_1237 : vector<16xi32>
    %add3A_1239 = arith.constant 4095 : i32
    %add3A_1240 = vector.broadcast %add3A_1239 : i32 to vector<16xi32>
    %add3A_1241 = arith.addi %get3A_1235, %add3A_1240 : vector<16xi32>
    %and3A_1242 = arith.constant 4095 : i32
    %and3A_1243 = vector.broadcast %and3A_1242 : i32 to vector<16xi32>
    %and3A_1244 = arith.andi %add3A_1241, %and3A_1243 : vector<16xi32>
    %add3A_1245 = arith.addi %mul3A_1238, %and3A_1244 : vector<16xi32>
    %swap3A_1246 = arith.constant 6 : i32
    %swap3A_1247 = arith.index_cast %swap3A_1246 : i32 to index
    %swap3A_1248 = arith.constant 80 : index
    %swap3A_1249 = tpu.vector_load %arg11[%swap3A_1247, %swap3A_1248] {strides = array<i32>} : memref<8x128xi32, #tpu.memory_space<vmem>>, vector<1x16xi32>,
    %swap3A_1250 = vector.shape_cast %swap3A_1249 : vector<1x16xi32> to vector<16xi32>
    %swap3A_1251 = vector.shape_cast %add3A_1245 : vector<16xi32> to vector<1x16xi32>
    tpu.vector_store %arg11[%swap3A_1247, %swap3A_1248], %swap3A_1251 {strides = array<i32>} : memref<8x128xi32, #tpu.memory_space<vmem>>, vector<1x16xi32>,
    %get3A_1252 = arith.constant 864 : index
    %get3A_1253 = tpu.vector_load %arg7[%get3A_1252] {strides = array<i32>} : memref<1024xi32, #tpu.memory_space<vmem>>, vector<16xi32>,
    %get3A_1254 = vector.shape_cast %get3A_1253 : vector<16xi32> to vector<16xi32>
    %get3A_1255 = arith.constant 864 : index
    %get3A_1256 = tpu.vector_load %arg8[%get3A_1255] {strides = array<i32>} : memref<1024xi32, #tpu.memory_space<vmem>>, vector<16xi32>,
    %get3A_1257 = vector.shape_cast %get3A_1256 : vector<16xi32> to vector<16xi32>
    %mul3A_1258 = arith.constant 4096 : i32
    %mul3A_1259 = vector.broadcast %mul3A_1258 : i32 to vector<16xi32>
    %mul3A_1260 = arith.muli %get3A_1254, %mul3A_1259 : vector<16xi32>
    %add3A_1261 = arith.constant 4095 : i32
    %add3A_1262 = vector.broadcast %add3A_1261 : i32 to vector<16xi32>
    %add3A_1263 = arith.addi %get3A_1257, %add3A_1262 : vector<16xi32>
    %and3A_1264 = arith.constant 4095 : i32
    %and3A_1265 = vector.broadcast %and3A_1264 : i32 to vector<16xi32>
    %and3A_1266 = arith.andi %add3A_1263, %and3A_1265 : vector<16xi32>
    %add3A_1267 = arith.addi %mul3A_1260, %and3A_1266 : vector<16xi32>
    %swap3A_1268 = arith.constant 6 : i32
    %swap3A_1269 = arith.index_cast %swap3A_1268 : i32 to index
    %swap3A_1270 = arith.constant 96 : index
    %swap3A_1271 = tpu.vector_load %arg11[%swap3A_1269, %swap3A_1270] {strides = array<i32>} : memref<8x128xi32, #tpu.memory_space<vmem>>, vector<1x16xi32>,
    %swap3A_1272 = vector.shape_cast %swap3A_1271 : vector<1x16xi32> to vector<16xi32>
    %swap3A_1273 = vector.shape_cast %add3A_1267 : vector<16xi32> to vector<1x16xi32>
    tpu.vector_store %arg11[%swap3A_1269, %swap3A_1270], %swap3A_1273 {strides = array<i32>} : memref<8x128xi32, #tpu.memory_space<vmem>>, vector<1x16xi32>,
    %get3A_1274 = arith.constant 880 : index
    %get3A_1275 = tpu.vector_load %arg7[%get3A_1274] {strides = array<i32>} : memref<1024xi32, #tpu.memory_space<vmem>>, vector<16xi32>,
    %get3A_1276 = vector.shape_cast %get3A_1275 : vector<16xi32> to vector<16xi32>
    %get3A_1277 = arith.constant 880 : index
    %get3A_1278 = tpu.vector_load %arg8[%get3A_1277] {strides = array<i32>} : memref<1024xi32, #tpu.memory_space<vmem>>, vector<16xi32>,
    %get3A_1279 = vector.shape_cast %get3A_1278 : vector<16xi32> to vector<16xi32>
    %mul3A_1280 = arith.constant 4096 : i32
    %mul3A_1281 = vector.broadcast %mul3A_1280 : i32 to vector<16xi32>
    %mul3A_1282 = arith.muli %get3A_1276, %mul3A_1281 : vector<16xi32>
    %add3A_1283 = arith.constant 4095 : i32
    %add3A_1284 = vector.broadcast %add3A_1283 : i32 to vector<16xi32>
    %add3A_1285 = arith.addi %get3A_1279, %add3A_1284 : vector<16xi32>
    %and3A_1286 = arith.constant 4095 : i32
    %and3A_1287 = vector.broadcast %and3A_1286 : i32 to vector<16xi32>
    %and3A_1288 = arith.andi %add3A_1285, %and3A_1287 : vector<16xi32>
    %add3A_1289 = arith.addi %mul3A_1282, %and3A_1288 : vector<16xi32>
    %swap3A_1290 = arith.constant 6 : i32
    %swap3A_1291 = arith.index_cast %swap3A_1290 : i32 to index
    %swap3A_1292 = arith.constant 112 : index
    %swap3A_1293 = tpu.vector_load %arg11[%swap3A_1291, %swap3A_1292] {strides = array<i32>} : memref<8x128xi32, #tpu.memory_space<vmem>>, vector<1x16xi32>,
    %swap3A_1294 = vector.shape_cast %swap3A_1293 : vector<1x16xi32> to vector<16xi32>
    %swap3A_1295 = vector.shape_cast %add3A_1289 : vector<16xi32> to vector<1x16xi32>
    tpu.vector_store %arg11[%swap3A_1291, %swap3A_1292], %swap3A_1295 {strides = array<i32>} : memref<8x128xi32, #tpu.memory_space<vmem>>, vector<1x16xi32>,
    %dma_start3A_1296 = arith.constant 6 : i32
    %dma_start3A_1297 = arith.constant 768 : i32
    %dma_start3A_1298 = tpu.memref_slice %arg10[%dma_start3A_1297] : memref<1024xi32, #tpu.memory_space<vmem>> -> memref<128xi32, #tpu.memory_space<vmem>>
    %dma_start3A_1299 = arith.constant 0 : i32
    %dma_start3A_1300 = tpu.memref_slice %arg11[%dma_start3A_1296, %dma_start3A_1299] : memref<8x128xi32, #tpu.memory_space<vmem>> -> memref<1x128xi32, #tpu.memory_space<vmem>>
    %dma_start3A_1301 = tpu.memref_squeeze %dma_start3A_1300 : memref<1x128xi32, #tpu.memory_space<vmem>> -> memref<128xi32, #tpu.memory_space<vmem>>
    %dma_start3A_1302 = arith.constant 0 : i32
    %dma_start3A_1303 = tpu.memref_slice %arg3[%dma_start3A_1302] : memref<65536xi32, #tpu.memory_space<hbm>> -> memref<65536xi32, #tpu.memory_space<hbm>>
    tpu.enqueue_indirect_dma source(%dma_start3A_1303 : memref<65536xi32, #tpu.memory_space<hbm>>) target(%dma_start3A_1298 : memref<128xi32, #tpu.memory_space<vmem>>) offsets(%dma_start3A_1301 : memref<128xi32, #tpu.memory_space<vmem>>) semaphore(%arg15 : memref<!tpu.dma_semaphore, #tpu.memory_space<semaphore_mem>>)
    %get3A_1304 = arith.constant 896 : index
    %get3A_1305 = tpu.vector_load %arg7[%get3A_1304] {strides = array<i32>} : memref<1024xi32, #tpu.memory_space<vmem>>, vector<16xi32>,
    %get3A_1306 = vector.shape_cast %get3A_1305 : vector<16xi32> to vector<16xi32>
    %get3A_1307 = arith.constant 896 : index
    %get3A_1308 = tpu.vector_load %arg8[%get3A_1307] {strides = array<i32>} : memref<1024xi32, #tpu.memory_space<vmem>>, vector<16xi32>,
    %get3A_1309 = vector.shape_cast %get3A_1308 : vector<16xi32> to vector<16xi32>
    %mul3A_1310 = arith.constant 4096 : i32
    %mul3A_1311 = vector.broadcast %mul3A_1310 : i32 to vector<16xi32>
    %mul3A_1312 = arith.muli %get3A_1306, %mul3A_1311 : vector<16xi32>
    %add3A_1313 = arith.constant 4095 : i32
    %add3A_1314 = vector.broadcast %add3A_1313 : i32 to vector<16xi32>
    %add3A_1315 = arith.addi %get3A_1309, %add3A_1314 : vector<16xi32>
    %and3A_1316 = arith.constant 4095 : i32
    %and3A_1317 = vector.broadcast %and3A_1316 : i32 to vector<16xi32>
    %and3A_1318 = arith.andi %add3A_1315, %and3A_1317 : vector<16xi32>
    %add3A_1319 = arith.addi %mul3A_1312, %and3A_1318 : vector<16xi32>
    %swap3A_1320 = arith.constant 7 : i32
    %swap3A_1321 = arith.index_cast %swap3A_1320 : i32 to index
    %swap3A_1322 = arith.constant 0 : index
    %swap3A_1323 = tpu.vector_load %arg11[%swap3A_1321, %swap3A_1322] {strides = array<i32>} : memref<8x128xi32, #tpu.memory_space<vmem>>, vector<1x16xi32>,
    %swap3A_1324 = vector.shape_cast %swap3A_1323 : vector<1x16xi32> to vector<16xi32>
    %swap3A_1325 = vector.shape_cast %add3A_1319 : vector<16xi32> to vector<1x16xi32>
    tpu.vector_store %arg11[%swap3A_1321, %swap3A_1322], %swap3A_1325 {strides = array<i32>} : memref<8x128xi32, #tpu.memory_space<vmem>>, vector<1x16xi32>,
    %get3A_1326 = arith.constant 912 : index
    %get3A_1327 = tpu.vector_load %arg7[%get3A_1326] {strides = array<i32>} : memref<1024xi32, #tpu.memory_space<vmem>>, vector<16xi32>,
    %get3A_1328 = vector.shape_cast %get3A_1327 : vector<16xi32> to vector<16xi32>
    %get3A_1329 = arith.constant 912 : index
    %get3A_1330 = tpu.vector_load %arg8[%get3A_1329] {strides = array<i32>} : memref<1024xi32, #tpu.memory_space<vmem>>, vector<16xi32>,
    %get3A_1331 = vector.shape_cast %get3A_1330 : vector<16xi32> to vector<16xi32>
    %mul3A_1332 = arith.constant 4096 : i32
    %mul3A_1333 = vector.broadcast %mul3A_1332 : i32 to vector<16xi32>
    %mul3A_1334 = arith.muli %get3A_1328, %mul3A_1333 : vector<16xi32>
    %add3A_1335 = arith.constant 4095 : i32
    %add3A_1336 = vector.broadcast %add3A_1335 : i32 to vector<16xi32>
    %add3A_1337 = arith.addi %get3A_1331, %add3A_1336 : vector<16xi32>
    %and3A_1338 = arith.constant 4095 : i32
    %and3A_1339 = vector.broadcast %and3A_1338 : i32 to vector<16xi32>
    %and3A_1340 = arith.andi %add3A_1337, %and3A_1339 : vector<16xi32>
    %add3A_1341 = arith.addi %mul3A_1334, %and3A_1340 : vector<16xi32>
    %swap3A_1342 = arith.constant 7 : i32
    %swap3A_1343 = arith.index_cast %swap3A_1342 : i32 to index
    %swap3A_1344 = arith.constant 16 : index
    %swap3A_1345 = tpu.vector_load %arg11[%swap3A_1343, %swap3A_1344] {strides = array<i32>} : memref<8x128xi32, #tpu.memory_space<vmem>>, vector<1x16xi32>,
    %swap3A_1346 = vector.shape_cast %swap3A_1345 : vector<1x16xi32> to vector<16xi32>
    %swap3A_1347 = vector.shape_cast %add3A_1341 : vector<16xi32> to vector<1x16xi32>
    tpu.vector_store %arg11[%swap3A_1343, %swap3A_1344], %swap3A_1347 {strides = array<i32>} : memref<8x128xi32, #tpu.memory_space<vmem>>, vector<1x16xi32>,
    %get3A_1348 = arith.constant 928 : index
    %get3A_1349 = tpu.vector_load %arg7[%get3A_1348] {strides = array<i32>} : memref<1024xi32, #tpu.memory_space<vmem>>, vector<16xi32>,
    %get3A_1350 = vector.shape_cast %get3A_1349 : vector<16xi32> to vector<16xi32>
    %get3A_1351 = arith.constant 928 : index
    %get3A_1352 = tpu.vector_load %arg8[%get3A_1351] {strides = array<i32>} : memref<1024xi32, #tpu.memory_space<vmem>>, vector<16xi32>,
    %get3A_1353 = vector.shape_cast %get3A_1352 : vector<16xi32> to vector<16xi32>
    %mul3A_1354 = arith.constant 4096 : i32
    %mul3A_1355 = vector.broadcast %mul3A_1354 : i32 to vector<16xi32>
    %mul3A_1356 = arith.muli %get3A_1350, %mul3A_1355 : vector<16xi32>
    %add3A_1357 = arith.constant 4095 : i32
    %add3A_1358 = vector.broadcast %add3A_1357 : i32 to vector<16xi32>
    %add3A_1359 = arith.addi %get3A_1353, %add3A_1358 : vector<16xi32>
    %and3A_1360 = arith.constant 4095 : i32
    %and3A_1361 = vector.broadcast %and3A_1360 : i32 to vector<16xi32>
    %and3A_1362 = arith.andi %add3A_1359, %and3A_1361 : vector<16xi32>
    %add3A_1363 = arith.addi %mul3A_1356, %and3A_1362 : vector<16xi32>
    %swap3A_1364 = arith.constant 7 : i32
    %swap3A_1365 = arith.index_cast %swap3A_1364 : i32 to index
    %swap3A_1366 = arith.constant 32 : index
    %swap3A_1367 = tpu.vector_load %arg11[%swap3A_1365, %swap3A_1366] {strides = array<i32>} : memref<8x128xi32, #tpu.memory_space<vmem>>, vector<1x16xi32>,
    %swap3A_1368 = vector.shape_cast %swap3A_1367 : vector<1x16xi32> to vector<16xi32>
    %swap3A_1369 = vector.shape_cast %add3A_1363 : vector<16xi32> to vector<1x16xi32>
    tpu.vector_store %arg11[%swap3A_1365, %swap3A_1366], %swap3A_1369 {strides = array<i32>} : memref<8x128xi32, #tpu.memory_space<vmem>>, vector<1x16xi32>,
    %get3A_1370 = arith.constant 944 : index
    %get3A_1371 = tpu.vector_load %arg7[%get3A_1370] {strides = array<i32>} : memref<1024xi32, #tpu.memory_space<vmem>>, vector<16xi32>,
    %get3A_1372 = vector.shape_cast %get3A_1371 : vector<16xi32> to vector<16xi32>
    %get3A_1373 = arith.constant 944 : index
    %get3A_1374 = tpu.vector_load %arg8[%get3A_1373] {strides = array<i32>} : memref<1024xi32, #tpu.memory_space<vmem>>, vector<16xi32>,
    %get3A_1375 = vector.shape_cast %get3A_1374 : vector<16xi32> to vector<16xi32>
    %mul3A_1376 = arith.constant 4096 : i32
    %mul3A_1377 = vector.broadcast %mul3A_1376 : i32 to vector<16xi32>
    %mul3A_1378 = arith.muli %get3A_1372, %mul3A_1377 : vector<16xi32>
    %add3A_1379 = arith.constant 4095 : i32
    %add3A_1380 = vector.broadcast %add3A_1379 : i32 to vector<16xi32>
    %add3A_1381 = arith.addi %get3A_1375, %add3A_1380 : vector<16xi32>
    %and3A_1382 = arith.constant 4095 : i32
    %and3A_1383 = vector.broadcast %and3A_1382 : i32 to vector<16xi32>
    %and3A_1384 = arith.andi %add3A_1381, %and3A_1383 : vector<16xi32>
    %add3A_1385 = arith.addi %mul3A_1378, %and3A_1384 : vector<16xi32>
    %swap3A_1386 = arith.constant 7 : i32
    %swap3A_1387 = arith.index_cast %swap3A_1386 : i32 to index
    %swap3A_1388 = arith.constant 48 : index
    %swap3A_1389 = tpu.vector_load %arg11[%swap3A_1387, %swap3A_1388] {strides = array<i32>} : memref<8x128xi32, #tpu.memory_space<vmem>>, vector<1x16xi32>,
    %swap3A_1390 = vector.shape_cast %swap3A_1389 : vector<1x16xi32> to vector<16xi32>
    %swap3A_1391 = vector.shape_cast %add3A_1385 : vector<16xi32> to vector<1x16xi32>
    tpu.vector_store %arg11[%swap3A_1387, %swap3A_1388], %swap3A_1391 {strides = array<i32>} : memref<8x128xi32, #tpu.memory_space<vmem>>, vector<1x16xi32>,
    %get3A_1392 = arith.constant 960 : index
    %get3A_1393 = tpu.vector_load %arg7[%get3A_1392] {strides = array<i32>} : memref<1024xi32, #tpu.memory_space<vmem>>, vector<16xi32>,
    %get3A_1394 = vector.shape_cast %get3A_1393 : vector<16xi32> to vector<16xi32>
    %get3A_1395 = arith.constant 960 : index
    %get3A_1396 = tpu.vector_load %arg8[%get3A_1395] {strides = array<i32>} : memref<1024xi32, #tpu.memory_space<vmem>>, vector<16xi32>,
    %get3A_1397 = vector.shape_cast %get3A_1396 : vector<16xi32> to vector<16xi32>
    %mul3A_1398 = arith.constant 4096 : i32
    %mul3A_1399 = vector.broadcast %mul3A_1398 : i32 to vector<16xi32>
    %mul3A_1400 = arith.muli %get3A_1394, %mul3A_1399 : vector<16xi32>
    %add3A_1401 = arith.constant 4095 : i32
    %add3A_1402 = vector.broadcast %add3A_1401 : i32 to vector<16xi32>
    %add3A_1403 = arith.addi %get3A_1397, %add3A_1402 : vector<16xi32>
    %and3A_1404 = arith.constant 4095 : i32
    %and3A_1405 = vector.broadcast %and3A_1404 : i32 to vector<16xi32>
    %and3A_1406 = arith.andi %add3A_1403, %and3A_1405 : vector<16xi32>
    %add3A_1407 = arith.addi %mul3A_1400, %and3A_1406 : vector<16xi32>
    %swap3A_1408 = arith.constant 7 : i32
    %swap3A_1409 = arith.index_cast %swap3A_1408 : i32 to index
    %swap3A_1410 = arith.constant 64 : index
    %swap3A_1411 = tpu.vector_load %arg11[%swap3A_1409, %swap3A_1410] {strides = array<i32>} : memref<8x128xi32, #tpu.memory_space<vmem>>, vector<1x16xi32>,
    %swap3A_1412 = vector.shape_cast %swap3A_1411 : vector<1x16xi32> to vector<16xi32>
    %swap3A_1413 = vector.shape_cast %add3A_1407 : vector<16xi32> to vector<1x16xi32>
    tpu.vector_store %arg11[%swap3A_1409, %swap3A_1410], %swap3A_1413 {strides = array<i32>} : memref<8x128xi32, #tpu.memory_space<vmem>>, vector<1x16xi32>,
    %get3A_1414 = arith.constant 976 : index
    %get3A_1415 = tpu.vector_load %arg7[%get3A_1414] {strides = array<i32>} : memref<1024xi32, #tpu.memory_space<vmem>>, vector<16xi32>,
    %get3A_1416 = vector.shape_cast %get3A_1415 : vector<16xi32> to vector<16xi32>
    %get3A_1417 = arith.constant 976 : index
    %get3A_1418 = tpu.vector_load %arg8[%get3A_1417] {strides = array<i32>} : memref<1024xi32, #tpu.memory_space<vmem>>, vector<16xi32>,
    %get3A_1419 = vector.shape_cast %get3A_1418 : vector<16xi32> to vector<16xi32>
    %mul3A_1420 = arith.constant 4096 : i32
    %mul3A_1421 = vector.broadcast %mul3A_1420 : i32 to vector<16xi32>
    %mul3A_1422 = arith.muli %get3A_1416, %mul3A_1421 : vector<16xi32>
    %add3A_1423 = arith.constant 4095 : i32
    %add3A_1424 = vector.broadcast %add3A_1423 : i32 to vector<16xi32>
    %add3A_1425 = arith.addi %get3A_1419, %add3A_1424 : vector<16xi32>
    %and3A_1426 = arith.constant 4095 : i32
    %and3A_1427 = vector.broadcast %and3A_1426 : i32 to vector<16xi32>
    %and3A_1428 = arith.andi %add3A_1425, %and3A_1427 : vector<16xi32>
    %add3A_1429 = arith.addi %mul3A_1422, %and3A_1428 : vector<16xi32>
    %swap3A_1430 = arith.constant 7 : i32
    %swap3A_1431 = arith.index_cast %swap3A_1430 : i32 to index
    %swap3A_1432 = arith.constant 80 : index
    %swap3A_1433 = tpu.vector_load %arg11[%swap3A_1431, %swap3A_1432] {strides = array<i32>} : memref<8x128xi32, #tpu.memory_space<vmem>>, vector<1x16xi32>,
    %swap3A_1434 = vector.shape_cast %swap3A_1433 : vector<1x16xi32> to vector<16xi32>
    %swap3A_1435 = vector.shape_cast %add3A_1429 : vector<16xi32> to vector<1x16xi32>
    tpu.vector_store %arg11[%swap3A_1431, %swap3A_1432], %swap3A_1435 {strides = array<i32>} : memref<8x128xi32, #tpu.memory_space<vmem>>, vector<1x16xi32>,
    %get3A_1436 = arith.constant 992 : index
    %get3A_1437 = tpu.vector_load %arg7[%get3A_1436] {strides = array<i32>} : memref<1024xi32, #tpu.memory_space<vmem>>, vector<16xi32>,
    %get3A_1438 = vector.shape_cast %get3A_1437 : vector<16xi32> to vector<16xi32>
    %get3A_1439 = arith.constant 992 : index
    %get3A_1440 = tpu.vector_load %arg8[%get3A_1439] {strides = array<i32>} : memref<1024xi32, #tpu.memory_space<vmem>>, vector<16xi32>,
    %get3A_1441 = vector.shape_cast %get3A_1440 : vector<16xi32> to vector<16xi32>
    %mul3A_1442 = arith.constant 4096 : i32
    %mul3A_1443 = vector.broadcast %mul3A_1442 : i32 to vector<16xi32>
    %mul3A_1444 = arith.muli %get3A_1438, %mul3A_1443 : vector<16xi32>
    %add3A_1445 = arith.constant 4095 : i32
    %add3A_1446 = vector.broadcast %add3A_1445 : i32 to vector<16xi32>
    %add3A_1447 = arith.addi %get3A_1441, %add3A_1446 : vector<16xi32>
    %and3A_1448 = arith.constant 4095 : i32
    %and3A_1449 = vector.broadcast %and3A_1448 : i32 to vector<16xi32>
    %and3A_1450 = arith.andi %add3A_1447, %and3A_1449 : vector<16xi32>
    %add3A_1451 = arith.addi %mul3A_1444, %and3A_1450 : vector<16xi32>
    %swap3A_1452 = arith.constant 7 : i32
    %swap3A_1453 = arith.index_cast %swap3A_1452 : i32 to index
    %swap3A_1454 = arith.constant 96 : index
    %swap3A_1455 = tpu.vector_load %arg11[%swap3A_1453, %swap3A_1454] {strides = array<i32>} : memref<8x128xi32, #tpu.memory_space<vmem>>, vector<1x16xi32>,
    %swap3A_1456 = vector.shape_cast %swap3A_1455 : vector<1x16xi32> to vector<16xi32>
    %swap3A_1457 = vector.shape_cast %add3A_1451 : vector<16xi32> to vector<1x16xi32>
    tpu.vector_store %arg11[%swap3A_1453, %swap3A_1454], %swap3A_1457 {strides = array<i32>} : memref<8x128xi32, #tpu.memory_space<vmem>>, vector<1x16xi32>,
    %get3A_1458 = arith.constant 1008 : index
    %get3A_1459 = tpu.vector_load %arg7[%get3A_1458] {strides = array<i32>} : memref<1024xi32, #tpu.memory_space<vmem>>, vector<16xi32>,
    %get3A_1460 = vector.shape_cast %get3A_1459 : vector<16xi32> to vector<16xi32>
    %get3A_1461 = arith.constant 1008 : index
    %get3A_1462 = tpu.vector_load %arg8[%get3A_1461] {strides = array<i32>} : memref<1024xi32, #tpu.memory_space<vmem>>, vector<16xi32>,
    %get3A_1463 = vector.shape_cast %get3A_1462 : vector<16xi32> to vector<16xi32>
    %mul3A_1464 = arith.constant 4096 : i32
    %mul3A_1465 = vector.broadcast %mul3A_1464 : i32 to vector<16xi32>
    %mul3A_1466 = arith.muli %get3A_1460, %mul3A_1465 : vector<16xi32>
    %add3A_1467 = arith.constant 4095 : i32
    %add3A_1468 = vector.broadcast %add3A_1467 : i32 to vector<16xi32>
    %add3A_1469 = arith.addi %get3A_1463, %add3A_1468 : vector<16xi32>
    %and3A_1470 = arith.constant 4095 : i32
    %and3A_1471 = vector.broadcast %and3A_1470 : i32 to vector<16xi32>
    %and3A_1472 = arith.andi %add3A_1469, %and3A_1471 : vector<16xi32>
    %add3A_1473 = arith.addi %mul3A_1466, %and3A_1472 : vector<16xi32>
    %swap3A_1474 = arith.constant 7 : i32
    %swap3A_1475 = arith.index_cast %swap3A_1474 : i32 to index
    %swap3A_1476 = arith.constant 112 : index
    %swap3A_1477 = tpu.vector_load %arg11[%swap3A_1475, %swap3A_1476] {strides = array<i32>} : memref<8x128xi32, #tpu.memory_space<vmem>>, vector<1x16xi32>,
    %swap3A_1478 = vector.shape_cast %swap3A_1477 : vector<1x16xi32> to vector<16xi32>
    %swap3A_1479 = vector.shape_cast %add3A_1473 : vector<16xi32> to vector<1x16xi32>
    tpu.vector_store %arg11[%swap3A_1475, %swap3A_1476], %swap3A_1479 {strides = array<i32>} : memref<8x128xi32, #tpu.memory_space<vmem>>, vector<1x16xi32>,
    %dma_start3A_1480 = arith.constant 7 : i32
    %dma_start3A_1481 = arith.constant 896 : i32
    %dma_start3A_1482 = tpu.memref_slice %arg10[%dma_start3A_1481] : memref<1024xi32, #tpu.memory_space<vmem>> -> memref<128xi32, #tpu.memory_space<vmem>>
    %dma_start3A_1483 = arith.constant 0 : i32
    %dma_start3A_1484 = tpu.memref_slice %arg11[%dma_start3A_1480, %dma_start3A_1483] : memref<8x128xi32, #tpu.memory_space<vmem>> -> memref<1x128xi32, #tpu.memory_space<vmem>>
    %dma_start3A_1485 = tpu.memref_squeeze %dma_start3A_1484 : memref<1x128xi32, #tpu.memory_space<vmem>> -> memref<128xi32, #tpu.memory_space<vmem>>
    %dma_start3A_1486 = arith.constant 0 : i32
    %dma_start3A_1487 = tpu.memref_slice %arg3[%dma_start3A_1486] : memref<65536xi32, #tpu.memory_space<hbm>> -> memref<65536xi32, #tpu.memory_space<hbm>>
    tpu.enqueue_indirect_dma source(%dma_start3A_1487 : memref<65536xi32, #tpu.memory_space<hbm>>) target(%dma_start3A_1482 : memref<128xi32, #tpu.memory_space<vmem>>) offsets(%dma_start3A_1485 : memref<128xi32, #tpu.memory_space<vmem>>) semaphore(%arg15 : memref<!tpu.dma_semaphore, #tpu.memory_space<semaphore_mem>>)
    %dma_wait3A_1488 = arith.constant 0 : i32
    %dma_wait3A_1489 = arith.constant 0 : i32
    %dma_wait3A_1490 = tpu.memref_slice %arg10[%dma_wait3A_1489] : memref<1024xi32, #tpu.memory_space<vmem>> -> memref<128xi32, #tpu.memory_space<vmem>>
    %dma_wait3A_1491 = arith.constant 0 : i32
    %dma_wait3A_1492 = tpu.memref_slice %arg11[%dma_wait3A_1488, %dma_wait3A_1491] : memref<8x128xi32, #tpu.memory_space<vmem>> -> memref<1x128xi32, #tpu.memory_space<vmem>>
    %dma_wait3A_1493 = tpu.memref_squeeze %dma_wait3A_1492 : memref<1x128xi32, #tpu.memory_space<vmem>> -> memref<128xi32, #tpu.memory_space<vmem>>
    %dma_wait3A_1494 = arith.constant 0 : i32
    %dma_wait3A_1495 = tpu.memref_slice %arg3[%dma_wait3A_1494] : memref<65536xi32, #tpu.memory_space<hbm>> -> memref<65536xi32, #tpu.memory_space<hbm>>
    tpu.wait_indirect_dma semaphore(%arg15 : memref<!tpu.dma_semaphore, #tpu.memory_space<semaphore_mem>>) src(%dma_wait3A_1495 : memref<65536xi32, #tpu.memory_space<hbm>>) dst(%dma_wait3A_1490 : memref<128xi32, #tpu.memory_space<vmem>>)
    %dma_wait3A_1496 = arith.constant 1 : i32
    %dma_wait3A_1497 = arith.constant 128 : i32
    %dma_wait3A_1498 = tpu.memref_slice %arg10[%dma_wait3A_1497] : memref<1024xi32, #tpu.memory_space<vmem>> -> memref<128xi32, #tpu.memory_space<vmem>>
    %dma_wait3A_1499 = arith.constant 0 : i32
    %dma_wait3A_1500 = tpu.memref_slice %arg11[%dma_wait3A_1496, %dma_wait3A_1499] : memref<8x128xi32, #tpu.memory_space<vmem>> -> memref<1x128xi32, #tpu.memory_space<vmem>>
    %dma_wait3A_1501 = tpu.memref_squeeze %dma_wait3A_1500 : memref<1x128xi32, #tpu.memory_space<vmem>> -> memref<128xi32, #tpu.memory_space<vmem>>
    %dma_wait3A_1502 = arith.constant 0 : i32
    %dma_wait3A_1503 = tpu.memref_slice %arg3[%dma_wait3A_1502] : memref<65536xi32, #tpu.memory_space<hbm>> -> memref<65536xi32, #tpu.memory_space<hbm>>
    tpu.wait_indirect_dma semaphore(%arg15 : memref<!tpu.dma_semaphore, #tpu.memory_space<semaphore_mem>>) src(%dma_wait3A_1503 : memref<65536xi32, #tpu.memory_space<hbm>>) dst(%dma_wait3A_1498 : memref<128xi32, #tpu.memory_space<vmem>>)
    %dma_wait3A_1504 = arith.constant 2 : i32
    %dma_wait3A_1505 = arith.constant 256 : i32
    %dma_wait3A_1506 = tpu.memref_slice %arg10[%dma_wait3A_1505] : memref<1024xi32, #tpu.memory_space<vmem>> -> memref<128xi32, #tpu.memory_space<vmem>>
    %dma_wait3A_1507 = arith.constant 0 : i32
    %dma_wait3A_1508 = tpu.memref_slice %arg11[%dma_wait3A_1504, %dma_wait3A_1507] : memref<8x128xi32, #tpu.memory_space<vmem>> -> memref<1x128xi32, #tpu.memory_space<vmem>>
    %dma_wait3A_1509 = tpu.memref_squeeze %dma_wait3A_1508 : memref<1x128xi32, #tpu.memory_space<vmem>> -> memref<128xi32, #tpu.memory_space<vmem>>
    %dma_wait3A_1510 = arith.constant 0 : i32
    %dma_wait3A_1511 = tpu.memref_slice %arg3[%dma_wait3A_1510] : memref<65536xi32, #tpu.memory_space<hbm>> -> memref<65536xi32, #tpu.memory_space<hbm>>
    tpu.wait_indirect_dma semaphore(%arg15 : memref<!tpu.dma_semaphore, #tpu.memory_space<semaphore_mem>>) src(%dma_wait3A_1511 : memref<65536xi32, #tpu.memory_space<hbm>>) dst(%dma_wait3A_1506 : memref<128xi32, #tpu.memory_space<vmem>>)
    %dma_wait3A_1512 = arith.constant 3 : i32
    %dma_wait3A_1513 = arith.constant 384 : i32
    %dma_wait3A_1514 = tpu.memref_slice %arg10[%dma_wait3A_1513] : memref<1024xi32, #tpu.memory_space<vmem>> -> memref<128xi32, #tpu.memory_space<vmem>>
    %dma_wait3A_1515 = arith.constant 0 : i32
    %dma_wait3A_1516 = tpu.memref_slice %arg11[%dma_wait3A_1512, %dma_wait3A_1515] : memref<8x128xi32, #tpu.memory_space<vmem>> -> memref<1x128xi32, #tpu.memory_space<vmem>>
    %dma_wait3A_1517 = tpu.memref_squeeze %dma_wait3A_1516 : memref<1x128xi32, #tpu.memory_space<vmem>> -> memref<128xi32, #tpu.memory_space<vmem>>
    %dma_wait3A_1518 = arith.constant 0 : i32
    %dma_wait3A_1519 = tpu.memref_slice %arg3[%dma_wait3A_1518] : memref<65536xi32, #tpu.memory_space<hbm>> -> memref<65536xi32, #tpu.memory_space<hbm>>
    tpu.wait_indirect_dma semaphore(%arg15 : memref<!tpu.dma_semaphore, #tpu.memory_space<semaphore_mem>>) src(%dma_wait3A_1519 : memref<65536xi32, #tpu.memory_space<hbm>>) dst(%dma_wait3A_1514 : memref<128xi32, #tpu.memory_space<vmem>>)
    %dma_wait3A_1520 = arith.constant 4 : i32
    %dma_wait3A_1521 = arith.constant 512 : i32
    %dma_wait3A_1522 = tpu.memref_slice %arg10[%dma_wait3A_1521] : memref<1024xi32, #tpu.memory_space<vmem>> -> memref<128xi32, #tpu.memory_space<vmem>>
    %dma_wait3A_1523 = arith.constant 0 : i32
    %dma_wait3A_1524 = tpu.memref_slice %arg11[%dma_wait3A_1520, %dma_wait3A_1523] : memref<8x128xi32, #tpu.memory_space<vmem>> -> memref<1x128xi32, #tpu.memory_space<vmem>>
    %dma_wait3A_1525 = tpu.memref_squeeze %dma_wait3A_1524 : memref<1x128xi32, #tpu.memory_space<vmem>> -> memref<128xi32, #tpu.memory_space<vmem>>
    %dma_wait3A_1526 = arith.constant 0 : i32
    %dma_wait3A_1527 = tpu.memref_slice %arg3[%dma_wait3A_1526] : memref<65536xi32, #tpu.memory_space<hbm>> -> memref<65536xi32, #tpu.memory_space<hbm>>
    tpu.wait_indirect_dma semaphore(%arg15 : memref<!tpu.dma_semaphore, #tpu.memory_space<semaphore_mem>>) src(%dma_wait3A_1527 : memref<65536xi32, #tpu.memory_space<hbm>>) dst(%dma_wait3A_1522 : memref<128xi32, #tpu.memory_space<vmem>>)
    %dma_wait3A_1528 = arith.constant 5 : i32
    %dma_wait3A_1529 = arith.constant 640 : i32
    %dma_wait3A_1530 = tpu.memref_slice %arg10[%dma_wait3A_1529] : memref<1024xi32, #tpu.memory_space<vmem>> -> memref<128xi32, #tpu.memory_space<vmem>>
    %dma_wait3A_1531 = arith.constant 0 : i32
    %dma_wait3A_1532 = tpu.memref_slice %arg11[%dma_wait3A_1528, %dma_wait3A_1531] : memref<8x128xi32, #tpu.memory_space<vmem>> -> memref<1x128xi32, #tpu.memory_space<vmem>>
    %dma_wait3A_1533 = tpu.memref_squeeze %dma_wait3A_1532 : memref<1x128xi32, #tpu.memory_space<vmem>> -> memref<128xi32, #tpu.memory_space<vmem>>
    %dma_wait3A_1534 = arith.constant 0 : i32
    %dma_wait3A_1535 = tpu.memref_slice %arg3[%dma_wait3A_1534] : memref<65536xi32, #tpu.memory_space<hbm>> -> memref<65536xi32, #tpu.memory_space<hbm>>
    tpu.wait_indirect_dma semaphore(%arg15 : memref<!tpu.dma_semaphore, #tpu.memory_space<semaphore_mem>>) src(%dma_wait3A_1535 : memref<65536xi32, #tpu.memory_space<hbm>>) dst(%dma_wait3A_1530 : memref<128xi32, #tpu.memory_space<vmem>>)
    %dma_wait3A_1536 = arith.constant 6 : i32
    %dma_wait3A_1537 = arith.constant 768 : i32
    %dma_wait3A_1538 = tpu.memref_slice %arg10[%dma_wait3A_1537] : memref<1024xi32, #tpu.memory_space<vmem>> -> memref<128xi32, #tpu.memory_space<vmem>>
    %dma_wait3A_1539 = arith.constant 0 : i32
    %dma_wait3A_1540 = tpu.memref_slice %arg11[%dma_wait3A_1536, %dma_wait3A_1539] : memref<8x128xi32, #tpu.memory_space<vmem>> -> memref<1x128xi32, #tpu.memory_space<vmem>>
    %dma_wait3A_1541 = tpu.memref_squeeze %dma_wait3A_1540 : memref<1x128xi32, #tpu.memory_space<vmem>> -> memref<128xi32, #tpu.memory_space<vmem>>
    %dma_wait3A_1542 = arith.constant 0 : i32
    %dma_wait3A_1543 = tpu.memref_slice %arg3[%dma_wait3A_1542] : memref<65536xi32, #tpu.memory_space<hbm>> -> memref<65536xi32, #tpu.memory_space<hbm>>
    tpu.wait_indirect_dma semaphore(%arg15 : memref<!tpu.dma_semaphore, #tpu.memory_space<semaphore_mem>>) src(%dma_wait3A_1543 : memref<65536xi32, #tpu.memory_space<hbm>>) dst(%dma_wait3A_1538 : memref<128xi32, #tpu.memory_space<vmem>>)
    %dma_wait3A_1544 = arith.constant 7 : i32
    %dma_wait3A_1545 = arith.constant 896 : i32
    %dma_wait3A_1546 = tpu.memref_slice %arg10[%dma_wait3A_1545] : memref<1024xi32, #tpu.memory_space<vmem>> -> memref<128xi32, #tpu.memory_space<vmem>>
    %dma_wait3A_1547 = arith.constant 0 : i32
    %dma_wait3A_1548 = tpu.memref_slice %arg11[%dma_wait3A_1544, %dma_wait3A_1547] : memref<8x128xi32, #tpu.memory_space<vmem>> -> memref<1x128xi32, #tpu.memory_space<vmem>>
    %dma_wait3A_1549 = tpu.memref_squeeze %dma_wait3A_1548 : memref<1x128xi32, #tpu.memory_space<vmem>> -> memref<128xi32, #tpu.memory_space<vmem>>
    %dma_wait3A_1550 = arith.constant 0 : i32
    %dma_wait3A_1551 = tpu.memref_slice %arg3[%dma_wait3A_1550] : memref<65536xi32, #tpu.memory_space<hbm>> -> memref<65536xi32, #tpu.memory_space<hbm>>
    tpu.wait_indirect_dma semaphore(%arg15 : memref<!tpu.dma_semaphore, #tpu.memory_space<semaphore_mem>>) src(%dma_wait3A_1551 : memref<65536xi32, #tpu.memory_space<hbm>>) dst(%dma_wait3A_1546 : memref<128xi32, #tpu.memory_space<vmem>>)
    %iota3A = tpu.iota {dimensions = array<i32: 0>} : vector<16xi32>
    %xor3A = arith.constant 8 : i32
    %xor3A_1552 = vector.broadcast %xor3A : i32 to vector<16xi32>
    %xor3A_1553 = arith.xori %iota3A, %xor3A_1552 : vector<16xi32>
    %xor3A_1554 = arith.constant 4 : i32
    %xor3A_1555 = vector.broadcast %xor3A_1554 : i32 to vector<16xi32>
    %xor3A_1556 = arith.xori %iota3A, %xor3A_1555 : vector<16xi32>
    %xor3A_1557 = arith.constant 2 : i32
    %xor3A_1558 = vector.broadcast %xor3A_1557 : i32 to vector<16xi32>
    %xor3A_1559 = arith.xori %iota3A, %xor3A_1558 : vector<16xi32>
    %xor3A_1560 = arith.constant 1 : i32
    %xor3A_1561 = vector.broadcast %xor3A_1560 : i32 to vector<16xi32>
    %xor3A_1562 = arith.xori %iota3A, %xor3A_1561 : vector<16xi32>
    %broadcast_in_dim3A = arith.constant 3.000000e+38 : f32
    %broadcast_in_dim3A_1563 = vector.broadcast %broadcast_in_dim3A : f32 to vector<16xf32>
    %swap3A_1564 = arith.constant 0 : i32
    %swap3A_1565 = arith.index_cast %swap3A_1564 : i32 to index
    %swap3A_1566 = arith.constant 0 : index
    %swap3A_1567 = tpu.vector_load %arg12[%swap3A_1565, %swap3A_1566] {strides = array<i32>} : memref<4x16xf32, #tpu.memory_space<vmem>>, vector<1x16xf32>,
    %swap3A_1568 = vector.shape_cast %swap3A_1567 : vector<1x16xf32> to vector<16xf32>
    %swap3A_1569 = vector.shape_cast %broadcast_in_dim3A_1563 : vector<16xf32> to vector<1x16xf32>
    tpu.vector_store %arg12[%swap3A_1565, %swap3A_1566], %swap3A_1569 {strides = array<i32>} : memref<4x16xf32, #tpu.memory_space<vmem>>, vector<1x16xf32>,
    %broadcast_in_dim3A_1570 = arith.constant -3.000000e+38 : f32
    %broadcast_in_dim3A_1571 = vector.broadcast %broadcast_in_dim3A_1570 : f32 to vector<16xf32>
    %swap3A_1572 = arith.constant 1 : i32
    %swap3A_1573 = arith.index_cast %swap3A_1572 : i32 to index
    %swap3A_1574 = arith.constant 0 : index
    %swap3A_1575 = tpu.vector_load %arg12[%swap3A_1573, %swap3A_1574] {strides = array<i32>} : memref<4x16xf32, #tpu.memory_space<vmem>>, vector<1x16xf32>,
    %swap3A_1576 = vector.shape_cast %swap3A_1575 : vector<1x16xf32> to vector<16xf32>
    %swap3A_1577 = vector.shape_cast %broadcast_in_dim3A_1571 : vector<16xf32> to vector<1x16xf32>
    tpu.vector_store %arg12[%swap3A_1573, %swap3A_1574], %swap3A_1577 {strides = array<i32>} : memref<4x16xf32, #tpu.memory_space<vmem>>, vector<1x16xf32>,
    %broadcast_in_dim3A_1578 = arith.constant 3.000000e+38 : f32
    %broadcast_in_dim3A_1579 = vector.broadcast %broadcast_in_dim3A_1578 : f32 to vector<16xf32>
    %swap3A_1580 = arith.constant 2 : i32
    %swap3A_1581 = arith.index_cast %swap3A_1580 : i32 to index
    %swap3A_1582 = arith.constant 0 : index
    %swap3A_1583 = tpu.vector_load %arg12[%swap3A_1581, %swap3A_1582] {strides = array<i32>} : memref<4x16xf32, #tpu.memory_space<vmem>>, vector<1x16xf32>,
    %swap3A_1584 = vector.shape_cast %swap3A_1583 : vector<1x16xf32> to vector<16xf32>
    %swap3A_1585 = vector.shape_cast %broadcast_in_dim3A_1579 : vector<16xf32> to vector<1x16xf32>
    tpu.vector_store %arg12[%swap3A_1581, %swap3A_1582], %swap3A_1585 {strides = array<i32>} : memref<4x16xf32, #tpu.memory_space<vmem>>, vector<1x16xf32>,
    %broadcast_in_dim3A_1586 = arith.constant -3.000000e+38 : f32
    %broadcast_in_dim3A_1587 = vector.broadcast %broadcast_in_dim3A_1586 : f32 to vector<16xf32>
    %swap3A_1588 = arith.constant 3 : i32
    %swap3A_1589 = arith.index_cast %swap3A_1588 : i32 to index
    %swap3A_1590 = arith.constant 0 : index
    %swap3A_1591 = tpu.vector_load %arg12[%swap3A_1589, %swap3A_1590] {strides = array<i32>} : memref<4x16xf32, #tpu.memory_space<vmem>>, vector<1x16xf32>,
    %swap3A_1592 = vector.shape_cast %swap3A_1591 : vector<1x16xf32> to vector<16xf32>
    %swap3A_1593 = vector.shape_cast %broadcast_in_dim3A_1587 : vector<16xf32> to vector<1x16xf32>
    tpu.vector_store %arg12[%swap3A_1589, %swap3A_1590], %swap3A_1593 {strides = array<i32>} : memref<4x16xf32, #tpu.memory_space<vmem>>, vector<1x16xf32>,
    %get3A_1594 = arith.constant 0 : index
    %get3A_1595 = tpu.vector_load %arg7[%get3A_1594] {strides = array<i32>} : memref<1024xi32, #tpu.memory_space<vmem>>, vector<16xi32>,
    %get3A_1596 = vector.shape_cast %get3A_1595 : vector<16xi32> to vector<16xi32>
    %slice3A = vector.extract_strided_slice %get3A_1596 {offsets = [0], sizes = [1], strides = [1]} : vector<16xi32> to vector<1xi32>
    %squeeze3A = vector.extract %slice3A[0] : i32 from vector<1xi32>
    %swap3A_1597 = arith.constant 0 : i32
    %swap3A_1598 = arith.index_cast %swap3A_1597 : i32 to index
    %swap3A_1599 = memref.load %arg14[%swap3A_1598] : memref<1xi32, #tpu.memory_space<smem>>
    memref.store %squeeze3A, %arg14[%swap3A_1598] : memref<1xi32, #tpu.memory_space<smem>>
    %broadcast_in_dim3A_1600 = arith.constant 0.000000e+00 : f32
    %broadcast_in_dim3A_1601 = vector.broadcast %broadcast_in_dim3A_1600 : f32 to vector<16xf32>
    %scan3A = arith.constant 0 : i32
    %scan3A_1602 = arith.constant 64 : i32
    %scan3A_1603 = arith.addi %scan3A, %scan3A_1602 : i32
    %scan3A_1604 = arith.constant 2 : i32
    %scan3A_1605 = scf.for %scan3A_1761 = %scan3A to %scan3A_1603 step %scan3A_1604 iter_args(%scan3A_1762 = %broadcast_in_dim3A_1601) -> (vector<16xf32>)  : i32 {
      %mul3A_1763 = arith.constant 16 : i32
      %mul3A_1764 = arith.muli %scan3A_1761, %mul3A_1763 : i32
      %get3A_1765 = arith.index_cast %mul3A_1764 : i32 to index
      %get3A_1766 = tpu.vector_load %arg7[%get3A_1765] {strides = array<i32>} : memref<1024xi32, #tpu.memory_space<vmem>>, vector<16xi32>,
      %get3A_1767 = vector.shape_cast %get3A_1766 : vector<16xi32> to vector<16xi32>
      %jit3A_1768 = arith.constant 8 : i32
      %div3A = arith.divsi %scan3A_1761, %jit3A_1768 : i32
      %sign3A = arith.constant 0 : i32
      %sign3A_1769 = arith.cmpi sgt, %scan3A_1761, %sign3A : i32
      %sign3A_1770 = arith.extui %sign3A_1769 : i1 to i32
      %sign3A_1771 = arith.constant 0 : i32
      %sign3A_1772 = arith.cmpi slt, %scan3A_1761, %sign3A_1771 : i32
      %sign3A_1773 = arith.extui %sign3A_1772 : i1 to i32
      %sign3A_1774 = arith.subi %sign3A_1770, %sign3A_1773 : i32
      %sign3A_1775 = arith.constant 0 : i32
      %sign3A_1776 = arith.cmpi sgt, %jit3A_1768, %sign3A_1775 : i32
      %sign3A_1777 = arith.extui %sign3A_1776 : i1 to i32
      %sign3A_1778 = arith.constant 0 : i32
      %sign3A_1779 = arith.cmpi slt, %jit3A_1768, %sign3A_1778 : i32
      %sign3A_1780 = arith.extui %sign3A_1779 : i1 to i32
      %sign3A_1781 = arith.subi %sign3A_1777, %sign3A_1780 : i32
      %ne3A = arith.cmpi ne, %sign3A_1774, %sign3A_1781 : i32
      %rem3A = arith.remsi %scan3A_1761, %jit3A_1768 : i32
      %ne3A_1782 = arith.constant 0 : i32
      %ne3A_1783 = arith.cmpi ne, %rem3A, %ne3A_1782 : i32
      %and3A_1784 = arith.andi %ne3A, %ne3A_1783 : i1
      %sub3A = arith.constant 1 : i32
      %sub3A_1785 = arith.subi %div3A, %sub3A : i32
      %select_n3A_1786 = arith.select %and3A_1784, %sub3A_1785, %div3A : i32
      %jit3A_1787 = arith.constant 8 : i32
      %eq3A_1788 = arith.constant 0 : i32
      %eq3A_1789 = arith.cmpi eq, %jit3A_1787, %eq3A_1788 : i32
      %jit3A_1790 = arith.constant 1 : i32
      %select_n3A_1791 = arith.select %eq3A_1789, %jit3A_1790, %jit3A_1787 : i32
      %rem3A_1792 = arith.remsi %scan3A_1761, %select_n3A_1791 : i32
      %ne3A_1793 = arith.constant 0 : i32
      %ne3A_1794 = arith.cmpi ne, %rem3A_1792, %ne3A_1793 : i32
      %lt3A_1795 = arith.constant 0 : i32
      %lt3A_1796 = arith.cmpi slt, %rem3A_1792, %lt3A_1795 : i32
      %lt3A_1797 = arith.constant 0 : i32
      %lt3A_1798 = arith.cmpi slt, %select_n3A_1791, %lt3A_1797 : i32
      %ne3A_1799 = arith.xori %lt3A_1796, %lt3A_1798 : i1
      %and3A_1800 = arith.andi %ne3A_1799, %ne3A_1794 : i1
      %add3A_1801 = arith.addi %rem3A_1792, %select_n3A_1791 : i32
      %select_n3A_1802 = arith.select %and3A_1800, %add3A_1801, %rem3A_1792 : i32
      %mul3A_1803 = arith.constant 16 : i32
      %mul3A_1804 = arith.muli %select_n3A_1802, %mul3A_1803 : i32
      %get3A_1805 = arith.index_cast %select_n3A_1786 : i32 to index
      %get3A_1806 = arith.index_cast %mul3A_1804 : i32 to index
      %get3A_1807 = tpu.vector_load %arg9[%get3A_1805, %get3A_1806] {strides = array<i32>} : memref<8x128xf32, #tpu.memory_space<vmem>>, vector<1x16xf32>,
      %get3A_1808 = vector.shape_cast %get3A_1807 : vector<1x16xf32> to vector<16xf32>
      %get3A_1809 = arith.index_cast %mul3A_1764 : i32 to index
      %get3A_1810 = tpu.vector_load %arg10[%get3A_1809] {strides = array<i32>} : memref<1024xi32, #tpu.memory_space<vmem>>, vector<16xi32>,
      %get3A_1811 = vector.shape_cast %get3A_1810 : vector<16xi32> to vector<16xi32>
      %gt3A = arith.constant 0 : i32
      %gt3A_1812 = vector.broadcast %gt3A : i32 to vector<16xi32>
      %gt3A_1813 = arith.cmpi sgt, %get3A_1811, %gt3A_1812 : vector<16xi32>
      %jit3A_1814 = arith.constant 0.000000e+00 : f32
      %broadcast_in_dim3A_1815 = vector.broadcast %jit3A_1814 : f32 to vector<16xf32>
      %select_n3A_1816 = arith.select %gt3A_1813, %get3A_1808, %broadcast_in_dim3A_1815 : vector<16xi1>, vector<16xf32>
      %add3A_1817 = arith.addf %scan3A_1762, %select_n3A_1816 : vector<16xf32>
      %slice3A_1818 = vector.extract_strided_slice %get3A_1767 {offsets = [0], sizes = [1], strides = [1]} : vector<16xi32> to vector<1xi32>
      %squeeze3A_1819 = vector.extract %slice3A_1818[0] : i32 from vector<1xi32>
      %slice3A_1820 = vector.extract_strided_slice %get3A_1767 {offsets = [15], sizes = [1], strides = [1]} : vector<16xi32> to vector<1xi32>
      %squeeze3A_1821 = vector.extract %slice3A_1820[0] : i32 from vector<1xi32>
      %jit3A_1822 = arith.constant 3.000000e+38 : f32
      %broadcast_in_dim3A_1823 = vector.broadcast %jit3A_1822 : f32 to vector<16xf32>
      %select_n3A_1824 = arith.select %gt3A_1813, %get3A_1808, %broadcast_in_dim3A_1823 : vector<16xi1>, vector<16xf32>
      %jit3A_1825 = arith.constant -3.000000e+38 : f32
      %broadcast_in_dim3A_1826 = vector.broadcast %jit3A_1825 : f32 to vector<16xf32>
      %select_n3A_1827 = arith.select %gt3A_1813, %broadcast_in_dim3A_1826, %get3A_1808 : vector<16xi1>, vector<16xf32>
      %get3A_1828 = arith.constant 0 : i32
      %get3A_1829 = arith.index_cast %get3A_1828 : i32 to index
      %get3A_1830 = memref.load %arg14[%get3A_1829] : memref<1xi32, #tpu.memory_space<smem>>
      %eq3A_1831 = arith.cmpi eq, %squeeze3A_1819, %get3A_1830 : i32
      %eq3A_1832 = arith.cmpi eq, %squeeze3A_1821, %get3A_1830 : i32
      %and3A_1833 = arith.andi %eq3A_1831, %eq3A_1832 : i1
      %convert_element_type3A = arith.extui %and3A_1833 : i1 to i32
      %cond3A = arith.constant 0 : i32
      %cond3A_1834 = arith.cmpi ne, %convert_element_type3A, %cond3A : i32
      scf.if %cond3A_1834 {
        %get3A_1926 = arith.constant 2 : i32
        %get3A_1927 = arith.index_cast %get3A_1926 : i32 to index
        %get3A_1928 = arith.constant 0 : index
        %get3A_1929 = tpu.vector_load %arg12[%get3A_1927, %get3A_1928] {strides = array<i32>} : memref<4x16xf32, #tpu.memory_space<vmem>>, vector<1x16xf32>,
        %get3A_1930 = vector.shape_cast %get3A_1929 : vector<1x16xf32> to vector<16xf32>
        %min3A_1931 = arith.minimumf %get3A_1930, %select_n3A_1824 : vector<16xf32>
        %swap3A_1932 = arith.constant 2 : i32
        %swap3A_1933 = arith.index_cast %swap3A_1932 : i32 to index
        %swap3A_1934 = arith.constant 0 : index
        %swap3A_1935 = tpu.vector_load %arg12[%swap3A_1933, %swap3A_1934] {strides = array<i32>} : memref<4x16xf32, #tpu.memory_space<vmem>>, vector<1x16xf32>,
        %swap3A_1936 = vector.shape_cast %swap3A_1935 : vector<1x16xf32> to vector<16xf32>
        %swap3A_1937 = vector.shape_cast %min3A_1931 : vector<16xf32> to vector<1x16xf32>
        tpu.vector_store %arg12[%swap3A_1933, %swap3A_1934], %swap3A_1937 {strides = array<i32>} : memref<4x16xf32, #tpu.memory_space<vmem>>, vector<1x16xf32>,
        %get3A_1938 = arith.constant 3 : i32
        %get3A_1939 = arith.index_cast %get3A_1938 : i32 to index
        %get3A_1940 = arith.constant 0 : index
        %get3A_1941 = tpu.vector_load %arg12[%get3A_1939, %get3A_1940] {strides = array<i32>} : memref<4x16xf32, #tpu.memory_space<vmem>>, vector<1x16xf32>,
        %get3A_1942 = vector.shape_cast %get3A_1941 : vector<1x16xf32> to vector<16xf32>
        %max3A_1943 = arith.maximumf %get3A_1942, %select_n3A_1827 : vector<16xf32>
        %swap3A_1944 = arith.constant 3 : i32
        %swap3A_1945 = arith.index_cast %swap3A_1944 : i32 to index
        %swap3A_1946 = arith.constant 0 : index
        %swap3A_1947 = tpu.vector_load %arg12[%swap3A_1945, %swap3A_1946] {strides = array<i32>} : memref<4x16xf32, #tpu.memory_space<vmem>>, vector<1x16xf32>,
        %swap3A_1948 = vector.shape_cast %swap3A_1947 : vector<1x16xf32> to vector<16xf32>
        %swap3A_1949 = vector.shape_cast %max3A_1943 : vector<16xf32> to vector<1x16xf32>
        tpu.vector_store %arg12[%swap3A_1945, %swap3A_1946], %swap3A_1949 {strides = array<i32>} : memref<4x16xf32, #tpu.memory_space<vmem>>, vector<1x16xf32>,
      } else {
      }
      %not3A = arith.constant true
      %not3A_1835 = arith.xori %and3A_1833, %not3A : i1
      %convert_element_type3A_1836 = arith.extui %not3A_1835 : i1 to i32
      %cond3A_1837 = arith.constant 0 : i32
      %cond3A_1838 = arith.cmpi ne, %convert_element_type3A_1836, %cond3A_1837 : i32
      scf.if %cond3A_1838 {
        %eq3A_1926 = vector.broadcast %get3A_1830 : i32 to vector<16xi32>
        %eq3A_1927 = arith.cmpi eq, %iota3A, %eq3A_1926 : vector<16xi32>
        %get3A_1928 = arith.constant 0 : i32
        %get3A_1929 = arith.index_cast %get3A_1928 : i32 to index
        %get3A_1930 = arith.constant 0 : index
        %get3A_1931 = tpu.vector_load %arg12[%get3A_1929, %get3A_1930] {strides = array<i32>} : memref<4x16xf32, #tpu.memory_space<vmem>>, vector<1x16xf32>,
        %get3A_1932 = vector.shape_cast %get3A_1931 : vector<1x16xf32> to vector<16xf32>
        %get3A_1933 = arith.constant 2 : i32
        %get3A_1934 = arith.index_cast %get3A_1933 : i32 to index
        %get3A_1935 = arith.constant 0 : index
        %get3A_1936 = tpu.vector_load %arg12[%get3A_1934, %get3A_1935] {strides = array<i32>} : memref<4x16xf32, #tpu.memory_space<vmem>>, vector<1x16xf32>,
        %get3A_1937 = vector.shape_cast %get3A_1936 : vector<1x16xf32> to vector<16xf32>
        %lt3A_1938 = arith.constant 0 : i32
        %lt3A_1939 = vector.broadcast %lt3A_1938 : i32 to vector<16xi32>
        %lt3A_1940 = arith.cmpi slt, %xor3A_1553, %lt3A_1939 : vector<16xi32>
        %add3A_1941 = arith.constant 16 : i32
        %add3A_1942 = vector.broadcast %add3A_1941 : i32 to vector<16xi32>
        %add3A_1943 = arith.addi %xor3A_1553, %add3A_1942 : vector<16xi32>
        %select_n3A_1944 = arith.select %lt3A_1940, %add3A_1943, %xor3A_1553 : vector<16xi1>, vector<16xi32>
        %broadcast_in_dim3A_1945 = vector.shape_cast %select_n3A_1944 : vector<16xi32> to vector<16x1xi32>
        %gather3A_1946 = vector.shape_cast %broadcast_in_dim3A_1945 : vector<16x1xi32> to vector<16xi32>
        %gather3A_1947 = tpu.dynamic_gather %get3A_1937[%gather3A_1946] in [0] : vector<16xf32>, vector<16xi32> -> vector<16xf32>
        %min3A_1948 = arith.minimumf %get3A_1937, %gather3A_1947 : vector<16xf32>
        %lt3A_1949 = arith.constant 0 : i32
        %lt3A_1950 = vector.broadcast %lt3A_1949 : i32 to vector<16xi32>
        %lt3A_1951 = arith.cmpi slt, %xor3A_1556, %lt3A_1950 : vector<16xi32>
        %add3A_1952 = arith.constant 16 : i32
        %add3A_1953 = vector.broadcast %add3A_1952 : i32 to vector<16xi32>
        %add3A_1954 = arith.addi %xor3A_1556, %add3A_1953 : vector<16xi32>
        %select_n3A_1955 = arith.select %lt3A_1951, %add3A_1954, %xor3A_1556 : vector<16xi1>, vector<16xi32>
        %broadcast_in_dim3A_1956 = vector.shape_cast %select_n3A_1955 : vector<16xi32> to vector<16x1xi32>
        %gather3A_1957 = vector.shape_cast %broadcast_in_dim3A_1956 : vector<16x1xi32> to vector<16xi32>
        %gather3A_1958 = tpu.dynamic_gather %min3A_1948[%gather3A_1957] in [0] : vector<16xf32>, vector<16xi32> -> vector<16xf32>
        %min3A_1959 = arith.minimumf %min3A_1948, %gather3A_1958 : vector<16xf32>
        %lt3A_1960 = arith.constant 0 : i32
        %lt3A_1961 = vector.broadcast %lt3A_1960 : i32 to vector<16xi32>
        %lt3A_1962 = arith.cmpi slt, %xor3A_1559, %lt3A_1961 : vector<16xi32>
        %add3A_1963 = arith.constant 16 : i32
        %add3A_1964 = vector.broadcast %add3A_1963 : i32 to vector<16xi32>
        %add3A_1965 = arith.addi %xor3A_1559, %add3A_1964 : vector<16xi32>
        %select_n3A_1966 = arith.select %lt3A_1962, %add3A_1965, %xor3A_1559 : vector<16xi1>, vector<16xi32>
        %broadcast_in_dim3A_1967 = vector.shape_cast %select_n3A_1966 : vector<16xi32> to vector<16x1xi32>
        %gather3A_1968 = vector.shape_cast %broadcast_in_dim3A_1967 : vector<16x1xi32> to vector<16xi32>
        %gather3A_1969 = tpu.dynamic_gather %min3A_1959[%gather3A_1968] in [0] : vector<16xf32>, vector<16xi32> -> vector<16xf32>
        %min3A_1970 = arith.minimumf %min3A_1959, %gather3A_1969 : vector<16xf32>
        %lt3A_1971 = arith.constant 0 : i32
        %lt3A_1972 = vector.broadcast %lt3A_1971 : i32 to vector<16xi32>
        %lt3A_1973 = arith.cmpi slt, %xor3A_1562, %lt3A_1972 : vector<16xi32>
        %add3A_1974 = arith.constant 16 : i32
        %add3A_1975 = vector.broadcast %add3A_1974 : i32 to vector<16xi32>
        %add3A_1976 = arith.addi %xor3A_1562, %add3A_1975 : vector<16xi32>
        %select_n3A_1977 = arith.select %lt3A_1973, %add3A_1976, %xor3A_1562 : vector<16xi1>, vector<16xi32>
        %broadcast_in_dim3A_1978 = vector.shape_cast %select_n3A_1977 : vector<16xi32> to vector<16x1xi32>
        %gather3A_1979 = vector.shape_cast %broadcast_in_dim3A_1978 : vector<16x1xi32> to vector<16xi32>
        %gather3A_1980 = tpu.dynamic_gather %min3A_1970[%gather3A_1979] in [0] : vector<16xf32>, vector<16xi32> -> vector<16xf32>
        %min3A_1981 = arith.minimumf %min3A_1970, %gather3A_1980 : vector<16xf32>
        %jit3A_1982 = arith.constant 3.000000e+38 : f32
        %broadcast_in_dim3A_1983 = vector.broadcast %jit3A_1982 : f32 to vector<16xf32>
        %select_n3A_1984 = arith.select %eq3A_1927, %min3A_1981, %broadcast_in_dim3A_1983 : vector<16xi1>, vector<16xf32>
        %min3A_1985 = arith.minimumf %get3A_1932, %select_n3A_1984 : vector<16xf32>
        %swap3A_1986 = arith.constant 0 : i32
        %swap3A_1987 = arith.index_cast %swap3A_1986 : i32 to index
        %swap3A_1988 = arith.constant 0 : index
        %swap3A_1989 = tpu.vector_load %arg12[%swap3A_1987, %swap3A_1988] {strides = array<i32>} : memref<4x16xf32, #tpu.memory_space<vmem>>, vector<1x16xf32>,
        %swap3A_1990 = vector.shape_cast %swap3A_1989 : vector<1x16xf32> to vector<16xf32>
        %swap3A_1991 = vector.shape_cast %min3A_1985 : vector<16xf32> to vector<1x16xf32>
        tpu.vector_store %arg12[%swap3A_1987, %swap3A_1988], %swap3A_1991 {strides = array<i32>} : memref<4x16xf32, #tpu.memory_space<vmem>>, vector<1x16xf32>,
        %get3A_1992 = arith.constant 1 : i32
        %get3A_1993 = arith.index_cast %get3A_1992 : i32 to index
        %get3A_1994 = arith.constant 0 : index
        %get3A_1995 = tpu.vector_load %arg12[%get3A_1993, %get3A_1994] {strides = array<i32>} : memref<4x16xf32, #tpu.memory_space<vmem>>, vector<1x16xf32>,
        %get3A_1996 = vector.shape_cast %get3A_1995 : vector<1x16xf32> to vector<16xf32>
        %get3A_1997 = arith.constant 3 : i32
        %get3A_1998 = arith.index_cast %get3A_1997 : i32 to index
        %get3A_1999 = arith.constant 0 : index
        %get3A_2000 = tpu.vector_load %arg12[%get3A_1998, %get3A_1999] {strides = array<i32>} : memref<4x16xf32, #tpu.memory_space<vmem>>, vector<1x16xf32>,
        %get3A_2001 = vector.shape_cast %get3A_2000 : vector<1x16xf32> to vector<16xf32>
        %lt3A_2002 = arith.constant 0 : i32
        %lt3A_2003 = vector.broadcast %lt3A_2002 : i32 to vector<16xi32>
        %lt3A_2004 = arith.cmpi slt, %xor3A_1553, %lt3A_2003 : vector<16xi32>
        %add3A_2005 = arith.constant 16 : i32
        %add3A_2006 = vector.broadcast %add3A_2005 : i32 to vector<16xi32>
        %add3A_2007 = arith.addi %xor3A_1553, %add3A_2006 : vector<16xi32>
        %select_n3A_2008 = arith.select %lt3A_2004, %add3A_2007, %xor3A_1553 : vector<16xi1>, vector<16xi32>
        %broadcast_in_dim3A_2009 = vector.shape_cast %select_n3A_2008 : vector<16xi32> to vector<16x1xi32>
        %gather3A_2010 = vector.shape_cast %broadcast_in_dim3A_2009 : vector<16x1xi32> to vector<16xi32>
        %gather3A_2011 = tpu.dynamic_gather %get3A_2001[%gather3A_2010] in [0] : vector<16xf32>, vector<16xi32> -> vector<16xf32>
        %max3A_2012 = arith.maximumf %get3A_2001, %gather3A_2011 : vector<16xf32>
        %lt3A_2013 = arith.constant 0 : i32
        %lt3A_2014 = vector.broadcast %lt3A_2013 : i32 to vector<16xi32>
        %lt3A_2015 = arith.cmpi slt, %xor3A_1556, %lt3A_2014 : vector<16xi32>
        %add3A_2016 = arith.constant 16 : i32
        %add3A_2017 = vector.broadcast %add3A_2016 : i32 to vector<16xi32>
        %add3A_2018 = arith.addi %xor3A_1556, %add3A_2017 : vector<16xi32>
        %select_n3A_2019 = arith.select %lt3A_2015, %add3A_2018, %xor3A_1556 : vector<16xi1>, vector<16xi32>
        %broadcast_in_dim3A_2020 = vector.shape_cast %select_n3A_2019 : vector<16xi32> to vector<16x1xi32>
        %gather3A_2021 = vector.shape_cast %broadcast_in_dim3A_2020 : vector<16x1xi32> to vector<16xi32>
        %gather3A_2022 = tpu.dynamic_gather %max3A_2012[%gather3A_2021] in [0] : vector<16xf32>, vector<16xi32> -> vector<16xf32>
        %max3A_2023 = arith.maximumf %max3A_2012, %gather3A_2022 : vector<16xf32>
        %lt3A_2024 = arith.constant 0 : i32
        %lt3A_2025 = vector.broadcast %lt3A_2024 : i32 to vector<16xi32>
        %lt3A_2026 = arith.cmpi slt, %xor3A_1559, %lt3A_2025 : vector<16xi32>
        %add3A_2027 = arith.constant 16 : i32
        %add3A_2028 = vector.broadcast %add3A_2027 : i32 to vector<16xi32>
        %add3A_2029 = arith.addi %xor3A_1559, %add3A_2028 : vector<16xi32>
        %select_n3A_2030 = arith.select %lt3A_2026, %add3A_2029, %xor3A_1559 : vector<16xi1>, vector<16xi32>
        %broadcast_in_dim3A_2031 = vector.shape_cast %select_n3A_2030 : vector<16xi32> to vector<16x1xi32>
        %gather3A_2032 = vector.shape_cast %broadcast_in_dim3A_2031 : vector<16x1xi32> to vector<16xi32>
        %gather3A_2033 = tpu.dynamic_gather %max3A_2023[%gather3A_2032] in [0] : vector<16xf32>, vector<16xi32> -> vector<16xf32>
        %max3A_2034 = arith.maximumf %max3A_2023, %gather3A_2033 : vector<16xf32>
        %lt3A_2035 = arith.constant 0 : i32
        %lt3A_2036 = vector.broadcast %lt3A_2035 : i32 to vector<16xi32>
        %lt3A_2037 = arith.cmpi slt, %xor3A_1562, %lt3A_2036 : vector<16xi32>
        %add3A_2038 = arith.constant 16 : i32
        %add3A_2039 = vector.broadcast %add3A_2038 : i32 to vector<16xi32>
        %add3A_2040 = arith.addi %xor3A_1562, %add3A_2039 : vector<16xi32>
        %select_n3A_2041 = arith.select %lt3A_2037, %add3A_2040, %xor3A_1562 : vector<16xi1>, vector<16xi32>
        %broadcast_in_dim3A_2042 = vector.shape_cast %select_n3A_2041 : vector<16xi32> to vector<16x1xi32>
        %gather3A_2043 = vector.shape_cast %broadcast_in_dim3A_2042 : vector<16x1xi32> to vector<16xi32>
        %gather3A_2044 = tpu.dynamic_gather %max3A_2034[%gather3A_2043] in [0] : vector<16xf32>, vector<16xi32> -> vector<16xf32>
        %max3A_2045 = arith.maximumf %max3A_2034, %gather3A_2044 : vector<16xf32>
        %jit3A_2046 = arith.constant -3.000000e+38 : f32
        %broadcast_in_dim3A_2047 = vector.broadcast %jit3A_2046 : f32 to vector<16xf32>
        %select_n3A_2048 = arith.select %eq3A_1927, %max3A_2045, %broadcast_in_dim3A_2047 : vector<16xi1>, vector<16xf32>
        %max3A_2049 = arith.maximumf %get3A_1996, %select_n3A_2048 : vector<16xf32>
        %swap3A_2050 = arith.constant 1 : i32
        %swap3A_2051 = arith.index_cast %swap3A_2050 : i32 to index
        %swap3A_2052 = arith.constant 0 : index
        %swap3A_2053 = tpu.vector_load %arg12[%swap3A_2051, %swap3A_2052] {strides = array<i32>} : memref<4x16xf32, #tpu.memory_space<vmem>>, vector<1x16xf32>,
        %swap3A_2054 = vector.shape_cast %swap3A_2053 : vector<1x16xf32> to vector<16xf32>
        %swap3A_2055 = vector.shape_cast %max3A_2049 : vector<16xf32> to vector<1x16xf32>
        tpu.vector_store %arg12[%swap3A_2051, %swap3A_2052], %swap3A_2055 {strides = array<i32>} : memref<4x16xf32, #tpu.memory_space<vmem>>, vector<1x16xf32>,
        %broadcast_in_dim3A_2056 = arith.constant 3.000000e+38 : f32
        %broadcast_in_dim3A_2057 = vector.broadcast %broadcast_in_dim3A_2056 : f32 to vector<16xf32>
        %swap3A_2058 = arith.constant 2 : i32
        %swap3A_2059 = arith.index_cast %swap3A_2058 : i32 to index
        %swap3A_2060 = arith.constant 0 : index
        %swap3A_2061 = tpu.vector_load %arg12[%swap3A_2059, %swap3A_2060] {strides = array<i32>} : memref<4x16xf32, #tpu.memory_space<vmem>>, vector<1x16xf32>,
        %swap3A_2062 = vector.shape_cast %swap3A_2061 : vector<1x16xf32> to vector<16xf32>
        %swap3A_2063 = vector.shape_cast %broadcast_in_dim3A_2057 : vector<16xf32> to vector<1x16xf32>
        tpu.vector_store %arg12[%swap3A_2059, %swap3A_2060], %swap3A_2063 {strides = array<i32>} : memref<4x16xf32, #tpu.memory_space<vmem>>, vector<1x16xf32>,
        %broadcast_in_dim3A_2064 = arith.constant -3.000000e+38 : f32
        %broadcast_in_dim3A_2065 = vector.broadcast %broadcast_in_dim3A_2064 : f32 to vector<16xf32>
        %swap3A_2066 = arith.constant 3 : i32
        %swap3A_2067 = arith.index_cast %swap3A_2066 : i32 to index
        %swap3A_2068 = arith.constant 0 : index
        %swap3A_2069 = tpu.vector_load %arg12[%swap3A_2067, %swap3A_2068] {strides = array<i32>} : memref<4x16xf32, #tpu.memory_space<vmem>>, vector<1x16xf32>,
        %swap3A_2070 = vector.shape_cast %swap3A_2069 : vector<1x16xf32> to vector<16xf32>
        %swap3A_2071 = vector.shape_cast %broadcast_in_dim3A_2065 : vector<16xf32> to vector<1x16xf32>
        tpu.vector_store %arg12[%swap3A_2067, %swap3A_2068], %swap3A_2071 {strides = array<i32>} : memref<4x16xf32, #tpu.memory_space<vmem>>, vector<1x16xf32>,
        %swap3A_2072 = arith.constant 0 : i32
        %swap3A_2073 = arith.index_cast %swap3A_2072 : i32 to index
        %swap3A_2074 = memref.load %arg14[%swap3A_2073] : memref<1xi32, #tpu.memory_space<smem>>
        memref.store %squeeze3A_1821, %arg14[%swap3A_2073] : memref<1xi32, #tpu.memory_space<smem>>
        %add3A_2075 = arith.constant 1 : i32
        %add3A_2076 = arith.addi %squeeze3A_1821, %add3A_2075 : i32
        %get3A_2077 = arith.constant 0 : i32
        %get3A_2078 = arith.index_cast %get3A_2077 : i32 to index
        %get3A_2079 = arith.constant 0 : index
        %get3A_2080 = tpu.vector_load %arg12[%get3A_2078, %get3A_2079] {strides = array<i32>} : memref<4x16xf32, #tpu.memory_space<vmem>>, vector<1x16xf32>,
        %get3A_2081 = vector.shape_cast %get3A_2080 : vector<1x16xf32> to vector<16xf32>
        %get3A_2082 = arith.constant 1 : i32
        %get3A_2083 = arith.index_cast %get3A_2082 : i32 to index
        %get3A_2084 = arith.constant 0 : index
        %get3A_2085 = tpu.vector_load %arg12[%get3A_2083, %get3A_2084] {strides = array<i32>} : memref<4x16xf32, #tpu.memory_space<vmem>>, vector<1x16xf32>,
        %get3A_2086 = vector.shape_cast %get3A_2085 : vector<1x16xf32> to vector<16xf32>
        %while3A = arith.subi %add3A_2076, %squeeze3A_1819 : i32
        %while3A_2087 = arith.addi %squeeze3A_1819, %while3A : i32
        %while3A_2088 = arith.constant 1 : i32
        %while3A_2089 = arith.divsi %while3A, %while3A_2088 : i32
        %while3A_2090 = arith.muli %while3A_2089, %while3A_2088 : i32
        %while3A_2091 = arith.addi %squeeze3A_1819, %while3A_2090 : i32
        %while3A_2092 = arith.constant 1 : i32
        %while3A_2093:2 = scf.for %while3A_2108 = %squeeze3A_1819 to %while3A_2091 step %while3A_2092 iter_args(%while3A_2109 = %get3A_2081, %while3A_2110 = %get3A_2086) -> (vector<16xf32>, vector<16xf32>)  : i32 {
          %eq3A_2111 = vector.broadcast %while3A_2108 : i32 to vector<16xi32>
          %eq3A_2112 = arith.cmpi eq, %get3A_1767, %eq3A_2111 : vector<16xi32>
          %jit3A_2113 = arith.constant 3.000000e+38 : f32
          %broadcast_in_dim3A_2114 = vector.broadcast %jit3A_2113 : f32 to vector<16xf32>
          %select_n3A_2115 = arith.select %eq3A_2112, %select_n3A_1824, %broadcast_in_dim3A_2114 : vector<16xi1>, vector<16xf32>
          %lt3A_2116 = arith.constant 0 : i32
          %lt3A_2117 = vector.broadcast %lt3A_2116 : i32 to vector<16xi32>
          %lt3A_2118 = arith.cmpi slt, %xor3A_1553, %lt3A_2117 : vector<16xi32>
          %add3A_2119 = arith.constant 16 : i32
          %add3A_2120 = vector.broadcast %add3A_2119 : i32 to vector<16xi32>
          %add3A_2121 = arith.addi %xor3A_1553, %add3A_2120 : vector<16xi32>
          %select_n3A_2122 = arith.select %lt3A_2118, %add3A_2121, %xor3A_1553 : vector<16xi1>, vector<16xi32>
          %broadcast_in_dim3A_2123 = vector.shape_cast %select_n3A_2122 : vector<16xi32> to vector<16x1xi32>
          %gather3A_2124 = vector.shape_cast %broadcast_in_dim3A_2123 : vector<16x1xi32> to vector<16xi32>
          %gather3A_2125 = tpu.dynamic_gather %select_n3A_2115[%gather3A_2124] in [0] : vector<16xf32>, vector<16xi32> -> vector<16xf32>
          %min3A_2126 = arith.minimumf %select_n3A_2115, %gather3A_2125 : vector<16xf32>
          %lt3A_2127 = arith.constant 0 : i32
          %lt3A_2128 = vector.broadcast %lt3A_2127 : i32 to vector<16xi32>
          %lt3A_2129 = arith.cmpi slt, %xor3A_1556, %lt3A_2128 : vector<16xi32>
          %add3A_2130 = arith.constant 16 : i32
          %add3A_2131 = vector.broadcast %add3A_2130 : i32 to vector<16xi32>
          %add3A_2132 = arith.addi %xor3A_1556, %add3A_2131 : vector<16xi32>
          %select_n3A_2133 = arith.select %lt3A_2129, %add3A_2132, %xor3A_1556 : vector<16xi1>, vector<16xi32>
          %broadcast_in_dim3A_2134 = vector.shape_cast %select_n3A_2133 : vector<16xi32> to vector<16x1xi32>
          %gather3A_2135 = vector.shape_cast %broadcast_in_dim3A_2134 : vector<16x1xi32> to vector<16xi32>
          %gather3A_2136 = tpu.dynamic_gather %min3A_2126[%gather3A_2135] in [0] : vector<16xf32>, vector<16xi32> -> vector<16xf32>
          %min3A_2137 = arith.minimumf %min3A_2126, %gather3A_2136 : vector<16xf32>
          %lt3A_2138 = arith.constant 0 : i32
          %lt3A_2139 = vector.broadcast %lt3A_2138 : i32 to vector<16xi32>
          %lt3A_2140 = arith.cmpi slt, %xor3A_1559, %lt3A_2139 : vector<16xi32>
          %add3A_2141 = arith.constant 16 : i32
          %add3A_2142 = vector.broadcast %add3A_2141 : i32 to vector<16xi32>
          %add3A_2143 = arith.addi %xor3A_1559, %add3A_2142 : vector<16xi32>
          %select_n3A_2144 = arith.select %lt3A_2140, %add3A_2143, %xor3A_1559 : vector<16xi1>, vector<16xi32>
          %broadcast_in_dim3A_2145 = vector.shape_cast %select_n3A_2144 : vector<16xi32> to vector<16x1xi32>
          %gather3A_2146 = vector.shape_cast %broadcast_in_dim3A_2145 : vector<16x1xi32> to vector<16xi32>
          %gather3A_2147 = tpu.dynamic_gather %min3A_2137[%gather3A_2146] in [0] : vector<16xf32>, vector<16xi32> -> vector<16xf32>
          %min3A_2148 = arith.minimumf %min3A_2137, %gather3A_2147 : vector<16xf32>
          %lt3A_2149 = arith.constant 0 : i32
          %lt3A_2150 = vector.broadcast %lt3A_2149 : i32 to vector<16xi32>
          %lt3A_2151 = arith.cmpi slt, %xor3A_1562, %lt3A_2150 : vector<16xi32>
          %add3A_2152 = arith.constant 16 : i32
          %add3A_2153 = vector.broadcast %add3A_2152 : i32 to vector<16xi32>
          %add3A_2154 = arith.addi %xor3A_1562, %add3A_2153 : vector<16xi32>
          %select_n3A_2155 = arith.select %lt3A_2151, %add3A_2154, %xor3A_1562 : vector<16xi1>, vector<16xi32>
          %broadcast_in_dim3A_2156 = vector.shape_cast %select_n3A_2155 : vector<16xi32> to vector<16x1xi32>
          %gather3A_2157 = vector.shape_cast %broadcast_in_dim3A_2156 : vector<16x1xi32> to vector<16xi32>
          %gather3A_2158 = tpu.dynamic_gather %min3A_2148[%gather3A_2157] in [0] : vector<16xf32>, vector<16xi32> -> vector<16xf32>
          %min3A_2159 = arith.minimumf %min3A_2148, %gather3A_2158 : vector<16xf32>
          %jit3A_2160 = arith.constant -3.000000e+38 : f32
          %broadcast_in_dim3A_2161 = vector.broadcast %jit3A_2160 : f32 to vector<16xf32>
          %select_n3A_2162 = arith.select %eq3A_2112, %select_n3A_1827, %broadcast_in_dim3A_2161 : vector<16xi1>, vector<16xf32>
          %lt3A_2163 = arith.constant 0 : i32
          %lt3A_2164 = vector.broadcast %lt3A_2163 : i32 to vector<16xi32>
          %lt3A_2165 = arith.cmpi slt, %xor3A_1553, %lt3A_2164 : vector<16xi32>
          %add3A_2166 = arith.constant 16 : i32
          %add3A_2167 = vector.broadcast %add3A_2166 : i32 to vector<16xi32>
          %add3A_2168 = arith.addi %xor3A_1553, %add3A_2167 : vector<16xi32>
          %select_n3A_2169 = arith.select %lt3A_2165, %add3A_2168, %xor3A_1553 : vector<16xi1>, vector<16xi32>
          %broadcast_in_dim3A_2170 = vector.shape_cast %select_n3A_2169 : vector<16xi32> to vector<16x1xi32>
          %gather3A_2171 = vector.shape_cast %broadcast_in_dim3A_2170 : vector<16x1xi32> to vector<16xi32>
          %gather3A_2172 = tpu.dynamic_gather %select_n3A_2162[%gather3A_2171] in [0] : vector<16xf32>, vector<16xi32> -> vector<16xf32>
          %max3A_2173 = arith.maximumf %select_n3A_2162, %gather3A_2172 : vector<16xf32>
          %lt3A_2174 = arith.constant 0 : i32
          %lt3A_2175 = vector.broadcast %lt3A_2174 : i32 to vector<16xi32>
          %lt3A_2176 = arith.cmpi slt, %xor3A_1556, %lt3A_2175 : vector<16xi32>
          %add3A_2177 = arith.constant 16 : i32
          %add3A_2178 = vector.broadcast %add3A_2177 : i32 to vector<16xi32>
          %add3A_2179 = arith.addi %xor3A_1556, %add3A_2178 : vector<16xi32>
          %select_n3A_2180 = arith.select %lt3A_2176, %add3A_2179, %xor3A_1556 : vector<16xi1>, vector<16xi32>
          %broadcast_in_dim3A_2181 = vector.shape_cast %select_n3A_2180 : vector<16xi32> to vector<16x1xi32>
          %gather3A_2182 = vector.shape_cast %broadcast_in_dim3A_2181 : vector<16x1xi32> to vector<16xi32>
          %gather3A_2183 = tpu.dynamic_gather %max3A_2173[%gather3A_2182] in [0] : vector<16xf32>, vector<16xi32> -> vector<16xf32>
          %max3A_2184 = arith.maximumf %max3A_2173, %gather3A_2183 : vector<16xf32>
          %lt3A_2185 = arith.constant 0 : i32
          %lt3A_2186 = vector.broadcast %lt3A_2185 : i32 to vector<16xi32>
          %lt3A_2187 = arith.cmpi slt, %xor3A_1559, %lt3A_2186 : vector<16xi32>
          %add3A_2188 = arith.constant 16 : i32
          %add3A_2189 = vector.broadcast %add3A_2188 : i32 to vector<16xi32>
          %add3A_2190 = arith.addi %xor3A_1559, %add3A_2189 : vector<16xi32>
          %select_n3A_2191 = arith.select %lt3A_2187, %add3A_2190, %xor3A_1559 : vector<16xi1>, vector<16xi32>
          %broadcast_in_dim3A_2192 = vector.shape_cast %select_n3A_2191 : vector<16xi32> to vector<16x1xi32>
          %gather3A_2193 = vector.shape_cast %broadcast_in_dim3A_2192 : vector<16x1xi32> to vector<16xi32>
          %gather3A_2194 = tpu.dynamic_gather %max3A_2184[%gather3A_2193] in [0] : vector<16xf32>, vector<16xi32> -> vector<16xf32>
          %max3A_2195 = arith.maximumf %max3A_2184, %gather3A_2194 : vector<16xf32>
          %lt3A_2196 = arith.constant 0 : i32
          %lt3A_2197 = vector.broadcast %lt3A_2196 : i32 to vector<16xi32>
          %lt3A_2198 = arith.cmpi slt, %xor3A_1562, %lt3A_2197 : vector<16xi32>
          %add3A_2199 = arith.constant 16 : i32
          %add3A_2200 = vector.broadcast %add3A_2199 : i32 to vector<16xi32>
          %add3A_2201 = arith.addi %xor3A_1562, %add3A_2200 : vector<16xi32>
          %select_n3A_2202 = arith.select %lt3A_2198, %add3A_2201, %xor3A_1562 : vector<16xi1>, vector<16xi32>
          %broadcast_in_dim3A_2203 = vector.shape_cast %select_n3A_2202 : vector<16xi32> to vector<16x1xi32>
          %gather3A_2204 = vector.shape_cast %broadcast_in_dim3A_2203 : vector<16x1xi32> to vector<16xi32>
          %gather3A_2205 = tpu.dynamic_gather %max3A_2195[%gather3A_2204] in [0] : vector<16xf32>, vector<16xi32> -> vector<16xf32>
          %max3A_2206 = arith.maximumf %max3A_2195, %gather3A_2205 : vector<16xf32>
          %eq3A_2207 = vector.broadcast %while3A_2108 : i32 to vector<16xi32>
          %eq3A_2208 = arith.cmpi eq, %iota3A, %eq3A_2207 : vector<16xi32>
          %jit3A_2209 = arith.constant 3.000000e+38 : f32
          %broadcast_in_dim3A_2210 = vector.broadcast %jit3A_2209 : f32 to vector<16xf32>
          %select_n3A_2211 = arith.select %eq3A_2208, %min3A_2159, %broadcast_in_dim3A_2210 : vector<16xi1>, vector<16xf32>
          %min3A_2212 = arith.minimumf %while3A_2109, %select_n3A_2211 : vector<16xf32>
          %jit3A_2213 = arith.constant -3.000000e+38 : f32
          %broadcast_in_dim3A_2214 = vector.broadcast %jit3A_2213 : f32 to vector<16xf32>
          %select_n3A_2215 = arith.select %eq3A_2208, %max3A_2206, %broadcast_in_dim3A_2214 : vector<16xi1>, vector<16xf32>
          %max3A_2216 = arith.maximumf %while3A_2110, %select_n3A_2215 : vector<16xf32>
          scf.yield %min3A_2212, %max3A_2216 : vector<16xf32>, vector<16xf32>
        }
        %while3A_2094 = arith.constant 1 : i32
        %while3A_2095:2 = scf.for %while3A_2108 = %while3A_2091 to %while3A_2087 step %while3A_2094 iter_args(%while3A_2109 = %while3A_2093#0, %while3A_2110 = %while3A_2093#1) -> (vector<16xf32>, vector<16xf32>)  : i32 {
          %eq3A_2111 = vector.broadcast %while3A_2108 : i32 to vector<16xi32>
          %eq3A_2112 = arith.cmpi eq, %get3A_1767, %eq3A_2111 : vector<16xi32>
          %jit3A_2113 = arith.constant 3.000000e+38 : f32
          %broadcast_in_dim3A_2114 = vector.broadcast %jit3A_2113 : f32 to vector<16xf32>
          %select_n3A_2115 = arith.select %eq3A_2112, %select_n3A_1824, %broadcast_in_dim3A_2114 : vector<16xi1>, vector<16xf32>
          %lt3A_2116 = arith.constant 0 : i32
          %lt3A_2117 = vector.broadcast %lt3A_2116 : i32 to vector<16xi32>
          %lt3A_2118 = arith.cmpi slt, %xor3A_1553, %lt3A_2117 : vector<16xi32>
          %add3A_2119 = arith.constant 16 : i32
          %add3A_2120 = vector.broadcast %add3A_2119 : i32 to vector<16xi32>
          %add3A_2121 = arith.addi %xor3A_1553, %add3A_2120 : vector<16xi32>
          %select_n3A_2122 = arith.select %lt3A_2118, %add3A_2121, %xor3A_1553 : vector<16xi1>, vector<16xi32>
          %broadcast_in_dim3A_2123 = vector.shape_cast %select_n3A_2122 : vector<16xi32> to vector<16x1xi32>
          %gather3A_2124 = vector.shape_cast %broadcast_in_dim3A_2123 : vector<16x1xi32> to vector<16xi32>
          %gather3A_2125 = tpu.dynamic_gather %select_n3A_2115[%gather3A_2124] in [0] : vector<16xf32>, vector<16xi32> -> vector<16xf32>
          %min3A_2126 = arith.minimumf %select_n3A_2115, %gather3A_2125 : vector<16xf32>
          %lt3A_2127 = arith.constant 0 : i32
          %lt3A_2128 = vector.broadcast %lt3A_2127 : i32 to vector<16xi32>
          %lt3A_2129 = arith.cmpi slt, %xor3A_1556, %lt3A_2128 : vector<16xi32>
          %add3A_2130 = arith.constant 16 : i32
          %add3A_2131 = vector.broadcast %add3A_2130 : i32 to vector<16xi32>
          %add3A_2132 = arith.addi %xor3A_1556, %add3A_2131 : vector<16xi32>
          %select_n3A_2133 = arith.select %lt3A_2129, %add3A_2132, %xor3A_1556 : vector<16xi1>, vector<16xi32>
          %broadcast_in_dim3A_2134 = vector.shape_cast %select_n3A_2133 : vector<16xi32> to vector<16x1xi32>
          %gather3A_2135 = vector.shape_cast %broadcast_in_dim3A_2134 : vector<16x1xi32> to vector<16xi32>
          %gather3A_2136 = tpu.dynamic_gather %min3A_2126[%gather3A_2135] in [0] : vector<16xf32>, vector<16xi32> -> vector<16xf32>
          %min3A_2137 = arith.minimumf %min3A_2126, %gather3A_2136 : vector<16xf32>
          %lt3A_2138 = arith.constant 0 : i32
          %lt3A_2139 = vector.broadcast %lt3A_2138 : i32 to vector<16xi32>
          %lt3A_2140 = arith.cmpi slt, %xor3A_1559, %lt3A_2139 : vector<16xi32>
          %add3A_2141 = arith.constant 16 : i32
          %add3A_2142 = vector.broadcast %add3A_2141 : i32 to vector<16xi32>
          %add3A_2143 = arith.addi %xor3A_1559, %add3A_2142 : vector<16xi32>
          %select_n3A_2144 = arith.select %lt3A_2140, %add3A_2143, %xor3A_1559 : vector<16xi1>, vector<16xi32>
          %broadcast_in_dim3A_2145 = vector.shape_cast %select_n3A_2144 : vector<16xi32> to vector<16x1xi32>
          %gather3A_2146 = vector.shape_cast %broadcast_in_dim3A_2145 : vector<16x1xi32> to vector<16xi32>
          %gather3A_2147 = tpu.dynamic_gather %min3A_2137[%gather3A_2146] in [0] : vector<16xf32>, vector<16xi32> -> vector<16xf32>
          %min3A_2148 = arith.minimumf %min3A_2137, %gather3A_2147 : vector<16xf32>
          %lt3A_2149 = arith.constant 0 : i32
          %lt3A_2150 = vector.broadcast %lt3A_2149 : i32 to vector<16xi32>
          %lt3A_2151 = arith.cmpi slt, %xor3A_1562, %lt3A_2150 : vector<16xi32>
          %add3A_2152 = arith.constant 16 : i32
          %add3A_2153 = vector.broadcast %add3A_2152 : i32 to vector<16xi32>
          %add3A_2154 = arith.addi %xor3A_1562, %add3A_2153 : vector<16xi32>
          %select_n3A_2155 = arith.select %lt3A_2151, %add3A_2154, %xor3A_1562 : vector<16xi1>, vector<16xi32>
          %broadcast_in_dim3A_2156 = vector.shape_cast %select_n3A_2155 : vector<16xi32> to vector<16x1xi32>
          %gather3A_2157 = vector.shape_cast %broadcast_in_dim3A_2156 : vector<16x1xi32> to vector<16xi32>
          %gather3A_2158 = tpu.dynamic_gather %min3A_2148[%gather3A_2157] in [0] : vector<16xf32>, vector<16xi32> -> vector<16xf32>
          %min3A_2159 = arith.minimumf %min3A_2148, %gather3A_2158 : vector<16xf32>
          %jit3A_2160 = arith.constant -3.000000e+38 : f32
          %broadcast_in_dim3A_2161 = vector.broadcast %jit3A_2160 : f32 to vector<16xf32>
          %select_n3A_2162 = arith.select %eq3A_2112, %select_n3A_1827, %broadcast_in_dim3A_2161 : vector<16xi1>, vector<16xf32>
          %lt3A_2163 = arith.constant 0 : i32
          %lt3A_2164 = vector.broadcast %lt3A_2163 : i32 to vector<16xi32>
          %lt3A_2165 = arith.cmpi slt, %xor3A_1553, %lt3A_2164 : vector<16xi32>
          %add3A_2166 = arith.constant 16 : i32
          %add3A_2167 = vector.broadcast %add3A_2166 : i32 to vector<16xi32>
          %add3A_2168 = arith.addi %xor3A_1553, %add3A_2167 : vector<16xi32>
          %select_n3A_2169 = arith.select %lt3A_2165, %add3A_2168, %xor3A_1553 : vector<16xi1>, vector<16xi32>
          %broadcast_in_dim3A_2170 = vector.shape_cast %select_n3A_2169 : vector<16xi32> to vector<16x1xi32>
          %gather3A_2171 = vector.shape_cast %broadcast_in_dim3A_2170 : vector<16x1xi32> to vector<16xi32>
          %gather3A_2172 = tpu.dynamic_gather %select_n3A_2162[%gather3A_2171] in [0] : vector<16xf32>, vector<16xi32> -> vector<16xf32>
          %max3A_2173 = arith.maximumf %select_n3A_2162, %gather3A_2172 : vector<16xf32>
          %lt3A_2174 = arith.constant 0 : i32
          %lt3A_2175 = vector.broadcast %lt3A_2174 : i32 to vector<16xi32>
          %lt3A_2176 = arith.cmpi slt, %xor3A_1556, %lt3A_2175 : vector<16xi32>
          %add3A_2177 = arith.constant 16 : i32
          %add3A_2178 = vector.broadcast %add3A_2177 : i32 to vector<16xi32>
          %add3A_2179 = arith.addi %xor3A_1556, %add3A_2178 : vector<16xi32>
          %select_n3A_2180 = arith.select %lt3A_2176, %add3A_2179, %xor3A_1556 : vector<16xi1>, vector<16xi32>
          %broadcast_in_dim3A_2181 = vector.shape_cast %select_n3A_2180 : vector<16xi32> to vector<16x1xi32>
          %gather3A_2182 = vector.shape_cast %broadcast_in_dim3A_2181 : vector<16x1xi32> to vector<16xi32>
          %gather3A_2183 = tpu.dynamic_gather %max3A_2173[%gather3A_2182] in [0] : vector<16xf32>, vector<16xi32> -> vector<16xf32>
          %max3A_2184 = arith.maximumf %max3A_2173, %gather3A_2183 : vector<16xf32>
          %lt3A_2185 = arith.constant 0 : i32
          %lt3A_2186 = vector.broadcast %lt3A_2185 : i32 to vector<16xi32>
          %lt3A_2187 = arith.cmpi slt, %xor3A_1559, %lt3A_2186 : vector<16xi32>
          %add3A_2188 = arith.constant 16 : i32
          %add3A_2189 = vector.broadcast %add3A_2188 : i32 to vector<16xi32>
          %add3A_2190 = arith.addi %xor3A_1559, %add3A_2189 : vector<16xi32>
          %select_n3A_2191 = arith.select %lt3A_2187, %add3A_2190, %xor3A_1559 : vector<16xi1>, vector<16xi32>
          %broadcast_in_dim3A_2192 = vector.shape_cast %select_n3A_2191 : vector<16xi32> to vector<16x1xi32>
          %gather3A_2193 = vector.shape_cast %broadcast_in_dim3A_2192 : vector<16x1xi32> to vector<16xi32>
          %gather3A_2194 = tpu.dynamic_gather %max3A_2184[%gather3A_2193] in [0] : vector<16xf32>, vector<16xi32> -> vector<16xf32>
          %max3A_2195 = arith.maximumf %max3A_2184, %gather3A_2194 : vector<16xf32>
          %lt3A_2196 = arith.constant 0 : i32
          %lt3A_2197 = vector.broadcast %lt3A_2196 : i32 to vector<16xi32>
          %lt3A_2198 = arith.cmpi slt, %xor3A_1562, %lt3A_2197 : vector<16xi32>
          %add3A_2199 = arith.constant 16 : i32
          %add3A_2200 = vector.broadcast %add3A_2199 : i32 to vector<16xi32>
          %add3A_2201 = arith.addi %xor3A_1562, %add3A_2200 : vector<16xi32>
          %select_n3A_2202 = arith.select %lt3A_2198, %add3A_2201, %xor3A_1562 : vector<16xi1>, vector<16xi32>
          %broadcast_in_dim3A_2203 = vector.shape_cast %select_n3A_2202 : vector<16xi32> to vector<16x1xi32>
          %gather3A_2204 = vector.shape_cast %broadcast_in_dim3A_2203 : vector<16x1xi32> to vector<16xi32>
          %gather3A_2205 = tpu.dynamic_gather %max3A_2195[%gather3A_2204] in [0] : vector<16xf32>, vector<16xi32> -> vector<16xf32>
          %max3A_2206 = arith.maximumf %max3A_2195, %gather3A_2205 : vector<16xf32>
          %eq3A_2207 = vector.broadcast %while3A_2108 : i32 to vector<16xi32>
          %eq3A_2208 = arith.cmpi eq, %iota3A, %eq3A_2207 : vector<16xi32>
          %jit3A_2209 = arith.constant 3.000000e+38 : f32
          %broadcast_in_dim3A_2210 = vector.broadcast %jit3A_2209 : f32 to vector<16xf32>
          %select_n3A_2211 = arith.select %eq3A_2208, %min3A_2159, %broadcast_in_dim3A_2210 : vector<16xi1>, vector<16xf32>
          %min3A_2212 = arith.minimumf %while3A_2109, %select_n3A_2211 : vector<16xf32>
          %jit3A_2213 = arith.constant -3.000000e+38 : f32
          %broadcast_in_dim3A_2214 = vector.broadcast %jit3A_2213 : f32 to vector<16xf32>
          %select_n3A_2215 = arith.select %eq3A_2208, %max3A_2206, %broadcast_in_dim3A_2214 : vector<16xi1>, vector<16xf32>
          %max3A_2216 = arith.maximumf %while3A_2110, %select_n3A_2215 : vector<16xf32>
          scf.yield %min3A_2212, %max3A_2216 : vector<16xf32>, vector<16xf32>
        }
        %swap3A_2096 = arith.constant 0 : i32
        %swap3A_2097 = arith.index_cast %swap3A_2096 : i32 to index
        %swap3A_2098 = arith.constant 0 : index
        %swap3A_2099 = tpu.vector_load %arg12[%swap3A_2097, %swap3A_2098] {strides = array<i32>} : memref<4x16xf32, #tpu.memory_space<vmem>>, vector<1x16xf32>,
        %swap3A_2100 = vector.shape_cast %swap3A_2099 : vector<1x16xf32> to vector<16xf32>
        %swap3A_2101 = vector.shape_cast %while3A_2095#0 : vector<16xf32> to vector<1x16xf32>
        tpu.vector_store %arg12[%swap3A_2097, %swap3A_2098], %swap3A_2101 {strides = array<i32>} : memref<4x16xf32, #tpu.memory_space<vmem>>, vector<1x16xf32>,
        %swap3A_2102 = arith.constant 1 : i32
        %swap3A_2103 = arith.index_cast %swap3A_2102 : i32 to index
        %swap3A_2104 = arith.constant 0 : index
        %swap3A_2105 = tpu.vector_load %arg12[%swap3A_2103, %swap3A_2104] {strides = array<i32>} : memref<4x16xf32, #tpu.memory_space<vmem>>, vector<1x16xf32>,
        %swap3A_2106 = vector.shape_cast %swap3A_2105 : vector<1x16xf32> to vector<16xf32>
        %swap3A_2107 = vector.shape_cast %while3A_2095#1 : vector<16xf32> to vector<1x16xf32>
        tpu.vector_store %arg12[%swap3A_2103, %swap3A_2104], %swap3A_2107 {strides = array<i32>} : memref<4x16xf32, #tpu.memory_space<vmem>>, vector<1x16xf32>,
      } else {
      }
      %scan3A_1839 = arith.constant 1 : i32
      %scan3A_1840 = arith.addi %scan3A_1761, %scan3A_1839 : i32
      %mul3A_1841 = arith.constant 16 : i32
      %mul3A_1842 = arith.muli %scan3A_1840, %mul3A_1841 : i32
      %get3A_1843 = arith.index_cast %mul3A_1842 : i32 to index
      %get3A_1844 = tpu.vector_load %arg7[%get3A_1843] {strides = array<i32>} : memref<1024xi32, #tpu.memory_space<vmem>>, vector<16xi32>,
      %get3A_1845 = vector.shape_cast %get3A_1844 : vector<16xi32> to vector<16xi32>
      %jit3A_1846 = arith.constant 8 : i32
      %div3A_1847 = arith.divsi %scan3A_1840, %jit3A_1846 : i32
      %sign3A_1848 = arith.constant 0 : i32
      %sign3A_1849 = arith.cmpi sgt, %scan3A_1840, %sign3A_1848 : i32
      %sign3A_1850 = arith.extui %sign3A_1849 : i1 to i32
      %sign3A_1851 = arith.constant 0 : i32
      %sign3A_1852 = arith.cmpi slt, %scan3A_1840, %sign3A_1851 : i32
      %sign3A_1853 = arith.extui %sign3A_1852 : i1 to i32
      %sign3A_1854 = arith.subi %sign3A_1850, %sign3A_1853 : i32
      %sign3A_1855 = arith.constant 0 : i32
      %sign3A_1856 = arith.cmpi sgt, %jit3A_1846, %sign3A_1855 : i32
      %sign3A_1857 = arith.extui %sign3A_1856 : i1 to i32
      %sign3A_1858 = arith.constant 0 : i32
      %sign3A_1859 = arith.cmpi slt, %jit3A_1846, %sign3A_1858 : i32
      %sign3A_1860 = arith.extui %sign3A_1859 : i1 to i32
      %sign3A_1861 = arith.subi %sign3A_1857, %sign3A_1860 : i32
      %ne3A_1862 = arith.cmpi ne, %sign3A_1854, %sign3A_1861 : i32
      %rem3A_1863 = arith.remsi %scan3A_1840, %jit3A_1846 : i32
      %ne3A_1864 = arith.constant 0 : i32
      %ne3A_1865 = arith.cmpi ne, %rem3A_1863, %ne3A_1864 : i32
      %and3A_1866 = arith.andi %ne3A_1862, %ne3A_1865 : i1
      %sub3A_1867 = arith.constant 1 : i32
      %sub3A_1868 = arith.subi %div3A_1847, %sub3A_1867 : i32
      %select_n3A_1869 = arith.select %and3A_1866, %sub3A_1868, %div3A_1847 : i32
      %jit3A_1870 = arith.constant 8 : i32
      %eq3A_1871 = arith.constant 0 : i32
      %eq3A_1872 = arith.cmpi eq, %jit3A_1870, %eq3A_1871 : i32
      %jit3A_1873 = arith.constant 1 : i32
      %select_n3A_1874 = arith.select %eq3A_1872, %jit3A_1873, %jit3A_1870 : i32
      %rem3A_1875 = arith.remsi %scan3A_1840, %select_n3A_1874 : i32
      %ne3A_1876 = arith.constant 0 : i32
      %ne3A_1877 = arith.cmpi ne, %rem3A_1875, %ne3A_1876 : i32
      %lt3A_1878 = arith.constant 0 : i32
      %lt3A_1879 = arith.cmpi slt, %rem3A_1875, %lt3A_1878 : i32
      %lt3A_1880 = arith.constant 0 : i32
      %lt3A_1881 = arith.cmpi slt, %select_n3A_1874, %lt3A_1880 : i32
      %ne3A_1882 = arith.xori %lt3A_1879, %lt3A_1881 : i1
      %and3A_1883 = arith.andi %ne3A_1882, %ne3A_1877 : i1
      %add3A_1884 = arith.addi %rem3A_1875, %select_n3A_1874 : i32
      %select_n3A_1885 = arith.select %and3A_1883, %add3A_1884, %rem3A_1875 : i32
      %mul3A_1886 = arith.constant 16 : i32
      %mul3A_1887 = arith.muli %select_n3A_1885, %mul3A_1886 : i32
      %get3A_1888 = arith.index_cast %select_n3A_1869 : i32 to index
      %get3A_1889 = arith.index_cast %mul3A_1887 : i32 to index
      %get3A_1890 = tpu.vector_load %arg9[%get3A_1888, %get3A_1889] {strides = array<i32>} : memref<8x128xf32, #tpu.memory_space<vmem>>, vector<1x16xf32>,
      %get3A_1891 = vector.shape_cast %get3A_1890 : vector<1x16xf32> to vector<16xf32>
      %get3A_1892 = arith.index_cast %mul3A_1842 : i32 to index
      %get3A_1893 = tpu.vector_load %arg10[%get3A_1892] {strides = array<i32>} : memref<1024xi32, #tpu.memory_space<vmem>>, vector<16xi32>,
      %get3A_1894 = vector.shape_cast %get3A_1893 : vector<16xi32> to vector<16xi32>
      %gt3A_1895 = arith.constant 0 : i32
      %gt3A_1896 = vector.broadcast %gt3A_1895 : i32 to vector<16xi32>
      %gt3A_1897 = arith.cmpi sgt, %get3A_1894, %gt3A_1896 : vector<16xi32>
      %jit3A_1898 = arith.constant 0.000000e+00 : f32
      %broadcast_in_dim3A_1899 = vector.broadcast %jit3A_1898 : f32 to vector<16xf32>
      %select_n3A_1900 = arith.select %gt3A_1897, %get3A_1891, %broadcast_in_dim3A_1899 : vector<16xi1>, vector<16xf32>
      %add3A_1901 = arith.addf %add3A_1817, %select_n3A_1900 : vector<16xf32>
      %slice3A_1902 = vector.extract_strided_slice %get3A_1845 {offsets = [0], sizes = [1], strides = [1]} : vector<16xi32> to vector<1xi32>
      %squeeze3A_1903 = vector.extract %slice3A_1902[0] : i32 from vector<1xi32>
      %slice3A_1904 = vector.extract_strided_slice %get3A_1845 {offsets = [15], sizes = [1], strides = [1]} : vector<16xi32> to vector<1xi32>
      %squeeze3A_1905 = vector.extract %slice3A_1904[0] : i32 from vector<1xi32>
      %jit3A_1906 = arith.constant 3.000000e+38 : f32
      %broadcast_in_dim3A_1907 = vector.broadcast %jit3A_1906 : f32 to vector<16xf32>
      %select_n3A_1908 = arith.select %gt3A_1897, %get3A_1891, %broadcast_in_dim3A_1907 : vector<16xi1>, vector<16xf32>
      %jit3A_1909 = arith.constant -3.000000e+38 : f32
      %broadcast_in_dim3A_1910 = vector.broadcast %jit3A_1909 : f32 to vector<16xf32>
      %select_n3A_1911 = arith.select %gt3A_1897, %broadcast_in_dim3A_1910, %get3A_1891 : vector<16xi1>, vector<16xf32>
      %get3A_1912 = arith.constant 0 : i32
      %get3A_1913 = arith.index_cast %get3A_1912 : i32 to index
      %get3A_1914 = memref.load %arg14[%get3A_1913] : memref<1xi32, #tpu.memory_space<smem>>
      %eq3A_1915 = arith.cmpi eq, %squeeze3A_1903, %get3A_1914 : i32
      %eq3A_1916 = arith.cmpi eq, %squeeze3A_1905, %get3A_1914 : i32
      %and3A_1917 = arith.andi %eq3A_1915, %eq3A_1916 : i1
      %convert_element_type3A_1918 = arith.extui %and3A_1917 : i1 to i32
      %cond3A_1919 = arith.constant 0 : i32
      %cond3A_1920 = arith.cmpi ne, %convert_element_type3A_1918, %cond3A_1919 : i32
      scf.if %cond3A_1920 {
        %get3A_1926 = arith.constant 2 : i32
        %get3A_1927 = arith.index_cast %get3A_1926 : i32 to index
        %get3A_1928 = arith.constant 0 : index
        %get3A_1929 = tpu.vector_load %arg12[%get3A_1927, %get3A_1928] {strides = array<i32>} : memref<4x16xf32, #tpu.memory_space<vmem>>, vector<1x16xf32>,
        %get3A_1930 = vector.shape_cast %get3A_1929 : vector<1x16xf32> to vector<16xf32>
        %min3A_1931 = arith.minimumf %get3A_1930, %select_n3A_1908 : vector<16xf32>
        %swap3A_1932 = arith.constant 2 : i32
        %swap3A_1933 = arith.index_cast %swap3A_1932 : i32 to index
        %swap3A_1934 = arith.constant 0 : index
        %swap3A_1935 = tpu.vector_load %arg12[%swap3A_1933, %swap3A_1934] {strides = array<i32>} : memref<4x16xf32, #tpu.memory_space<vmem>>, vector<1x16xf32>,
        %swap3A_1936 = vector.shape_cast %swap3A_1935 : vector<1x16xf32> to vector<16xf32>
        %swap3A_1937 = vector.shape_cast %min3A_1931 : vector<16xf32> to vector<1x16xf32>
        tpu.vector_store %arg12[%swap3A_1933, %swap3A_1934], %swap3A_1937 {strides = array<i32>} : memref<4x16xf32, #tpu.memory_space<vmem>>, vector<1x16xf32>,
        %get3A_1938 = arith.constant 3 : i32
        %get3A_1939 = arith.index_cast %get3A_1938 : i32 to index
        %get3A_1940 = arith.constant 0 : index
        %get3A_1941 = tpu.vector_load %arg12[%get3A_1939, %get3A_1940] {strides = array<i32>} : memref<4x16xf32, #tpu.memory_space<vmem>>, vector<1x16xf32>,
        %get3A_1942 = vector.shape_cast %get3A_1941 : vector<1x16xf32> to vector<16xf32>
        %max3A_1943 = arith.maximumf %get3A_1942, %select_n3A_1911 : vector<16xf32>
        %swap3A_1944 = arith.constant 3 : i32
        %swap3A_1945 = arith.index_cast %swap3A_1944 : i32 to index
        %swap3A_1946 = arith.constant 0 : index
        %swap3A_1947 = tpu.vector_load %arg12[%swap3A_1945, %swap3A_1946] {strides = array<i32>} : memref<4x16xf32, #tpu.memory_space<vmem>>, vector<1x16xf32>,
        %swap3A_1948 = vector.shape_cast %swap3A_1947 : vector<1x16xf32> to vector<16xf32>
        %swap3A_1949 = vector.shape_cast %max3A_1943 : vector<16xf32> to vector<1x16xf32>
        tpu.vector_store %arg12[%swap3A_1945, %swap3A_1946], %swap3A_1949 {strides = array<i32>} : memref<4x16xf32, #tpu.memory_space<vmem>>, vector<1x16xf32>,
      } else {
      }
      %not3A_1921 = arith.constant true
      %not3A_1922 = arith.xori %and3A_1917, %not3A_1921 : i1
      %convert_element_type3A_1923 = arith.extui %not3A_1922 : i1 to i32
      %cond3A_1924 = arith.constant 0 : i32
      %cond3A_1925 = arith.cmpi ne, %convert_element_type3A_1923, %cond3A_1924 : i32
      scf.if %cond3A_1925 {
        %eq3A_1926 = vector.broadcast %get3A_1914 : i32 to vector<16xi32>
        %eq3A_1927 = arith.cmpi eq, %iota3A, %eq3A_1926 : vector<16xi32>
        %get3A_1928 = arith.constant 0 : i32
        %get3A_1929 = arith.index_cast %get3A_1928 : i32 to index
        %get3A_1930 = arith.constant 0 : index
        %get3A_1931 = tpu.vector_load %arg12[%get3A_1929, %get3A_1930] {strides = array<i32>} : memref<4x16xf32, #tpu.memory_space<vmem>>, vector<1x16xf32>,
        %get3A_1932 = vector.shape_cast %get3A_1931 : vector<1x16xf32> to vector<16xf32>
        %get3A_1933 = arith.constant 2 : i32
        %get3A_1934 = arith.index_cast %get3A_1933 : i32 to index
        %get3A_1935 = arith.constant 0 : index
        %get3A_1936 = tpu.vector_load %arg12[%get3A_1934, %get3A_1935] {strides = array<i32>} : memref<4x16xf32, #tpu.memory_space<vmem>>, vector<1x16xf32>,
        %get3A_1937 = vector.shape_cast %get3A_1936 : vector<1x16xf32> to vector<16xf32>
        %lt3A_1938 = arith.constant 0 : i32
        %lt3A_1939 = vector.broadcast %lt3A_1938 : i32 to vector<16xi32>
        %lt3A_1940 = arith.cmpi slt, %xor3A_1553, %lt3A_1939 : vector<16xi32>
        %add3A_1941 = arith.constant 16 : i32
        %add3A_1942 = vector.broadcast %add3A_1941 : i32 to vector<16xi32>
        %add3A_1943 = arith.addi %xor3A_1553, %add3A_1942 : vector<16xi32>
        %select_n3A_1944 = arith.select %lt3A_1940, %add3A_1943, %xor3A_1553 : vector<16xi1>, vector<16xi32>
        %broadcast_in_dim3A_1945 = vector.shape_cast %select_n3A_1944 : vector<16xi32> to vector<16x1xi32>
        %gather3A_1946 = vector.shape_cast %broadcast_in_dim3A_1945 : vector<16x1xi32> to vector<16xi32>
        %gather3A_1947 = tpu.dynamic_gather %get3A_1937[%gather3A_1946] in [0] : vector<16xf32>, vector<16xi32> -> vector<16xf32>
        %min3A_1948 = arith.minimumf %get3A_1937, %gather3A_1947 : vector<16xf32>
        %lt3A_1949 = arith.constant 0 : i32
        %lt3A_1950 = vector.broadcast %lt3A_1949 : i32 to vector<16xi32>
        %lt3A_1951 = arith.cmpi slt, %xor3A_1556, %lt3A_1950 : vector<16xi32>
        %add3A_1952 = arith.constant 16 : i32
        %add3A_1953 = vector.broadcast %add3A_1952 : i32 to vector<16xi32>
        %add3A_1954 = arith.addi %xor3A_1556, %add3A_1953 : vector<16xi32>
        %select_n3A_1955 = arith.select %lt3A_1951, %add3A_1954, %xor3A_1556 : vector<16xi1>, vector<16xi32>
        %broadcast_in_dim3A_1956 = vector.shape_cast %select_n3A_1955 : vector<16xi32> to vector<16x1xi32>
        %gather3A_1957 = vector.shape_cast %broadcast_in_dim3A_1956 : vector<16x1xi32> to vector<16xi32>
        %gather3A_1958 = tpu.dynamic_gather %min3A_1948[%gather3A_1957] in [0] : vector<16xf32>, vector<16xi32> -> vector<16xf32>
        %min3A_1959 = arith.minimumf %min3A_1948, %gather3A_1958 : vector<16xf32>
        %lt3A_1960 = arith.constant 0 : i32
        %lt3A_1961 = vector.broadcast %lt3A_1960 : i32 to vector<16xi32>
        %lt3A_1962 = arith.cmpi slt, %xor3A_1559, %lt3A_1961 : vector<16xi32>
        %add3A_1963 = arith.constant 16 : i32
        %add3A_1964 = vector.broadcast %add3A_1963 : i32 to vector<16xi32>
        %add3A_1965 = arith.addi %xor3A_1559, %add3A_1964 : vector<16xi32>
        %select_n3A_1966 = arith.select %lt3A_1962, %add3A_1965, %xor3A_1559 : vector<16xi1>, vector<16xi32>
        %broadcast_in_dim3A_1967 = vector.shape_cast %select_n3A_1966 : vector<16xi32> to vector<16x1xi32>
        %gather3A_1968 = vector.shape_cast %broadcast_in_dim3A_1967 : vector<16x1xi32> to vector<16xi32>
        %gather3A_1969 = tpu.dynamic_gather %min3A_1959[%gather3A_1968] in [0] : vector<16xf32>, vector<16xi32> -> vector<16xf32>
        %min3A_1970 = arith.minimumf %min3A_1959, %gather3A_1969 : vector<16xf32>
        %lt3A_1971 = arith.constant 0 : i32
        %lt3A_1972 = vector.broadcast %lt3A_1971 : i32 to vector<16xi32>
        %lt3A_1973 = arith.cmpi slt, %xor3A_1562, %lt3A_1972 : vector<16xi32>
        %add3A_1974 = arith.constant 16 : i32
        %add3A_1975 = vector.broadcast %add3A_1974 : i32 to vector<16xi32>
        %add3A_1976 = arith.addi %xor3A_1562, %add3A_1975 : vector<16xi32>
        %select_n3A_1977 = arith.select %lt3A_1973, %add3A_1976, %xor3A_1562 : vector<16xi1>, vector<16xi32>
        %broadcast_in_dim3A_1978 = vector.shape_cast %select_n3A_1977 : vector<16xi32> to vector<16x1xi32>
        %gather3A_1979 = vector.shape_cast %broadcast_in_dim3A_1978 : vector<16x1xi32> to vector<16xi32>
        %gather3A_1980 = tpu.dynamic_gather %min3A_1970[%gather3A_1979] in [0] : vector<16xf32>, vector<16xi32> -> vector<16xf32>
        %min3A_1981 = arith.minimumf %min3A_1970, %gather3A_1980 : vector<16xf32>
        %jit3A_1982 = arith.constant 3.000000e+38 : f32
        %broadcast_in_dim3A_1983 = vector.broadcast %jit3A_1982 : f32 to vector<16xf32>
        %select_n3A_1984 = arith.select %eq3A_1927, %min3A_1981, %broadcast_in_dim3A_1983 : vector<16xi1>, vector<16xf32>
        %min3A_1985 = arith.minimumf %get3A_1932, %select_n3A_1984 : vector<16xf32>
        %swap3A_1986 = arith.constant 0 : i32
        %swap3A_1987 = arith.index_cast %swap3A_1986 : i32 to index
        %swap3A_1988 = arith.constant 0 : index
        %swap3A_1989 = tpu.vector_load %arg12[%swap3A_1987, %swap3A_1988] {strides = array<i32>} : memref<4x16xf32, #tpu.memory_space<vmem>>, vector<1x16xf32>,
        %swap3A_1990 = vector.shape_cast %swap3A_1989 : vector<1x16xf32> to vector<16xf32>
        %swap3A_1991 = vector.shape_cast %min3A_1985 : vector<16xf32> to vector<1x16xf32>
        tpu.vector_store %arg12[%swap3A_1987, %swap3A_1988], %swap3A_1991 {strides = array<i32>} : memref<4x16xf32, #tpu.memory_space<vmem>>, vector<1x16xf32>,
        %get3A_1992 = arith.constant 1 : i32
        %get3A_1993 = arith.index_cast %get3A_1992 : i32 to index
        %get3A_1994 = arith.constant 0 : index
        %get3A_1995 = tpu.vector_load %arg12[%get3A_1993, %get3A_1994] {strides = array<i32>} : memref<4x16xf32, #tpu.memory_space<vmem>>, vector<1x16xf32>,
        %get3A_1996 = vector.shape_cast %get3A_1995 : vector<1x16xf32> to vector<16xf32>
        %get3A_1997 = arith.constant 3 : i32
        %get3A_1998 = arith.index_cast %get3A_1997 : i32 to index
        %get3A_1999 = arith.constant 0 : index
        %get3A_2000 = tpu.vector_load %arg12[%get3A_1998, %get3A_1999] {strides = array<i32>} : memref<4x16xf32, #tpu.memory_space<vmem>>, vector<1x16xf32>,
        %get3A_2001 = vector.shape_cast %get3A_2000 : vector<1x16xf32> to vector<16xf32>
        %lt3A_2002 = arith.constant 0 : i32
        %lt3A_2003 = vector.broadcast %lt3A_2002 : i32 to vector<16xi32>
        %lt3A_2004 = arith.cmpi slt, %xor3A_1553, %lt3A_2003 : vector<16xi32>
        %add3A_2005 = arith.constant 16 : i32
        %add3A_2006 = vector.broadcast %add3A_2005 : i32 to vector<16xi32>
        %add3A_2007 = arith.addi %xor3A_1553, %add3A_2006 : vector<16xi32>
        %select_n3A_2008 = arith.select %lt3A_2004, %add3A_2007, %xor3A_1553 : vector<16xi1>, vector<16xi32>
        %broadcast_in_dim3A_2009 = vector.shape_cast %select_n3A_2008 : vector<16xi32> to vector<16x1xi32>
        %gather3A_2010 = vector.shape_cast %broadcast_in_dim3A_2009 : vector<16x1xi32> to vector<16xi32>
        %gather3A_2011 = tpu.dynamic_gather %get3A_2001[%gather3A_2010] in [0] : vector<16xf32>, vector<16xi32> -> vector<16xf32>
        %max3A_2012 = arith.maximumf %get3A_2001, %gather3A_2011 : vector<16xf32>
        %lt3A_2013 = arith.constant 0 : i32
        %lt3A_2014 = vector.broadcast %lt3A_2013 : i32 to vector<16xi32>
        %lt3A_2015 = arith.cmpi slt, %xor3A_1556, %lt3A_2014 : vector<16xi32>
        %add3A_2016 = arith.constant 16 : i32
        %add3A_2017 = vector.broadcast %add3A_2016 : i32 to vector<16xi32>
        %add3A_2018 = arith.addi %xor3A_1556, %add3A_2017 : vector<16xi32>
        %select_n3A_2019 = arith.select %lt3A_2015, %add3A_2018, %xor3A_1556 : vector<16xi1>, vector<16xi32>
        %broadcast_in_dim3A_2020 = vector.shape_cast %select_n3A_2019 : vector<16xi32> to vector<16x1xi32>
        %gather3A_2021 = vector.shape_cast %broadcast_in_dim3A_2020 : vector<16x1xi32> to vector<16xi32>
        %gather3A_2022 = tpu.dynamic_gather %max3A_2012[%gather3A_2021] in [0] : vector<16xf32>, vector<16xi32> -> vector<16xf32>
        %max3A_2023 = arith.maximumf %max3A_2012, %gather3A_2022 : vector<16xf32>
        %lt3A_2024 = arith.constant 0 : i32
        %lt3A_2025 = vector.broadcast %lt3A_2024 : i32 to vector<16xi32>
        %lt3A_2026 = arith.cmpi slt, %xor3A_1559, %lt3A_2025 : vector<16xi32>
        %add3A_2027 = arith.constant 16 : i32
        %add3A_2028 = vector.broadcast %add3A_2027 : i32 to vector<16xi32>
        %add3A_2029 = arith.addi %xor3A_1559, %add3A_2028 : vector<16xi32>
        %select_n3A_2030 = arith.select %lt3A_2026, %add3A_2029, %xor3A_1559 : vector<16xi1>, vector<16xi32>
        %broadcast_in_dim3A_2031 = vector.shape_cast %select_n3A_2030 : vector<16xi32> to vector<16x1xi32>
        %gather3A_2032 = vector.shape_cast %broadcast_in_dim3A_2031 : vector<16x1xi32> to vector<16xi32>
        %gather3A_2033 = tpu.dynamic_gather %max3A_2023[%gather3A_2032] in [0] : vector<16xf32>, vector<16xi32> -> vector<16xf32>
        %max3A_2034 = arith.maximumf %max3A_2023, %gather3A_2033 : vector<16xf32>
        %lt3A_2035 = arith.constant 0 : i32
        %lt3A_2036 = vector.broadcast %lt3A_2035 : i32 to vector<16xi32>
        %lt3A_2037 = arith.cmpi slt, %xor3A_1562, %lt3A_2036 : vector<16xi32>
        %add3A_2038 = arith.constant 16 : i32
        %add3A_2039 = vector.broadcast %add3A_2038 : i32 to vector<16xi32>
        %add3A_2040 = arith.addi %xor3A_1562, %add3A_2039 : vector<16xi32>
        %select_n3A_2041 = arith.select %lt3A_2037, %add3A_2040, %xor3A_1562 : vector<16xi1>, vector<16xi32>
        %broadcast_in_dim3A_2042 = vector.shape_cast %select_n3A_2041 : vector<16xi32> to vector<16x1xi32>
        %gather3A_2043 = vector.shape_cast %broadcast_in_dim3A_2042 : vector<16x1xi32> to vector<16xi32>
        %gather3A_2044 = tpu.dynamic_gather %max3A_2034[%gather3A_2043] in [0] : vector<16xf32>, vector<16xi32> -> vector<16xf32>
        %max3A_2045 = arith.maximumf %max3A_2034, %gather3A_2044 : vector<16xf32>
        %jit3A_2046 = arith.constant -3.000000e+38 : f32
        %broadcast_in_dim3A_2047 = vector.broadcast %jit3A_2046 : f32 to vector<16xf32>
        %select_n3A_2048 = arith.select %eq3A_1927, %max3A_2045, %broadcast_in_dim3A_2047 : vector<16xi1>, vector<16xf32>
        %max3A_2049 = arith.maximumf %get3A_1996, %select_n3A_2048 : vector<16xf32>
        %swap3A_2050 = arith.constant 1 : i32
        %swap3A_2051 = arith.index_cast %swap3A_2050 : i32 to index
        %swap3A_2052 = arith.constant 0 : index
        %swap3A_2053 = tpu.vector_load %arg12[%swap3A_2051, %swap3A_2052] {strides = array<i32>} : memref<4x16xf32, #tpu.memory_space<vmem>>, vector<1x16xf32>,
        %swap3A_2054 = vector.shape_cast %swap3A_2053 : vector<1x16xf32> to vector<16xf32>
        %swap3A_2055 = vector.shape_cast %max3A_2049 : vector<16xf32> to vector<1x16xf32>
        tpu.vector_store %arg12[%swap3A_2051, %swap3A_2052], %swap3A_2055 {strides = array<i32>} : memref<4x16xf32, #tpu.memory_space<vmem>>, vector<1x16xf32>,
        %broadcast_in_dim3A_2056 = arith.constant 3.000000e+38 : f32
        %broadcast_in_dim3A_2057 = vector.broadcast %broadcast_in_dim3A_2056 : f32 to vector<16xf32>
        %swap3A_2058 = arith.constant 2 : i32
        %swap3A_2059 = arith.index_cast %swap3A_2058 : i32 to index
        %swap3A_2060 = arith.constant 0 : index
        %swap3A_2061 = tpu.vector_load %arg12[%swap3A_2059, %swap3A_2060] {strides = array<i32>} : memref<4x16xf32, #tpu.memory_space<vmem>>, vector<1x16xf32>,
        %swap3A_2062 = vector.shape_cast %swap3A_2061 : vector<1x16xf32> to vector<16xf32>
        %swap3A_2063 = vector.shape_cast %broadcast_in_dim3A_2057 : vector<16xf32> to vector<1x16xf32>
        tpu.vector_store %arg12[%swap3A_2059, %swap3A_2060], %swap3A_2063 {strides = array<i32>} : memref<4x16xf32, #tpu.memory_space<vmem>>, vector<1x16xf32>,
        %broadcast_in_dim3A_2064 = arith.constant -3.000000e+38 : f32
        %broadcast_in_dim3A_2065 = vector.broadcast %broadcast_in_dim3A_2064 : f32 to vector<16xf32>
        %swap3A_2066 = arith.constant 3 : i32
        %swap3A_2067 = arith.index_cast %swap3A_2066 : i32 to index
        %swap3A_2068 = arith.constant 0 : index
        %swap3A_2069 = tpu.vector_load %arg12[%swap3A_2067, %swap3A_2068] {strides = array<i32>} : memref<4x16xf32, #tpu.memory_space<vmem>>, vector<1x16xf32>,
        %swap3A_2070 = vector.shape_cast %swap3A_2069 : vector<1x16xf32> to vector<16xf32>
        %swap3A_2071 = vector.shape_cast %broadcast_in_dim3A_2065 : vector<16xf32> to vector<1x16xf32>
        tpu.vector_store %arg12[%swap3A_2067, %swap3A_2068], %swap3A_2071 {strides = array<i32>} : memref<4x16xf32, #tpu.memory_space<vmem>>, vector<1x16xf32>,
        %swap3A_2072 = arith.constant 0 : i32
        %swap3A_2073 = arith.index_cast %swap3A_2072 : i32 to index
        %swap3A_2074 = memref.load %arg14[%swap3A_2073] : memref<1xi32, #tpu.memory_space<smem>>
        memref.store %squeeze3A_1905, %arg14[%swap3A_2073] : memref<1xi32, #tpu.memory_space<smem>>
        %add3A_2075 = arith.constant 1 : i32
        %add3A_2076 = arith.addi %squeeze3A_1905, %add3A_2075 : i32
        %get3A_2077 = arith.constant 0 : i32
        %get3A_2078 = arith.index_cast %get3A_2077 : i32 to index
        %get3A_2079 = arith.constant 0 : index
        %get3A_2080 = tpu.vector_load %arg12[%get3A_2078, %get3A_2079] {strides = array<i32>} : memref<4x16xf32, #tpu.memory_space<vmem>>, vector<1x16xf32>,
        %get3A_2081 = vector.shape_cast %get3A_2080 : vector<1x16xf32> to vector<16xf32>
        %get3A_2082 = arith.constant 1 : i32
        %get3A_2083 = arith.index_cast %get3A_2082 : i32 to index
        %get3A_2084 = arith.constant 0 : index
        %get3A_2085 = tpu.vector_load %arg12[%get3A_2083, %get3A_2084] {strides = array<i32>} : memref<4x16xf32, #tpu.memory_space<vmem>>, vector<1x16xf32>,
        %get3A_2086 = vector.shape_cast %get3A_2085 : vector<1x16xf32> to vector<16xf32>
        %while3A = arith.subi %add3A_2076, %squeeze3A_1903 : i32
        %while3A_2087 = arith.addi %squeeze3A_1903, %while3A : i32
        %while3A_2088 = arith.constant 1 : i32
        %while3A_2089 = arith.divsi %while3A, %while3A_2088 : i32
        %while3A_2090 = arith.muli %while3A_2089, %while3A_2088 : i32
        %while3A_2091 = arith.addi %squeeze3A_1903, %while3A_2090 : i32
        %while3A_2092 = arith.constant 1 : i32
        %while3A_2093:2 = scf.for %while3A_2108 = %squeeze3A_1903 to %while3A_2091 step %while3A_2092 iter_args(%while3A_2109 = %get3A_2081, %while3A_2110 = %get3A_2086) -> (vector<16xf32>, vector<16xf32>)  : i32 {
          %eq3A_2111 = vector.broadcast %while3A_2108 : i32 to vector<16xi32>
          %eq3A_2112 = arith.cmpi eq, %get3A_1845, %eq3A_2111 : vector<16xi32>
          %jit3A_2113 = arith.constant 3.000000e+38 : f32
          %broadcast_in_dim3A_2114 = vector.broadcast %jit3A_2113 : f32 to vector<16xf32>
          %select_n3A_2115 = arith.select %eq3A_2112, %select_n3A_1908, %broadcast_in_dim3A_2114 : vector<16xi1>, vector<16xf32>
          %lt3A_2116 = arith.constant 0 : i32
          %lt3A_2117 = vector.broadcast %lt3A_2116 : i32 to vector<16xi32>
          %lt3A_2118 = arith.cmpi slt, %xor3A_1553, %lt3A_2117 : vector<16xi32>
          %add3A_2119 = arith.constant 16 : i32
          %add3A_2120 = vector.broadcast %add3A_2119 : i32 to vector<16xi32>
          %add3A_2121 = arith.addi %xor3A_1553, %add3A_2120 : vector<16xi32>
          %select_n3A_2122 = arith.select %lt3A_2118, %add3A_2121, %xor3A_1553 : vector<16xi1>, vector<16xi32>
          %broadcast_in_dim3A_2123 = vector.shape_cast %select_n3A_2122 : vector<16xi32> to vector<16x1xi32>
          %gather3A_2124 = vector.shape_cast %broadcast_in_dim3A_2123 : vector<16x1xi32> to vector<16xi32>
          %gather3A_2125 = tpu.dynamic_gather %select_n3A_2115[%gather3A_2124] in [0] : vector<16xf32>, vector<16xi32> -> vector<16xf32>
          %min3A_2126 = arith.minimumf %select_n3A_2115, %gather3A_2125 : vector<16xf32>
          %lt3A_2127 = arith.constant 0 : i32
          %lt3A_2128 = vector.broadcast %lt3A_2127 : i32 to vector<16xi32>
          %lt3A_2129 = arith.cmpi slt, %xor3A_1556, %lt3A_2128 : vector<16xi32>
          %add3A_2130 = arith.constant 16 : i32
          %add3A_2131 = vector.broadcast %add3A_2130 : i32 to vector<16xi32>
          %add3A_2132 = arith.addi %xor3A_1556, %add3A_2131 : vector<16xi32>
          %select_n3A_2133 = arith.select %lt3A_2129, %add3A_2132, %xor3A_1556 : vector<16xi1>, vector<16xi32>
          %broadcast_in_dim3A_2134 = vector.shape_cast %select_n3A_2133 : vector<16xi32> to vector<16x1xi32>
          %gather3A_2135 = vector.shape_cast %broadcast_in_dim3A_2134 : vector<16x1xi32> to vector<16xi32>
          %gather3A_2136 = tpu.dynamic_gather %min3A_2126[%gather3A_2135] in [0] : vector<16xf32>, vector<16xi32> -> vector<16xf32>
          %min3A_2137 = arith.minimumf %min3A_2126, %gather3A_2136 : vector<16xf32>
          %lt3A_2138 = arith.constant 0 : i32
          %lt3A_2139 = vector.broadcast %lt3A_2138 : i32 to vector<16xi32>
          %lt3A_2140 = arith.cmpi slt, %xor3A_1559, %lt3A_2139 : vector<16xi32>
          %add3A_2141 = arith.constant 16 : i32
          %add3A_2142 = vector.broadcast %add3A_2141 : i32 to vector<16xi32>
          %add3A_2143 = arith.addi %xor3A_1559, %add3A_2142 : vector<16xi32>
          %select_n3A_2144 = arith.select %lt3A_2140, %add3A_2143, %xor3A_1559 : vector<16xi1>, vector<16xi32>
          %broadcast_in_dim3A_2145 = vector.shape_cast %select_n3A_2144 : vector<16xi32> to vector<16x1xi32>
          %gather3A_2146 = vector.shape_cast %broadcast_in_dim3A_2145 : vector<16x1xi32> to vector<16xi32>
          %gather3A_2147 = tpu.dynamic_gather %min3A_2137[%gather3A_2146] in [0] : vector<16xf32>, vector<16xi32> -> vector<16xf32>
          %min3A_2148 = arith.minimumf %min3A_2137, %gather3A_2147 : vector<16xf32>
          %lt3A_2149 = arith.constant 0 : i32
          %lt3A_2150 = vector.broadcast %lt3A_2149 : i32 to vector<16xi32>
          %lt3A_2151 = arith.cmpi slt, %xor3A_1562, %lt3A_2150 : vector<16xi32>
          %add3A_2152 = arith.constant 16 : i32
          %add3A_2153 = vector.broadcast %add3A_2152 : i32 to vector<16xi32>
          %add3A_2154 = arith.addi %xor3A_1562, %add3A_2153 : vector<16xi32>
          %select_n3A_2155 = arith.select %lt3A_2151, %add3A_2154, %xor3A_1562 : vector<16xi1>, vector<16xi32>
          %broadcast_in_dim3A_2156 = vector.shape_cast %select_n3A_2155 : vector<16xi32> to vector<16x1xi32>
          %gather3A_2157 = vector.shape_cast %broadcast_in_dim3A_2156 : vector<16x1xi32> to vector<16xi32>
          %gather3A_2158 = tpu.dynamic_gather %min3A_2148[%gather3A_2157] in [0] : vector<16xf32>, vector<16xi32> -> vector<16xf32>
          %min3A_2159 = arith.minimumf %min3A_2148, %gather3A_2158 : vector<16xf32>
          %jit3A_2160 = arith.constant -3.000000e+38 : f32
          %broadcast_in_dim3A_2161 = vector.broadcast %jit3A_2160 : f32 to vector<16xf32>
          %select_n3A_2162 = arith.select %eq3A_2112, %select_n3A_1911, %broadcast_in_dim3A_2161 : vector<16xi1>, vector<16xf32>
          %lt3A_2163 = arith.constant 0 : i32
          %lt3A_2164 = vector.broadcast %lt3A_2163 : i32 to vector<16xi32>
          %lt3A_2165 = arith.cmpi slt, %xor3A_1553, %lt3A_2164 : vector<16xi32>
          %add3A_2166 = arith.constant 16 : i32
          %add3A_2167 = vector.broadcast %add3A_2166 : i32 to vector<16xi32>
          %add3A_2168 = arith.addi %xor3A_1553, %add3A_2167 : vector<16xi32>
          %select_n3A_2169 = arith.select %lt3A_2165, %add3A_2168, %xor3A_1553 : vector<16xi1>, vector<16xi32>
          %broadcast_in_dim3A_2170 = vector.shape_cast %select_n3A_2169 : vector<16xi32> to vector<16x1xi32>
          %gather3A_2171 = vector.shape_cast %broadcast_in_dim3A_2170 : vector<16x1xi32> to vector<16xi32>
          %gather3A_2172 = tpu.dynamic_gather %select_n3A_2162[%gather3A_2171] in [0] : vector<16xf32>, vector<16xi32> -> vector<16xf32>
          %max3A_2173 = arith.maximumf %select_n3A_2162, %gather3A_2172 : vector<16xf32>
          %lt3A_2174 = arith.constant 0 : i32
          %lt3A_2175 = vector.broadcast %lt3A_2174 : i32 to vector<16xi32>
          %lt3A_2176 = arith.cmpi slt, %xor3A_1556, %lt3A_2175 : vector<16xi32>
          %add3A_2177 = arith.constant 16 : i32
          %add3A_2178 = vector.broadcast %add3A_2177 : i32 to vector<16xi32>
          %add3A_2179 = arith.addi %xor3A_1556, %add3A_2178 : vector<16xi32>
          %select_n3A_2180 = arith.select %lt3A_2176, %add3A_2179, %xor3A_1556 : vector<16xi1>, vector<16xi32>
          %broadcast_in_dim3A_2181 = vector.shape_cast %select_n3A_2180 : vector<16xi32> to vector<16x1xi32>
          %gather3A_2182 = vector.shape_cast %broadcast_in_dim3A_2181 : vector<16x1xi32> to vector<16xi32>
          %gather3A_2183 = tpu.dynamic_gather %max3A_2173[%gather3A_2182] in [0] : vector<16xf32>, vector<16xi32> -> vector<16xf32>
          %max3A_2184 = arith.maximumf %max3A_2173, %gather3A_2183 : vector<16xf32>
          %lt3A_2185 = arith.constant 0 : i32
          %lt3A_2186 = vector.broadcast %lt3A_2185 : i32 to vector<16xi32>
          %lt3A_2187 = arith.cmpi slt, %xor3A_1559, %lt3A_2186 : vector<16xi32>
          %add3A_2188 = arith.constant 16 : i32
          %add3A_2189 = vector.broadcast %add3A_2188 : i32 to vector<16xi32>
          %add3A_2190 = arith.addi %xor3A_1559, %add3A_2189 : vector<16xi32>
          %select_n3A_2191 = arith.select %lt3A_2187, %add3A_2190, %xor3A_1559 : vector<16xi1>, vector<16xi32>
          %broadcast_in_dim3A_2192 = vector.shape_cast %select_n3A_2191 : vector<16xi32> to vector<16x1xi32>
          %gather3A_2193 = vector.shape_cast %broadcast_in_dim3A_2192 : vector<16x1xi32> to vector<16xi32>
          %gather3A_2194 = tpu.dynamic_gather %max3A_2184[%gather3A_2193] in [0] : vector<16xf32>, vector<16xi32> -> vector<16xf32>
          %max3A_2195 = arith.maximumf %max3A_2184, %gather3A_2194 : vector<16xf32>
          %lt3A_2196 = arith.constant 0 : i32
          %lt3A_2197 = vector.broadcast %lt3A_2196 : i32 to vector<16xi32>
          %lt3A_2198 = arith.cmpi slt, %xor3A_1562, %lt3A_2197 : vector<16xi32>
          %add3A_2199 = arith.constant 16 : i32
          %add3A_2200 = vector.broadcast %add3A_2199 : i32 to vector<16xi32>
          %add3A_2201 = arith.addi %xor3A_1562, %add3A_2200 : vector<16xi32>
          %select_n3A_2202 = arith.select %lt3A_2198, %add3A_2201, %xor3A_1562 : vector<16xi1>, vector<16xi32>
          %broadcast_in_dim3A_2203 = vector.shape_cast %select_n3A_2202 : vector<16xi32> to vector<16x1xi32>
          %gather3A_2204 = vector.shape_cast %broadcast_in_dim3A_2203 : vector<16x1xi32> to vector<16xi32>
          %gather3A_2205 = tpu.dynamic_gather %max3A_2195[%gather3A_2204] in [0] : vector<16xf32>, vector<16xi32> -> vector<16xf32>
          %max3A_2206 = arith.maximumf %max3A_2195, %gather3A_2205 : vector<16xf32>
          %eq3A_2207 = vector.broadcast %while3A_2108 : i32 to vector<16xi32>
          %eq3A_2208 = arith.cmpi eq, %iota3A, %eq3A_2207 : vector<16xi32>
          %jit3A_2209 = arith.constant 3.000000e+38 : f32
          %broadcast_in_dim3A_2210 = vector.broadcast %jit3A_2209 : f32 to vector<16xf32>
          %select_n3A_2211 = arith.select %eq3A_2208, %min3A_2159, %broadcast_in_dim3A_2210 : vector<16xi1>, vector<16xf32>
          %min3A_2212 = arith.minimumf %while3A_2109, %select_n3A_2211 : vector<16xf32>
          %jit3A_2213 = arith.constant -3.000000e+38 : f32
          %broadcast_in_dim3A_2214 = vector.broadcast %jit3A_2213 : f32 to vector<16xf32>
          %select_n3A_2215 = arith.select %eq3A_2208, %max3A_2206, %broadcast_in_dim3A_2214 : vector<16xi1>, vector<16xf32>
          %max3A_2216 = arith.maximumf %while3A_2110, %select_n3A_2215 : vector<16xf32>
          scf.yield %min3A_2212, %max3A_2216 : vector<16xf32>, vector<16xf32>
        }
        %while3A_2094 = arith.constant 1 : i32
        %while3A_2095:2 = scf.for %while3A_2108 = %while3A_2091 to %while3A_2087 step %while3A_2094 iter_args(%while3A_2109 = %while3A_2093#0, %while3A_2110 = %while3A_2093#1) -> (vector<16xf32>, vector<16xf32>)  : i32 {
          %eq3A_2111 = vector.broadcast %while3A_2108 : i32 to vector<16xi32>
          %eq3A_2112 = arith.cmpi eq, %get3A_1845, %eq3A_2111 : vector<16xi32>
          %jit3A_2113 = arith.constant 3.000000e+38 : f32
          %broadcast_in_dim3A_2114 = vector.broadcast %jit3A_2113 : f32 to vector<16xf32>
          %select_n3A_2115 = arith.select %eq3A_2112, %select_n3A_1908, %broadcast_in_dim3A_2114 : vector<16xi1>, vector<16xf32>
          %lt3A_2116 = arith.constant 0 : i32
          %lt3A_2117 = vector.broadcast %lt3A_2116 : i32 to vector<16xi32>
          %lt3A_2118 = arith.cmpi slt, %xor3A_1553, %lt3A_2117 : vector<16xi32>
          %add3A_2119 = arith.constant 16 : i32
          %add3A_2120 = vector.broadcast %add3A_2119 : i32 to vector<16xi32>
          %add3A_2121 = arith.addi %xor3A_1553, %add3A_2120 : vector<16xi32>
          %select_n3A_2122 = arith.select %lt3A_2118, %add3A_2121, %xor3A_1553 : vector<16xi1>, vector<16xi32>
          %broadcast_in_dim3A_2123 = vector.shape_cast %select_n3A_2122 : vector<16xi32> to vector<16x1xi32>
          %gather3A_2124 = vector.shape_cast %broadcast_in_dim3A_2123 : vector<16x1xi32> to vector<16xi32>
          %gather3A_2125 = tpu.dynamic_gather %select_n3A_2115[%gather3A_2124] in [0] : vector<16xf32>, vector<16xi32> -> vector<16xf32>
          %min3A_2126 = arith.minimumf %select_n3A_2115, %gather3A_2125 : vector<16xf32>
          %lt3A_2127 = arith.constant 0 : i32
          %lt3A_2128 = vector.broadcast %lt3A_2127 : i32 to vector<16xi32>
          %lt3A_2129 = arith.cmpi slt, %xor3A_1556, %lt3A_2128 : vector<16xi32>
          %add3A_2130 = arith.constant 16 : i32
          %add3A_2131 = vector.broadcast %add3A_2130 : i32 to vector<16xi32>
          %add3A_2132 = arith.addi %xor3A_1556, %add3A_2131 : vector<16xi32>
          %select_n3A_2133 = arith.select %lt3A_2129, %add3A_2132, %xor3A_1556 : vector<16xi1>, vector<16xi32>
          %broadcast_in_dim3A_2134 = vector.shape_cast %select_n3A_2133 : vector<16xi32> to vector<16x1xi32>
          %gather3A_2135 = vector.shape_cast %broadcast_in_dim3A_2134 : vector<16x1xi32> to vector<16xi32>
          %gather3A_2136 = tpu.dynamic_gather %min3A_2126[%gather3A_2135] in [0] : vector<16xf32>, vector<16xi32> -> vector<16xf32>
          %min3A_2137 = arith.minimumf %min3A_2126, %gather3A_2136 : vector<16xf32>
          %lt3A_2138 = arith.constant 0 : i32
          %lt3A_2139 = vector.broadcast %lt3A_2138 : i32 to vector<16xi32>
          %lt3A_2140 = arith.cmpi slt, %xor3A_1559, %lt3A_2139 : vector<16xi32>
          %add3A_2141 = arith.constant 16 : i32
          %add3A_2142 = vector.broadcast %add3A_2141 : i32 to vector<16xi32>
          %add3A_2143 = arith.addi %xor3A_1559, %add3A_2142 : vector<16xi32>
          %select_n3A_2144 = arith.select %lt3A_2140, %add3A_2143, %xor3A_1559 : vector<16xi1>, vector<16xi32>
          %broadcast_in_dim3A_2145 = vector.shape_cast %select_n3A_2144 : vector<16xi32> to vector<16x1xi32>
          %gather3A_2146 = vector.shape_cast %broadcast_in_dim3A_2145 : vector<16x1xi32> to vector<16xi32>
          %gather3A_2147 = tpu.dynamic_gather %min3A_2137[%gather3A_2146] in [0] : vector<16xf32>, vector<16xi32> -> vector<16xf32>
          %min3A_2148 = arith.minimumf %min3A_2137, %gather3A_2147 : vector<16xf32>
          %lt3A_2149 = arith.constant 0 : i32
          %lt3A_2150 = vector.broadcast %lt3A_2149 : i32 to vector<16xi32>
          %lt3A_2151 = arith.cmpi slt, %xor3A_1562, %lt3A_2150 : vector<16xi32>
          %add3A_2152 = arith.constant 16 : i32
          %add3A_2153 = vector.broadcast %add3A_2152 : i32 to vector<16xi32>
          %add3A_2154 = arith.addi %xor3A_1562, %add3A_2153 : vector<16xi32>
          %select_n3A_2155 = arith.select %lt3A_2151, %add3A_2154, %xor3A_1562 : vector<16xi1>, vector<16xi32>
          %broadcast_in_dim3A_2156 = vector.shape_cast %select_n3A_2155 : vector<16xi32> to vector<16x1xi32>
          %gather3A_2157 = vector.shape_cast %broadcast_in_dim3A_2156 : vector<16x1xi32> to vector<16xi32>
          %gather3A_2158 = tpu.dynamic_gather %min3A_2148[%gather3A_2157] in [0] : vector<16xf32>, vector<16xi32> -> vector<16xf32>
          %min3A_2159 = arith.minimumf %min3A_2148, %gather3A_2158 : vector<16xf32>
          %jit3A_2160 = arith.constant -3.000000e+38 : f32
          %broadcast_in_dim3A_2161 = vector.broadcast %jit3A_2160 : f32 to vector<16xf32>
          %select_n3A_2162 = arith.select %eq3A_2112, %select_n3A_1911, %broadcast_in_dim3A_2161 : vector<16xi1>, vector<16xf32>
          %lt3A_2163 = arith.constant 0 : i32
          %lt3A_2164 = vector.broadcast %lt3A_2163 : i32 to vector<16xi32>
          %lt3A_2165 = arith.cmpi slt, %xor3A_1553, %lt3A_2164 : vector<16xi32>
          %add3A_2166 = arith.constant 16 : i32
          %add3A_2167 = vector.broadcast %add3A_2166 : i32 to vector<16xi32>
          %add3A_2168 = arith.addi %xor3A_1553, %add3A_2167 : vector<16xi32>
          %select_n3A_2169 = arith.select %lt3A_2165, %add3A_2168, %xor3A_1553 : vector<16xi1>, vector<16xi32>
          %broadcast_in_dim3A_2170 = vector.shape_cast %select_n3A_2169 : vector<16xi32> to vector<16x1xi32>
          %gather3A_2171 = vector.shape_cast %broadcast_in_dim3A_2170 : vector<16x1xi32> to vector<16xi32>
          %gather3A_2172 = tpu.dynamic_gather %select_n3A_2162[%gather3A_2171] in [0] : vector<16xf32>, vector<16xi32> -> vector<16xf32>
          %max3A_2173 = arith.maximumf %select_n3A_2162, %gather3A_2172 : vector<16xf32>
          %lt3A_2174 = arith.constant 0 : i32
          %lt3A_2175 = vector.broadcast %lt3A_2174 : i32 to vector<16xi32>
          %lt3A_2176 = arith.cmpi slt, %xor3A_1556, %lt3A_2175 : vector<16xi32>
          %add3A_2177 = arith.constant 16 : i32
          %add3A_2178 = vector.broadcast %add3A_2177 : i32 to vector<16xi32>
          %add3A_2179 = arith.addi %xor3A_1556, %add3A_2178 : vector<16xi32>
          %select_n3A_2180 = arith.select %lt3A_2176, %add3A_2179, %xor3A_1556 : vector<16xi1>, vector<16xi32>
          %broadcast_in_dim3A_2181 = vector.shape_cast %select_n3A_2180 : vector<16xi32> to vector<16x1xi32>
          %gather3A_2182 = vector.shape_cast %broadcast_in_dim3A_2181 : vector<16x1xi32> to vector<16xi32>
          %gather3A_2183 = tpu.dynamic_gather %max3A_2173[%gather3A_2182] in [0] : vector<16xf32>, vector<16xi32> -> vector<16xf32>
          %max3A_2184 = arith.maximumf %max3A_2173, %gather3A_2183 : vector<16xf32>
          %lt3A_2185 = arith.constant 0 : i32
          %lt3A_2186 = vector.broadcast %lt3A_2185 : i32 to vector<16xi32>
          %lt3A_2187 = arith.cmpi slt, %xor3A_1559, %lt3A_2186 : vector<16xi32>
          %add3A_2188 = arith.constant 16 : i32
          %add3A_2189 = vector.broadcast %add3A_2188 : i32 to vector<16xi32>
          %add3A_2190 = arith.addi %xor3A_1559, %add3A_2189 : vector<16xi32>
          %select_n3A_2191 = arith.select %lt3A_2187, %add3A_2190, %xor3A_1559 : vector<16xi1>, vector<16xi32>
          %broadcast_in_dim3A_2192 = vector.shape_cast %select_n3A_2191 : vector<16xi32> to vector<16x1xi32>
          %gather3A_2193 = vector.shape_cast %broadcast_in_dim3A_2192 : vector<16x1xi32> to vector<16xi32>
          %gather3A_2194 = tpu.dynamic_gather %max3A_2184[%gather3A_2193] in [0] : vector<16xf32>, vector<16xi32> -> vector<16xf32>
          %max3A_2195 = arith.maximumf %max3A_2184, %gather3A_2194 : vector<16xf32>
          %lt3A_2196 = arith.constant 0 : i32
          %lt3A_2197 = vector.broadcast %lt3A_2196 : i32 to vector<16xi32>
          %lt3A_2198 = arith.cmpi slt, %xor3A_1562, %lt3A_2197 : vector<16xi32>
          %add3A_2199 = arith.constant 16 : i32
          %add3A_2200 = vector.broadcast %add3A_2199 : i32 to vector<16xi32>
          %add3A_2201 = arith.addi %xor3A_1562, %add3A_2200 : vector<16xi32>
          %select_n3A_2202 = arith.select %lt3A_2198, %add3A_2201, %xor3A_1562 : vector<16xi1>, vector<16xi32>
          %broadcast_in_dim3A_2203 = vector.shape_cast %select_n3A_2202 : vector<16xi32> to vector<16x1xi32>
          %gather3A_2204 = vector.shape_cast %broadcast_in_dim3A_2203 : vector<16x1xi32> to vector<16xi32>
          %gather3A_2205 = tpu.dynamic_gather %max3A_2195[%gather3A_2204] in [0] : vector<16xf32>, vector<16xi32> -> vector<16xf32>
          %max3A_2206 = arith.maximumf %max3A_2195, %gather3A_2205 : vector<16xf32>
          %eq3A_2207 = vector.broadcast %while3A_2108 : i32 to vector<16xi32>
          %eq3A_2208 = arith.cmpi eq, %iota3A, %eq3A_2207 : vector<16xi32>
          %jit3A_2209 = arith.constant 3.000000e+38 : f32
          %broadcast_in_dim3A_2210 = vector.broadcast %jit3A_2209 : f32 to vector<16xf32>
          %select_n3A_2211 = arith.select %eq3A_2208, %min3A_2159, %broadcast_in_dim3A_2210 : vector<16xi1>, vector<16xf32>
          %min3A_2212 = arith.minimumf %while3A_2109, %select_n3A_2211 : vector<16xf32>
          %jit3A_2213 = arith.constant -3.000000e+38 : f32
          %broadcast_in_dim3A_2214 = vector.broadcast %jit3A_2213 : f32 to vector<16xf32>
          %select_n3A_2215 = arith.select %eq3A_2208, %max3A_2206, %broadcast_in_dim3A_2214 : vector<16xi1>, vector<16xf32>
          %max3A_2216 = arith.maximumf %while3A_2110, %select_n3A_2215 : vector<16xf32>
          scf.yield %min3A_2212, %max3A_2216 : vector<16xf32>, vector<16xf32>
        }
        %swap3A_2096 = arith.constant 0 : i32
        %swap3A_2097 = arith.index_cast %swap3A_2096 : i32 to index
        %swap3A_2098 = arith.constant 0 : index
        %swap3A_2099 = tpu.vector_load %arg12[%swap3A_2097, %swap3A_2098] {strides = array<i32>} : memref<4x16xf32, #tpu.memory_space<vmem>>, vector<1x16xf32>,
        %swap3A_2100 = vector.shape_cast %swap3A_2099 : vector<1x16xf32> to vector<16xf32>
        %swap3A_2101 = vector.shape_cast %while3A_2095#0 : vector<16xf32> to vector<1x16xf32>
        tpu.vector_store %arg12[%swap3A_2097, %swap3A_2098], %swap3A_2101 {strides = array<i32>} : memref<4x16xf32, #tpu.memory_space<vmem>>, vector<1x16xf32>,
        %swap3A_2102 = arith.constant 1 : i32
        %swap3A_2103 = arith.index_cast %swap3A_2102 : i32 to index
        %swap3A_2104 = arith.constant 0 : index
        %swap3A_2105 = tpu.vector_load %arg12[%swap3A_2103, %swap3A_2104] {strides = array<i32>} : memref<4x16xf32, #tpu.memory_space<vmem>>, vector<1x16xf32>,
        %swap3A_2106 = vector.shape_cast %swap3A_2105 : vector<1x16xf32> to vector<16xf32>
        %swap3A_2107 = vector.shape_cast %while3A_2095#1 : vector<16xf32> to vector<1x16xf32>
        tpu.vector_store %arg12[%swap3A_2103, %swap3A_2104], %swap3A_2107 {strides = array<i32>} : memref<4x16xf32, #tpu.memory_space<vmem>>, vector<1x16xf32>,
      } else {
      }
      scf.yield %add3A_1901 : vector<16xf32>
    }
    %scan3A_1606 = arith.constant 64 : i32
    %get3A_1607 = arith.constant 0 : i32
    %get3A_1608 = arith.index_cast %get3A_1607 : i32 to index
    %get3A_1609 = memref.load %arg14[%get3A_1608] : memref<1xi32, #tpu.memory_space<smem>>
    %eq3A = vector.broadcast %get3A_1609 : i32 to vector<16xi32>
    %eq3A_1610 = arith.cmpi eq, %iota3A, %eq3A : vector<16xi32>
    %get3A_1611 = arith.constant 0 : i32
    %get3A_1612 = arith.index_cast %get3A_1611 : i32 to index
    %get3A_1613 = arith.constant 0 : index
    %get3A_1614 = tpu.vector_load %arg12[%get3A_1612, %get3A_1613] {strides = array<i32>} : memref<4x16xf32, #tpu.memory_space<vmem>>, vector<1x16xf32>,
    %get3A_1615 = vector.shape_cast %get3A_1614 : vector<1x16xf32> to vector<16xf32>
    %get3A_1616 = arith.constant 2 : i32
    %get3A_1617 = arith.index_cast %get3A_1616 : i32 to index
    %get3A_1618 = arith.constant 0 : index
    %get3A_1619 = tpu.vector_load %arg12[%get3A_1617, %get3A_1618] {strides = array<i32>} : memref<4x16xf32, #tpu.memory_space<vmem>>, vector<1x16xf32>,
    %get3A_1620 = vector.shape_cast %get3A_1619 : vector<1x16xf32> to vector<16xf32>
    %lt3A = arith.constant 0 : i32
    %lt3A_1621 = vector.broadcast %lt3A : i32 to vector<16xi32>
    %lt3A_1622 = arith.cmpi slt, %xor3A_1553, %lt3A_1621 : vector<16xi32>
    %add3A_1623 = arith.constant 16 : i32
    %add3A_1624 = vector.broadcast %add3A_1623 : i32 to vector<16xi32>
    %add3A_1625 = arith.addi %xor3A_1553, %add3A_1624 : vector<16xi32>
    %select_n3A = arith.select %lt3A_1622, %add3A_1625, %xor3A_1553 : vector<16xi1>, vector<16xi32>
    %broadcast_in_dim3A_1626 = vector.shape_cast %select_n3A : vector<16xi32> to vector<16x1xi32>
    %gather3A = vector.shape_cast %broadcast_in_dim3A_1626 : vector<16x1xi32> to vector<16xi32>
    %gather3A_1627 = tpu.dynamic_gather %get3A_1620[%gather3A] in [0] : vector<16xf32>, vector<16xi32> -> vector<16xf32>
    %min3A = arith.minimumf %get3A_1620, %gather3A_1627 : vector<16xf32>
    %lt3A_1628 = arith.constant 0 : i32
    %lt3A_1629 = vector.broadcast %lt3A_1628 : i32 to vector<16xi32>
    %lt3A_1630 = arith.cmpi slt, %xor3A_1556, %lt3A_1629 : vector<16xi32>
    %add3A_1631 = arith.constant 16 : i32
    %add3A_1632 = vector.broadcast %add3A_1631 : i32 to vector<16xi32>
    %add3A_1633 = arith.addi %xor3A_1556, %add3A_1632 : vector<16xi32>
    %select_n3A_1634 = arith.select %lt3A_1630, %add3A_1633, %xor3A_1556 : vector<16xi1>, vector<16xi32>
    %broadcast_in_dim3A_1635 = vector.shape_cast %select_n3A_1634 : vector<16xi32> to vector<16x1xi32>
    %gather3A_1636 = vector.shape_cast %broadcast_in_dim3A_1635 : vector<16x1xi32> to vector<16xi32>
    %gather3A_1637 = tpu.dynamic_gather %min3A[%gather3A_1636] in [0] : vector<16xf32>, vector<16xi32> -> vector<16xf32>
    %min3A_1638 = arith.minimumf %min3A, %gather3A_1637 : vector<16xf32>
    %lt3A_1639 = arith.constant 0 : i32
    %lt3A_1640 = vector.broadcast %lt3A_1639 : i32 to vector<16xi32>
    %lt3A_1641 = arith.cmpi slt, %xor3A_1559, %lt3A_1640 : vector<16xi32>
    %add3A_1642 = arith.constant 16 : i32
    %add3A_1643 = vector.broadcast %add3A_1642 : i32 to vector<16xi32>
    %add3A_1644 = arith.addi %xor3A_1559, %add3A_1643 : vector<16xi32>
    %select_n3A_1645 = arith.select %lt3A_1641, %add3A_1644, %xor3A_1559 : vector<16xi1>, vector<16xi32>
    %broadcast_in_dim3A_1646 = vector.shape_cast %select_n3A_1645 : vector<16xi32> to vector<16x1xi32>
    %gather3A_1647 = vector.shape_cast %broadcast_in_dim3A_1646 : vector<16x1xi32> to vector<16xi32>
    %gather3A_1648 = tpu.dynamic_gather %min3A_1638[%gather3A_1647] in [0] : vector<16xf32>, vector<16xi32> -> vector<16xf32>
    %min3A_1649 = arith.minimumf %min3A_1638, %gather3A_1648 : vector<16xf32>
    %lt3A_1650 = arith.constant 0 : i32
    %lt3A_1651 = vector.broadcast %lt3A_1650 : i32 to vector<16xi32>
    %lt3A_1652 = arith.cmpi slt, %xor3A_1562, %lt3A_1651 : vector<16xi32>
    %add3A_1653 = arith.constant 16 : i32
    %add3A_1654 = vector.broadcast %add3A_1653 : i32 to vector<16xi32>
    %add3A_1655 = arith.addi %xor3A_1562, %add3A_1654 : vector<16xi32>
    %select_n3A_1656 = arith.select %lt3A_1652, %add3A_1655, %xor3A_1562 : vector<16xi1>, vector<16xi32>
    %broadcast_in_dim3A_1657 = vector.shape_cast %select_n3A_1656 : vector<16xi32> to vector<16x1xi32>
    %gather3A_1658 = vector.shape_cast %broadcast_in_dim3A_1657 : vector<16x1xi32> to vector<16xi32>
    %gather3A_1659 = tpu.dynamic_gather %min3A_1649[%gather3A_1658] in [0] : vector<16xf32>, vector<16xi32> -> vector<16xf32>
    %min3A_1660 = arith.minimumf %min3A_1649, %gather3A_1659 : vector<16xf32>
    %jit3A = arith.constant 3.000000e+38 : f32
    %broadcast_in_dim3A_1661 = vector.broadcast %jit3A : f32 to vector<16xf32>
    %select_n3A_1662 = arith.select %eq3A_1610, %min3A_1660, %broadcast_in_dim3A_1661 : vector<16xi1>, vector<16xf32>
    %min3A_1663 = arith.minimumf %get3A_1615, %select_n3A_1662 : vector<16xf32>
    %swap3A_1664 = arith.constant 0 : i32
    %swap3A_1665 = arith.index_cast %swap3A_1664 : i32 to index
    %swap3A_1666 = arith.constant 0 : index
    %swap3A_1667 = tpu.vector_load %arg12[%swap3A_1665, %swap3A_1666] {strides = array<i32>} : memref<4x16xf32, #tpu.memory_space<vmem>>, vector<1x16xf32>,
    %swap3A_1668 = vector.shape_cast %swap3A_1667 : vector<1x16xf32> to vector<16xf32>
    %swap3A_1669 = vector.shape_cast %min3A_1663 : vector<16xf32> to vector<1x16xf32>
    tpu.vector_store %arg12[%swap3A_1665, %swap3A_1666], %swap3A_1669 {strides = array<i32>} : memref<4x16xf32, #tpu.memory_space<vmem>>, vector<1x16xf32>,
    %get3A_1670 = arith.constant 1 : i32
    %get3A_1671 = arith.index_cast %get3A_1670 : i32 to index
    %get3A_1672 = arith.constant 0 : index
    %get3A_1673 = tpu.vector_load %arg12[%get3A_1671, %get3A_1672] {strides = array<i32>} : memref<4x16xf32, #tpu.memory_space<vmem>>, vector<1x16xf32>,
    %get3A_1674 = vector.shape_cast %get3A_1673 : vector<1x16xf32> to vector<16xf32>
    %get3A_1675 = arith.constant 3 : i32
    %get3A_1676 = arith.index_cast %get3A_1675 : i32 to index
    %get3A_1677 = arith.constant 0 : index
    %get3A_1678 = tpu.vector_load %arg12[%get3A_1676, %get3A_1677] {strides = array<i32>} : memref<4x16xf32, #tpu.memory_space<vmem>>, vector<1x16xf32>,
    %get3A_1679 = vector.shape_cast %get3A_1678 : vector<1x16xf32> to vector<16xf32>
    %lt3A_1680 = arith.constant 0 : i32
    %lt3A_1681 = vector.broadcast %lt3A_1680 : i32 to vector<16xi32>
    %lt3A_1682 = arith.cmpi slt, %xor3A_1553, %lt3A_1681 : vector<16xi32>
    %add3A_1683 = arith.constant 16 : i32
    %add3A_1684 = vector.broadcast %add3A_1683 : i32 to vector<16xi32>
    %add3A_1685 = arith.addi %xor3A_1553, %add3A_1684 : vector<16xi32>
    %select_n3A_1686 = arith.select %lt3A_1682, %add3A_1685, %xor3A_1553 : vector<16xi1>, vector<16xi32>
    %broadcast_in_dim3A_1687 = vector.shape_cast %select_n3A_1686 : vector<16xi32> to vector<16x1xi32>
    %gather3A_1688 = vector.shape_cast %broadcast_in_dim3A_1687 : vector<16x1xi32> to vector<16xi32>
    %gather3A_1689 = tpu.dynamic_gather %get3A_1679[%gather3A_1688] in [0] : vector<16xf32>, vector<16xi32> -> vector<16xf32>
    %max3A = arith.maximumf %get3A_1679, %gather3A_1689 : vector<16xf32>
    %lt3A_1690 = arith.constant 0 : i32
    %lt3A_1691 = vector.broadcast %lt3A_1690 : i32 to vector<16xi32>
    %lt3A_1692 = arith.cmpi slt, %xor3A_1556, %lt3A_1691 : vector<16xi32>
    %add3A_1693 = arith.constant 16 : i32
    %add3A_1694 = vector.broadcast %add3A_1693 : i32 to vector<16xi32>
    %add3A_1695 = arith.addi %xor3A_1556, %add3A_1694 : vector<16xi32>
    %select_n3A_1696 = arith.select %lt3A_1692, %add3A_1695, %xor3A_1556 : vector<16xi1>, vector<16xi32>
    %broadcast_in_dim3A_1697 = vector.shape_cast %select_n3A_1696 : vector<16xi32> to vector<16x1xi32>
    %gather3A_1698 = vector.shape_cast %broadcast_in_dim3A_1697 : vector<16x1xi32> to vector<16xi32>
    %gather3A_1699 = tpu.dynamic_gather %max3A[%gather3A_1698] in [0] : vector<16xf32>, vector<16xi32> -> vector<16xf32>
    %max3A_1700 = arith.maximumf %max3A, %gather3A_1699 : vector<16xf32>
    %lt3A_1701 = arith.constant 0 : i32
    %lt3A_1702 = vector.broadcast %lt3A_1701 : i32 to vector<16xi32>
    %lt3A_1703 = arith.cmpi slt, %xor3A_1559, %lt3A_1702 : vector<16xi32>
    %add3A_1704 = arith.constant 16 : i32
    %add3A_1705 = vector.broadcast %add3A_1704 : i32 to vector<16xi32>
    %add3A_1706 = arith.addi %xor3A_1559, %add3A_1705 : vector<16xi32>
    %select_n3A_1707 = arith.select %lt3A_1703, %add3A_1706, %xor3A_1559 : vector<16xi1>, vector<16xi32>
    %broadcast_in_dim3A_1708 = vector.shape_cast %select_n3A_1707 : vector<16xi32> to vector<16x1xi32>
    %gather3A_1709 = vector.shape_cast %broadcast_in_dim3A_1708 : vector<16x1xi32> to vector<16xi32>
    %gather3A_1710 = tpu.dynamic_gather %max3A_1700[%gather3A_1709] in [0] : vector<16xf32>, vector<16xi32> -> vector<16xf32>
    %max3A_1711 = arith.maximumf %max3A_1700, %gather3A_1710 : vector<16xf32>
    %lt3A_1712 = arith.constant 0 : i32
    %lt3A_1713 = vector.broadcast %lt3A_1712 : i32 to vector<16xi32>
    %lt3A_1714 = arith.cmpi slt, %xor3A_1562, %lt3A_1713 : vector<16xi32>
    %add3A_1715 = arith.constant 16 : i32
    %add3A_1716 = vector.broadcast %add3A_1715 : i32 to vector<16xi32>
    %add3A_1717 = arith.addi %xor3A_1562, %add3A_1716 : vector<16xi32>
    %select_n3A_1718 = arith.select %lt3A_1714, %add3A_1717, %xor3A_1562 : vector<16xi1>, vector<16xi32>
    %broadcast_in_dim3A_1719 = vector.shape_cast %select_n3A_1718 : vector<16xi32> to vector<16x1xi32>
    %gather3A_1720 = vector.shape_cast %broadcast_in_dim3A_1719 : vector<16x1xi32> to vector<16xi32>
    %gather3A_1721 = tpu.dynamic_gather %max3A_1711[%gather3A_1720] in [0] : vector<16xf32>, vector<16xi32> -> vector<16xf32>
    %max3A_1722 = arith.maximumf %max3A_1711, %gather3A_1721 : vector<16xf32>
    %jit3A_1723 = arith.constant -3.000000e+38 : f32
    %broadcast_in_dim3A_1724 = vector.broadcast %jit3A_1723 : f32 to vector<16xf32>
    %select_n3A_1725 = arith.select %eq3A_1610, %max3A_1722, %broadcast_in_dim3A_1724 : vector<16xi1>, vector<16xf32>
    %max3A_1726 = arith.maximumf %get3A_1674, %select_n3A_1725 : vector<16xf32>
    %swap3A_1727 = arith.constant 1 : i32
    %swap3A_1728 = arith.index_cast %swap3A_1727 : i32 to index
    %swap3A_1729 = arith.constant 0 : index
    %swap3A_1730 = tpu.vector_load %arg12[%swap3A_1728, %swap3A_1729] {strides = array<i32>} : memref<4x16xf32, #tpu.memory_space<vmem>>, vector<1x16xf32>,
    %swap3A_1731 = vector.shape_cast %swap3A_1730 : vector<1x16xf32> to vector<16xf32>
    %swap3A_1732 = vector.shape_cast %max3A_1726 : vector<16xf32> to vector<1x16xf32>
    tpu.vector_store %arg12[%swap3A_1728, %swap3A_1729], %swap3A_1732 {strides = array<i32>} : memref<4x16xf32, #tpu.memory_space<vmem>>, vector<1x16xf32>,
    %get3A_1733 = arith.constant 0 : i32
    %get3A_1734 = arith.index_cast %get3A_1733 : i32 to index
    %get3A_1735 = arith.constant 0 : index
    %get3A_1736 = tpu.vector_load %arg12[%get3A_1734, %get3A_1735] {strides = array<i32>} : memref<4x16xf32, #tpu.memory_space<vmem>>, vector<1x16xf32>,
    %get3A_1737 = vector.shape_cast %get3A_1736 : vector<1x16xf32> to vector<16xf32>
    %swap3A_1738 = arith.constant 0 : i32
    %swap3A_1739 = arith.index_cast %swap3A_1738 : i32 to index
    %swap3A_1740 = arith.constant 0 : index
    %swap3A_1741 = tpu.vector_load %arg13[%swap3A_1739, %swap3A_1740] {strides = array<i32>} : memref<3x16xf32, #tpu.memory_space<vmem>>, vector<1x16xf32>,
    %swap3A_1742 = vector.shape_cast %swap3A_1741 : vector<1x16xf32> to vector<16xf32>
    %swap3A_1743 = vector.shape_cast %get3A_1737 : vector<16xf32> to vector<1x16xf32>
    tpu.vector_store %arg13[%swap3A_1739, %swap3A_1740], %swap3A_1743 {strides = array<i32>} : memref<3x16xf32, #tpu.memory_space<vmem>>, vector<1x16xf32>,
    %get3A_1744 = arith.constant 1 : i32
    %get3A_1745 = arith.index_cast %get3A_1744 : i32 to index
    %get3A_1746 = arith.constant 0 : index
    %get3A_1747 = tpu.vector_load %arg12[%get3A_1745, %get3A_1746] {strides = array<i32>} : memref<4x16xf32, #tpu.memory_space<vmem>>, vector<1x16xf32>,
    %get3A_1748 = vector.shape_cast %get3A_1747 : vector<1x16xf32> to vector<16xf32>
    %swap3A_1749 = arith.constant 1 : i32
    %swap3A_1750 = arith.index_cast %swap3A_1749 : i32 to index
    %swap3A_1751 = arith.constant 0 : index
    %swap3A_1752 = tpu.vector_load %arg13[%swap3A_1750, %swap3A_1751] {strides = array<i32>} : memref<3x16xf32, #tpu.memory_space<vmem>>, vector<1x16xf32>,
    %swap3A_1753 = vector.shape_cast %swap3A_1752 : vector<1x16xf32> to vector<16xf32>
    %swap3A_1754 = vector.shape_cast %get3A_1748 : vector<16xf32> to vector<1x16xf32>
    tpu.vector_store %arg13[%swap3A_1750, %swap3A_1751], %swap3A_1754 {strides = array<i32>} : memref<3x16xf32, #tpu.memory_space<vmem>>, vector<1x16xf32>,
    %swap3A_1755 = arith.constant 2 : i32
    %swap3A_1756 = arith.index_cast %swap3A_1755 : i32 to index
    %swap3A_1757 = arith.constant 0 : index
    %swap3A_1758 = tpu.vector_load %arg13[%swap3A_1756, %swap3A_1757] {strides = array<i32>} : memref<3x16xf32, #tpu.memory_space<vmem>>, vector<1x16xf32>,
    %swap3A_1759 = vector.shape_cast %swap3A_1758 : vector<1x16xf32> to vector<16xf32>
    %swap3A_1760 = vector.shape_cast %scan3A_1605 : vector<16xf32> to vector<1x16xf32>
    tpu.vector_store %arg13[%swap3A_1756, %swap3A_1757], %swap3A_1760 {strides = array<i32>} : memref<3x16xf32, #tpu.memory_space<vmem>>, vector<1x16xf32>,
    "tpu.region"() ({
      %run_scoped3A = tpu.sem_alloc : memref<!tpu.dma_semaphore, #tpu.memory_space<semaphore_mem>>
      %dma_start3A_1761 = arith.constant 0 : i32
      %dma_start3A_1762 = arith.constant 0 : i32
      %dma_start3A_1763 = tpu.memref_slice %arg6[%arg0, %arg1, %dma_start3A_1761, %dma_start3A_1762] : memref<2x16x3x16xf32, #tpu.memory_space<hbm>> -> memref<1x1x3x16xf32, #tpu.memory_space<hbm>>
      %dma_start3A_1764 = tpu.memref_squeeze %dma_start3A_1763 : memref<1x1x3x16xf32, #tpu.memory_space<hbm>> -> memref<3x16xf32, #tpu.memory_space<hbm>>
      %dma_start3A_1765 = arith.constant 0 : i32
      %dma_start3A_1766 = arith.constant 0 : i32
      %dma_start3A_1767 = tpu.memref_slice %arg6[%arg0, %arg1, %dma_start3A_1765, %dma_start3A_1766] : memref<2x16x3x16xf32, #tpu.memory_space<hbm>> -> memref<1x1x3x16xf32, #tpu.memory_space<hbm>>
      %dma_start3A_1768 = tpu.memref_squeeze %dma_start3A_1767 : memref<1x1x3x16xf32, #tpu.memory_space<hbm>> -> memref<3x16xf32, #tpu.memory_space<hbm>>
      tpu.enqueue_dma source(%arg13 : memref<3x16xf32, #tpu.memory_space<vmem>>) target(%dma_start3A_1768 : memref<3x16xf32, #tpu.memory_space<hbm>>) target_semaphore(%run_scoped3A : memref<!tpu.dma_semaphore, #tpu.memory_space<semaphore_mem>>)
      %dma_wait3A_1769 = arith.constant 0 : i32
      %dma_wait3A_1770 = arith.constant 0 : i32
      %dma_wait3A_1771 = tpu.memref_slice %arg6[%arg0, %arg1, %dma_wait3A_1769, %dma_wait3A_1770] : memref<2x16x3x16xf32, #tpu.memory_space<hbm>> -> memref<1x1x3x16xf32, #tpu.memory_space<hbm>>
      %dma_wait3A_1772 = tpu.memref_squeeze %dma_wait3A_1771 : memref<1x1x3x16xf32, #tpu.memory_space<hbm>> -> memref<3x16xf32, #tpu.memory_space<hbm>>
      %dma_wait3A_1773 = arith.constant 0 : i32
      %dma_wait3A_1774 = arith.constant 0 : i32
      %dma_wait3A_1775 = tpu.memref_slice %arg6[%arg0, %arg1, %dma_wait3A_1773, %dma_wait3A_1774] : memref<2x16x3x16xf32, #tpu.memory_space<hbm>> -> memref<1x1x3x16xf32, #tpu.memory_space<hbm>>
      %dma_wait3A_1776 = tpu.memref_squeeze %dma_wait3A_1775 : memref<1x1x3x16xf32, #tpu.memory_space<hbm>> -> memref<3x16xf32, #tpu.memory_space<hbm>>
      tpu.wait_dma2 semaphore(%run_scoped3A : memref<!tpu.dma_semaphore, #tpu.memory_space<semaphore_mem>>) src(%arg13 : memref<3x16xf32, #tpu.memory_space<vmem>>) dst(%dma_wait3A_1776 : memref<3x16xf32, #tpu.memory_space<hbm>>)
      tpu.yield
    }) : () -> ()
    return
  }
}

module attributes {stable_mosaic.version = 14 : i64} {
  func.func @_final_body(%arg0: memref<256x128xf32, #tpu.memory_space<vmem>>, %arg1: memref<2x16x3x16xf32, #tpu.memory_space<vmem>>, %arg2: memref<1x1xf32, #tpu.memory_space<vmem>>) attributes {dimension_semantics = [], scalar_prefetch = 0 : i64, scratch_operands = 0 : i64, tpu.core_type = #tpu.core_type<tc>} {
    %get3A = arith.constant 0 : index
    %get3A_0 = arith.constant 0 : index
    %get3A_1 = vector.load %arg0[%get3A, %get3A_0] : memref<256x128xf32, #tpu.memory_space<vmem>>, vector<256x128xf32>
    %max3A = arith.constant 0.000000e+00 : f32
    %max3A_2 = vector.broadcast %max3A : f32 to vector<256x128xf32>
    %max3A_3 = arith.maximumf %get3A_1, %max3A_2 : vector<256x128xf32>
    %abs3A = math.absf %get3A_1 : vector<256x128xf32>
    %neg3A = arith.constant 0.000000e+00 : f32
    %neg3A_4 = vector.broadcast %neg3A : f32 to vector<256x128xf32>
    %neg3A_5 = arith.subf %neg3A_4, %abs3A : vector<256x128xf32>
    %exp3A = math.exp %neg3A_5 : vector<256x128xf32>
    %log1p3A = math.log1p %exp3A : vector<256x128xf32>
    %add3A = arith.addf %max3A_3, %log1p3A : vector<256x128xf32>
    %reduce_sum3A = vector.shape_cast %add3A : vector<256x128xf32> to vector<1x256x128xf32>
    %reduce_sum3A_6 = arith.constant dense<0.000000e+00> : vector<1xf32>
    %reduce_sum3A_7 = vector.multi_reduction <add>, %reduce_sum3A, %reduce_sum3A_6 [1, 2] : vector<1x256x128xf32> to vector<1xf32>
    %reduce_sum3A_8 = vector.shape_cast %reduce_sum3A_7 : vector<1xf32> to vector<1x1x1xf32>
    %reduce_sum3A_9 = vector.extract %reduce_sum3A_8[0, 0, 0] : f32 from vector<1x1x1xf32>
    %get3A_10 = arith.constant 0 : index
    %get3A_11 = arith.constant 0 : index
    %get3A_12 = arith.constant 0 : index
    %get3A_13 = arith.constant 0 : index
    %get3A_14 = vector.load %arg1[%get3A_10, %get3A_11, %get3A_12, %get3A_13] : memref<2x16x3x16xf32, #tpu.memory_space<vmem>>, vector<2x16x3x16xf32>
    %slice3A = vector.extract_strided_slice %get3A_14 {offsets = [0, 0, 0, 0], sizes = [2, 16, 1, 16], strides = [1, 1, 1, 1]} : vector<2x16x3x16xf32> to vector<2x16x1x16xf32>
    %squeeze3A = vector.shape_cast %slice3A : vector<2x16x1x16xf32> to vector<2x16x16xf32>
    %reduce_min3A = arith.constant dense<0x7F800000> : vector<16xf32>
    %reduce_min3A_15 = vector.multi_reduction <minimumf>, %squeeze3A, %reduce_min3A [0, 1] : vector<2x16x16xf32> to vector<16xf32>
    %slice3A_16 = vector.extract_strided_slice %get3A_14 {offsets = [0, 0, 1, 0], sizes = [2, 16, 1, 16], strides = [1, 1, 1, 1]} : vector<2x16x3x16xf32> to vector<2x16x1x16xf32>
    %squeeze3A_17 = vector.shape_cast %slice3A_16 : vector<2x16x1x16xf32> to vector<2x16x16xf32>
    %reduce_max3A = arith.constant dense<0xFF800000> : vector<16xf32>
    %reduce_max3A_18 = vector.multi_reduction <maximumf>, %squeeze3A_17, %reduce_max3A [0, 1] : vector<2x16x16xf32> to vector<16xf32>
    %slice3A_19 = vector.extract_strided_slice %get3A_14 {offsets = [0, 0, 2, 0], sizes = [2, 16, 1, 16], strides = [1, 1, 1, 1]} : vector<2x16x3x16xf32> to vector<2x16x1x16xf32>
    %squeeze3A_20 = vector.shape_cast %slice3A_19 : vector<2x16x1x16xf32> to vector<2x16x16xf32>
    %reduce_sum3A_21 = vector.shape_cast %squeeze3A_20 : vector<2x16x16xf32> to vector<1x2x16x16xf32>
    %reduce_sum3A_22 = arith.constant dense<0.000000e+00> : vector<1xf32>
    %reduce_sum3A_23 = vector.multi_reduction <add>, %reduce_sum3A_21, %reduce_sum3A_22 [1, 2, 3] : vector<1x2x16x16xf32> to vector<1xf32>
    %reduce_sum3A_24 = vector.shape_cast %reduce_sum3A_23 : vector<1xf32> to vector<1x1x1x1xf32>
    %reduce_sum3A_25 = vector.extract %reduce_sum3A_24[0, 0, 0, 0] : f32 from vector<1x1x1x1xf32>
    %lt3A = arith.constant 9.99999968E+37 : f32
    %lt3A_26 = vector.broadcast %lt3A : f32 to vector<16xf32>
    %lt3A_27 = arith.cmpf olt, %reduce_min3A_15, %lt3A_26 : vector<16xf32>
    %gt3A = arith.constant -9.99999968E+37 : f32
    %gt3A_28 = vector.broadcast %gt3A : f32 to vector<16xf32>
    %gt3A_29 = arith.cmpf ogt, %reduce_max3A_18, %gt3A_28 : vector<16xf32>
    %and3A = arith.andi %lt3A_27, %gt3A_29 : vector<16xi1>
    %logistic3A = arith.negf %reduce_min3A_15 : vector<16xf32>
    %logistic3A_30 = math.exp %logistic3A : vector<16xf32>
    %logistic3A_31 = arith.constant 1.000000e+00 : f32
    %logistic3A_32 = vector.broadcast %logistic3A_31 : f32 to vector<16xf32>
    %logistic3A_33 = arith.addf %logistic3A_32, %logistic3A_30 : vector<16xf32>
    %logistic3A_34 = arith.divf %logistic3A_32, %logistic3A_33 : vector<16xf32>
    %logistic3A_35 = arith.negf %reduce_max3A_18 : vector<16xf32>
    %logistic3A_36 = math.exp %logistic3A_35 : vector<16xf32>
    %logistic3A_37 = arith.constant 1.000000e+00 : f32
    %logistic3A_38 = vector.broadcast %logistic3A_37 : f32 to vector<16xf32>
    %logistic3A_39 = arith.addf %logistic3A_38, %logistic3A_36 : vector<16xf32>
    %logistic3A_40 = arith.divf %logistic3A_38, %logistic3A_39 : vector<16xf32>
    %add3A_41 = arith.constant 5.000000e-01 : f32
    %add3A_42 = vector.broadcast %add3A_41 : f32 to vector<16xf32>
    %add3A_43 = arith.addf %add3A_42, %logistic3A_40 : vector<16xf32>
    %sub3A = arith.subf %add3A_43, %logistic3A_34 : vector<16xf32>
    %max3A_44 = arith.constant 0.000000e+00 : f32
    %max3A_45 = vector.broadcast %max3A_44 : f32 to vector<16xf32>
    %max3A_46 = arith.maximumf %sub3A, %max3A_45 : vector<16xf32>
    %jit3A = arith.constant 0.000000e+00 : f32
    %broadcast_in_dim3A = vector.broadcast %jit3A : f32 to vector<16xf32>
    %select_n3A = arith.select %and3A, %max3A_46, %broadcast_in_dim3A : vector<16xi1>, vector<16xf32>
    %reduce_sum3A_47 = vector.shape_cast %select_n3A : vector<16xf32> to vector<1x16xf32>
    %reduce_sum3A_48 = arith.constant dense<0.000000e+00> : vector<1xf32>
    %reduce_sum3A_49 = vector.multi_reduction <add>, %reduce_sum3A_47, %reduce_sum3A_48 [1] : vector<1x16xf32> to vector<1xf32>
    %reduce_sum3A_50 = vector.shape_cast %reduce_sum3A_49 : vector<1xf32> to vector<1x1xf32>
    %reduce_sum3A_51 = vector.extract %reduce_sum3A_50[0, 0] : f32 from vector<1x1xf32>
    %or3A = arith.ori %lt3A_27, %gt3A_29 : vector<16xi1>
    %convert_element_type3A = arith.extui %or3A : vector<16xi1> to vector<16xi32>
    %reduce_sum3A_52 = vector.shape_cast %convert_element_type3A : vector<16xi32> to vector<1x16xi32>
    %reduce_sum3A_53 = arith.constant dense<0> : vector<1xi32>
    %reduce_sum3A_54 = vector.multi_reduction <add>, %reduce_sum3A_52, %reduce_sum3A_53 [1] : vector<1x16xi32> to vector<1xi32>
    %reduce_sum3A_55 = vector.shape_cast %reduce_sum3A_54 : vector<1xi32> to vector<1x1xi32>
    %reduce_sum3A_56 = vector.extract %reduce_sum3A_55[0, 0] : i32 from vector<1x1xi32>
    %convert_element_type3A_57 = arith.sitofp %reduce_sum3A_56 : i32 to f32
    %max3A_58 = arith.constant 1.000000e+00 : f32
    %max3A_59 = arith.maximumf %convert_element_type3A_57, %max3A_58 : f32
    %div3A = arith.constant 3.276800e+04 : f32
    %div3A_60 = arith.divf %div3A, %max3A_59 : f32
    %max3A_61 = arith.constant 1.000000e+00 : f32
    %max3A_62 = arith.maximumf %div3A_60, %max3A_61 : f32
    %div3A_63 = arith.constant 1.000000e+01 : f32
    %div3A_64 = arith.divf %div3A_63, %max3A_62 : f32
    %mul3A = arith.constant 7.000000e-02 : f32
    %mul3A_65 = arith.mulf %mul3A, %div3A_64 : f32
    %mul3A_66 = arith.mulf %reduce_sum3A_51, %mul3A_65 : f32
    %mul3A_67 = arith.constant 1.000000e-01 : f32
    %mul3A_68 = arith.mulf %mul3A_66, %mul3A_67 : f32
    %sub3A_69 = arith.subf %reduce_sum3A_9, %reduce_sum3A_25 : f32
    %div3A_70 = arith.constant 3.276800e+04 : f32
    %div3A_71 = arith.divf %sub3A_69, %div3A_70 : f32
    %add3A_72 = arith.addf %div3A_71, %mul3A_68 : f32
    %reshape3A = vector.broadcast %add3A_72 : f32 to vector<1x1xf32>
    %swap3A = arith.constant 0 : index
    %swap3A_73 = arith.constant 0 : index
    %swap3A_74 = vector.load %arg2[%swap3A, %swap3A_73] : memref<1x1xf32, #tpu.memory_space<vmem>>, vector<1x1xf32>
    tpu.vector_store %arg2[%swap3A, %swap3A_73], %reshape3A {strides = array<i32>} : memref<1x1xf32, #tpu.memory_space<vmem>>, vector<1x1xf32>,
    return
  }
}

</mosaic_0001>

<sc_bundles>
// kernel: kernel.4.cloned.1.call-start
scs
__scs_entry_jumppad:
0x0: {  	(pc) =	sbr.rel $0x88, $3  }
0x1: {  	(tag) =	ssettag $0x0;
	lr =	simm.s32 $0x1  }
0x2: {  	[smem:$0x3F9D] =	sst lr;
	_ =	strace $0xD0000000  }
0x3: {  	_ = 	snop  }
0x4: {  	_ = 	snop  }
0x5: {  	_ = 	snop  }
0x6: {  	_ = 	snop  }
0x7: {  	_ = 	snop  }
__scs_overlays_trampoline_lowered:
0x8: {  	[smem:$0x3FAC] =	sst s0  }
0x9: {  	[smem:$0x3FAD] =	sst s1  }
0xa: {  	[smem:$0x3FAE] =	sst s2  }
0xb: {  	[smem:$0x3FAF] =	sst s3  }
0xc: {  	[smem:$0x3FB0] =	sst s4  }
0xd: {  	[smem:$0x3FB1] =	sst s5  }
0xe: {  	[smem:$0x3FB2] =	sst s6  }
0xf: {  	[smem:$0x3FB3] =	sst s7  }
0x10: {  	[smem:$0x3FB4] =	sst s8  }
0x11: {  	[smem:$0x3FB5] =	sst s9;
	s0 =	simm.s32 @!p0 $0x0  }
0x12: {  	s1 =	sld [smem:$0x3F9B];
	s0 =	simm.s32 @p0 $0x1  }
0x13: {  	[smem:$0x3FB6] =	sst s0;
	s0 =	simm.s32 @!p1 $0x0  }
0x14: {  	s2 =	sld [smem:$0x3F9A];
	s0 =	simm.s32 @p1 $0x1  }
0x15: {  	[smem:$0x3FB7] =	sst s0;
	s0 =	simm.s32 @!p2 $0x0  }
0x16: {  	s3 =	sld [smem:$0x3FDB];
	s0 =	simm.s32 @p2 $0x1  }
0x17: {  	s4 =	simm.s32 $0x1BF5;
	[smem:$0x3FB9] =	sst s0  }
0x18: {  	s0 =	sld [smem:$0x3F9C];
	_ =	swait.ge [sflag:s4], $0x0  }
0x19: {  	s7 =	sld [smem:$0x3F9D]  }
0x1a: {  	s8 =	sadd.s32 $0xFFFFE003, lr  }
0x1b: {  	s9 =	sadd.s32 $0xFFFFFEF7, lr;
	s5 =	simm.s32 $0xFFFFFFFF;
	p2 =	slt.u32 s8, $0xFFFFF086  }
0x1c: {  	p1 =	slt.u32 s9, $0xF7A;
	s5 =	simm.s32 @!p2 $0x0  }
0x1d: {  	s5 =	simm.s32 @p1 $0x1;
	p0 =	seq.s32 s7, s2  }
0x1e: {  	s7 =	smul.u32 @!p0 $0xF7A, s2;
	p2 =	seq.s32 @!p0 s5, $0x0  }
0x1f: {  	s9 =	smul.u32 $0xF7A, s1;
	s8 =	simm.s32 @!p0 $0x1BF5;
	p2 =	por !p2, p0  }
0x20: {  	[sflag:s8] =	ssyncset.s32 @!p0 $0xFFFFF086;
	s6 =	sadd.s32 @!p0 s3, s7;
	s7 =	simm.s32 @!p0 $0x108  }
0x21: {  	s3 =	sadd.s32 s3, s9;
	s6 =	sadd.s32 @!p0 $0x88, s6;
	s7 =	simm.s32 @p2 $0x1082  }
0x22: {  	[simem:s7], [sflag:s8] =	dma.local @!p0 [hbm:s6], $0xF7A  }
0x23: {  	s9 =	sor.u32 $0xD0000000, s2;
	s6 =	simm.s32 $0x108;
	_ =	swait.ge @!p0 [sflag:s8], $0x0  }
0x24: {  	s3 =	sadd.s32 $0x88, s3;
	s6 =	simm.s32 @!p1 $0x1082;
	[sflag:s4] =	ssyncset.s32 $0xFFFFF086  }
0x25: {  	[simem:s6], [sflag:s4] =	dma.local [hbm:s3], $0xF7A  }
0x26: {  	[smem:$0x3F9D] =	sst s1;
	(tag) =	ssettag s2;
	_ =	strace s9  }
0x27: {  	s1 =	sld [smem:$0x3FAD]  }
0x28: {  	s2 =	sld [smem:$0x3FAE]  }
0x29: {  	s4 =	sld [smem:$0x3FB0]  }
0x2a: {  	p0 =	seq.s32 s5, $0x0;
	s5 =	sld [smem:$0x3FB1]  }
0x2b: {  	s6 =	sld [smem:$0x3FB2]  }
0x2c: {  	s7 =	sld [smem:$0x3FB3]  }
0x2d: {  	s3 =	simm.s32 $0x108;
	s8 =	sld [smem:$0x3FB4]  }
0x2e: {  	s3 =	simm.s32 @!p0 $0x1082;
	s9 =	sld [smem:$0x3FB5]  }
0x2f: {  	lr =	sadd.s32 s0, s3;
	s0 =	sld [smem:$0x3FAC]  }
0x30: {  	s3 =	sld [smem:$0x3FAF]  }
0x31: {  	[smem:$0x3FB8] =	sst s10  }
0x32: {  	s10 =	sld [smem:$0x3FB6];
	_ =	sdelay $0x3  }
0x33: {  	p0 =	seq.s32 s10, $0x1;
	s10 =	sld [smem:$0x3FB8];
	_ =	sdelay $0x3  }
0x34: {  	[smem:$0x3FB8] =	sst s10  }
0x35: {  	s10 =	sld [smem:$0x3FB7];
	_ =	sdelay $0x3  }
0x36: {  	p1 =	seq.s32 s10, $0x1;
	s10 =	sld [smem:$0x3FB8];
	_ =	sdelay $0x3  }
0x37: {  	[smem:$0x3FB8] =	sst s10  }
0x38: {  	s10 =	sld [smem:$0x3FB9]  }
0x39: {  	_ = 	snop;
	(pc) =	sbr.ind lr, $3  }
0x3a: {  	_ = 	snop  }
0x3b: {  	_ = 	snop  }
0x3c: {  	p2 =	seq.s32 s10, $0x1;
	s10 =	sld [smem:$0x3FB8]  }
0x3d: {  	_ =	shalt  }
0x3e: {  	_ =	shalt  }
0x3f: {  	_ =	shalt  }
0x40: {  	_ =	shalt  }
0x41: {  	_ =	shalt  }
0x42: {  	_ =	shalt  }
0x43: {  	_ =	shalt  }
0x44: {  	_ =	shalt  }
0x45: {  	_ =	shalt  }
0x46: {  	_ =	shalt  }
0x47: {  	_ =	shalt  }
0x48: {  	_ =	shalt  }
0x49: {  	_ =	shalt  }
0x4a: {  	_ =	shalt  }
0x4b: {  	_ =	shalt  }
0x4c: {  	_ =	shalt  }
0x4d: {  	_ =	shalt  }
0x4e: {  	_ =	shalt  }
0x4f: {  	_ =	shalt  }
0x50: {  	_ =	shalt  }
0x51: {  	_ =	shalt  }
0x52: {  	_ =	shalt  }
0x53: {  	_ =	shalt  }
0x54: {  	_ =	shalt  }
0x55: {  	_ =	shalt  }
0x56: {  	_ =	shalt  }
0x57: {  	_ =	shalt  }
0x58: {  	_ =	shalt  }
0x59: {  	_ =	shalt  }
0x5a: {  	_ =	shalt  }
0x5b: {  	_ =	shalt  }
0x5c: {  	_ =	shalt  }
0x5d: {  	_ =	shalt  }
0x5e: {  	_ =	shalt  }
0x5f: {  	_ =	shalt  }
0x60: {  	_ =	shalt  }
0x61: {  	_ =	shalt  }
0x62: {  	_ =	shalt  }
0x63: {  	_ =	shalt  }
0x64: {  	_ =	shalt  }
0x65: {  	_ =	shalt  }
0x66: {  	_ =	shalt  }
0x67: {  	_ =	shalt  }
0x68: {  	_ =	shalt  }
0x69: {  	_ =	shalt  }
0x6a: {  	_ =	shalt  }
0x6b: {  	_ =	shalt  }
0x6c: {  	_ =	shalt  }
0x6d: {  	_ =	shalt  }
0x6e: {  	_ =	shalt  }
0x6f: {  	_ =	shalt  }
0x70: {  	_ =	shalt  }
0x71: {  	_ =	shalt  }
0x72: {  	_ =	shalt  }
0x73: {  	_ =	shalt  }
0x74: {  	_ =	shalt  }
0x75: {  	_ =	shalt  }
0x76: {  	_ =	shalt  }
0x77: {  	_ =	shalt  }
0x78: {  	_ =	shalt  }
0x79: {  	_ =	shalt  }
0x7a: {  	_ =	shalt  }
0x7b: {  	_ =	shalt  }
0x7c: {  	_ =	shalt  }
0x7d: {  	_ =	shalt  }
0x7e: {  	_ =	shalt  }
0x7f: {  	_ =	shalt  }
0x80: {  	_ =	shalt  }
0x81: {  	_ =	shalt  }
0x82: {  	_ =	shalt  }
0x83: {  	_ =	shalt  }
0x84: {  	_ =	shalt  }
0x85: {  	_ =	shalt  }
0x86: {  	_ =	shalt  }
0x87: {  	_ =	shalt  }
.Lfunc_end0:
.L_simem_size_0:
called_computation_lowered:
.L_overlay_start_0:
0x88: {  	s2 =	sld [smem:$0x3FD9]  }
0x89: {  	s3 =	sld [smem:$0x3FFE];
	_ =	sdelay $0x1  }
0x8a: {  	s1 =	srdreg.scid  }
0x8b: {  	s0 =	sand.u32 $0x1, s1  }
0x8c: {  	s17 =	sshll.u32 s0, $0xA;
	s2 =	sadd.s32 s3, s2  }
0x8d: {  	s2 =	sadd.s32 s2, s17  }
0x8e: {  	[smem:$0x3FC4] =	sst s2  }
0x8f: {  	_ = 	snop  }
0x90: {  	s2 =	sld [smem:$0x3FC9]  }
0x91: {  	s18 =	sld [smem:$0x3FC7]  }
0x92: {  	s4 =	sld [smem:$0x3FC6];
	(tm) =	ssettm $0x1  }
0x93: {  	s5 =	sld [smem:$0x3FFB];
	_ =	sdelay $0x3  }
0x94: {  	_ =	strace s5  }
0x95: {  	s5 =	sld [smem:$0x3FFC];
	_ =	sdelay $0x3  }
0x96: {  	_ =	strace s5  }
0x97: {  	s5 =	sld [smem:$0x3FFD];
	_ =	sdelay $0x3  }
0x98: {  	_ =	strace s5  }
0x99: {  	_ =	strace $0x8FFFFFFF  }
0x9a: {  	s19 =	sld [smem:$0x3FDB];
	_ =	sdelay $0x1  }
0x9b: {  	s6 =	simm.s32 $_scs_section_size  }
0x9c: {  	s7 =	simm.s32 $_size__tile_overlayer_lowered;
	s8 =	simm.s32 $_tile_overlayer_lowered  }
0x9d: {  	s22 =	simm.s32 $0x1BFF;
	s21 =	sshll.u32 s8, $0x1;
	s5 =	sadd.s32 s6, s19  }
0x9e: {  	s9 =	simm.s32 $0x0;
	s20 =	sshll.u32 s7, $0x1;
	s7 =	sadd.s32 s21, s5  }
0x9f: {  	[timem:s9], [sflag:s22] =	dma.local [hbm:s7], s20  }
0xa0: {  	_ =	swait.ge [sflag:s22], s20  }
0xa1: {  	s6 =	ssub.s32 $0x0, s20;
	[sflag:s22] =	ssyncset.done $0x0  }
0xa2: {  	[sflag:s22] =	ssyncadd.s32 s6;
	_ =	sdelay $0x1  }
0xa3: {  	s23 =	simm.s32 $0x1B8B  }
0xa4: {  	_ =	swait.ge [sflag:s23], $0x1  }
0xa5: {  	[sflag:s23] =	ssyncset.done $0x0  }
0xa6: {  	s25 =	simm.s32 $0x1B8E;
	s24 =	sld [smem:$0x3FFE];
	[sflag:s23] =	ssyncadd.s32 $0xFFFFFFFF  }
0xa7: {  	s26 =	simm.s32 $execute0_lowered;
	[smem:$0x3FD2] =	sst s25  }
0xa8: {  	s7 =	sshll.u32 s26, $0x1;
	_ =	strace $0x80000046;
	[dreg:$0x1] =	wrdreg $0xFFFFFFFF  }
0xa9: {  	s28 =	simm.s32 $_size_execute0_lowered;
	s5 =	sadd.s32 s5, s7;
	[dreg:$0x0] =	wrdreg $0x0  }
0xaa: {  	s7 =	sshll.u32 s28, $0x1;
	[dreg:$0x2] =	wrdreg s5  }
0xab: {  	[dreg:$0x3] =	wrdreg s7  }
0xac: {  	[dreg:$0x4] =	wrdreg $0xC0  }
0xad: {  	_ =	task [dreg:s9], $0x5FFFF  }
0xae: {  	[dreg:$0x1] =	wrdreg $0xFFFFFFFF  }
0xaf: {  	[dreg:$0x0] =	wrdreg $0x60  }
0xb0: {  	[dreg:$0x2] =	wrdreg s2  }
0xb1: {  	[dreg:$0x3] =	wrdreg s24  }
0xb2: {  	[dreg:$0x4] =	wrdreg s18  }
0xb3: {  	[dreg:$0x5] =	wrdreg s4  }
0xb4: {  	[dreg:$0x6] =	wrdreg $0x9  }
0xb5: {  	_ =	task.clear_ibuf [dreg:s9], $0x7FFFF;
	_ =	strace $0x90000046  }
0xb6: {  	s29 =	simm.s32 $0x9;
	_ =	strace $0x80000048  }
0xb7: {  	_ =	swait.ge [sflag:s29], $0x1  }
0xb8: {  	[sflag:s29] =	ssyncadd.s32 $0xFFFFFFFF  }
0xb9: {  	_ =	strace $0x90000048  }
0xba: {  	_ =	sfence  }
0xbb: {  	s30 =	sld [smem:$0x0];
	_ =	sdelay $0x2  }
0xbc: {  	s31 =	sshll.u32 s1, $0xD;
	s1 =	sshrl.u32 s1, $0x2  }
0xbd: {  	s3 =	sand.u32 $0x4000, s31;
	s1 =	sadd.s32 s1, s30  }
0xbe: {  	s0 =	sor.u32 s3, s0;
	s1 =	sshll.u32 s1, $0x11  }
0xbf: {  	s0 =	sor.u32 s1, s0  }
0xc0: {  	s0 =	sadd.s32 $0x8F2B, s0  }
0xc1: {  	[sflag:s0] =	ssyncadd.remote.s32 $0x1  }
0xc2: {  	_ =	sfence.sel $0xFFFF  }
0xc3: {  	[dreg:$0x0] =	wrdreg $0xFFFFFFFF;
	(pc) =	sbr.abs _section_cstart, $3  }
0xc4: {  	[dreg:$0x1] =	wrdreg $0xFFFFFFFF  }
0xc5: {  	_ =	task.clear_ibuf [dreg:s9], $0x2FFFF;
	_ =	strace $0x9FFFFFFF  }
0xc6: {  	(tm) =	ssettm $0x7FFFFFFF  }
0xc7: {  	_ =	shalt  }
tec
execute0_lowered:
.L_overlay_start_1:
0x0: {  	(tag) =	ssettag $0x1  }
0x1: {  	s0 =	rddreg [dreg:$0x0]  }
0x2: {  	s1 =	rddreg [dreg:$0x1]  }
0x3: {  	s4 =	rddreg [dreg:$0x2]  }
0x4: {  	s5 =	rddreg [dreg:$0x3];
	v0 =	vimm.s32 $0x76543210  }
0x5: {  	s2 =	simm.s32 $0x0;
	s8 =	stileid.u32;
	s7 =	srdreg.scid;
	v1 =	vimm.s32 $0xFEDCBA98;
	v2 =	vimm.s32 $0xBA98FEDC;
	v3 =	vimm.s32 $0x32107654  }
0x6: {  	v4 =	vimm.s32 $0xDCFE98BA;
	v5 =	vimm.s32 $0x54761032;
	s11 =	simm.s32 $0x1;
	s12 =	simm.s32 $0x80;
	s18 =	simm.s32 $0xD00  }
0x7: {  	v6 =	vimm.s32 $0xEFCDAB89;
	s19 =	simm.s32 $0x1180;
	s20 =	simm.s32 $0xD80;
	s21 =	simm.s32 $0x1200  }
0x8: {  	v7 =	vimm.s32 $0x67452301;
	s22 =	simm.s32 $0xE00;
	s23 =	simm.s32 $0x1280;
	s24 =	simm.s32 $0xE80  }
0x9: {  	s28 =	simm.s32 $0x1380;
	s29 =	simm.s32 $0xF80;
	s30 =	simm.s32 $0x1600;
	v0 =	vunpack.c.l.s4.s8 v0;
	v1 =	vunpack.c.l.s4.s8 v1;
	v2 =	vunpack.c.l.s4.s8 v2  }
0xa: {  	s31 =	simm.s32 $0x2;
	[smem:$0x7FF] =	sst s2;
	s6 =	sshll.u32 s8, $0x6;
	v3 =	vunpack.c.l.s4.s8 v3;
	v4 =	vunpack.c.l.s4.s8 v4;
	v5 =	vunpack.c.l.s4.s8 v5  }
0xb: {  	s3 =	sadd.s32 $0x800, s1;
	s25 =	sand.u32 $0x1, s7;
	s8 =	sshll.u32 s8, $0x8;
	v6 =	vunpack.c.l.s4.s8 v6;
	v7 =	vunpack.c.l.s4.s8 v7;
	v2 =	vunpack.c.0.s8.s32 v2  }
0xc: {  	_ =	strace $0x80000047;
	s1 =	sadd.s32 s6, s1;
	s7 =	ssub.s32 $0x2, s25;
	v3 =	vunpack.c.0.s8.s32 v3;
	v4 =	vunpack.c.0.s8.s32 v4;
	v5 =	vunpack.c.0.s8.s32 v5  }
.Ltmp0:
0xd: {  	s9 =	sshll.u32 s25, $0x7;
	s6 =	sshll.u32 s25, $0xA;
	v1 =	vunpack.c.0.s8.s32 v1;
	v6 =	vunpack.c.0.s8.s32 v6;
	v7 =	vunpack.c.0.s8.s32 v7;
	(pc) =	sbr.rel .LBB2_1-.Ltmp0, $4  }
0xe: {  	s25 =	simm.s32 $0x1300;
	s10 =	sshrl.u32 s7, $0x1;
	s8 =	sor.u32 s9, s8;
	v2 =	vcombine.low v3, v2;
	v3 =	vunpack.c.0.s8.s32 v0;
	v4 =	vcombine.low v5, v4  }
0xf: {  	s1 =	sadd.s32 s6, s1;
	s26 =	ssub.s32 s7, s10;
	s4 =	sadd.s32 s4, s8;
	v0 =	vlaneseq.u32;
	v1 =	vand.u32 $0xF, v1;
	v5 =	vcombine.low v7, v6  }
0x10: {  	s5 =	sadd.s32 s5, s8;
	s6 =	sadd.s32 s0, s8;
	s7 =	sadd.s32 $0x2800, s1;
	v6 =	vimm.f32 $-3.000000010e+38;
	v1 =	vcombine.low v1, v3;
	v2 =	vand.u32 $0xF, v2  }
0x11: {  	s0 =	simm.s32 $0x0;
	s8 =	smax.u32 s26, $0x1;
	s26 =	simm.s32 $0xF00;
	v3 =	vand.u32 $0xF, v4;
	v4 =	vand.u32 $0xF, v5;
	v5 =	vimm.f32 $3.000000010e+38  }
.LBB2_17:
0x12: {  	v10 =	vperm.xlane v15, v1;
	_ =	sdelay $0x1  }
0x13: {  	v10 =	vmax.f32 v15, v10  }
0x14: {  	v11 =	vperm.xlane v10, v2  }
0x15: {  	v12 =	vperm.xlane v14, v1  }
0x16: {  	v10 =	vmax.f32 v10, v11  }
0x17: {  	v57 =	vmin.f32 v14, v12;
	v58 =	vperm.xlane v10, v3  }
0x18: {  	v13 =	vperm.xlane v57, v2  }
0x19: {  	v10 =	vmax.f32 v10, v58  }
0x1a: {  	v11 =	vmin.f32 v57, v13;
	v12 =	vperm.xlane v10, v4  }
0x1b: {  	v59 =	vmov s10;
	v60 =	vperm.xlane v11, v3  }
0x1c: {  	vm0 =	veq.s32 v59, v0;
	v10 =	vmax.f32 v10, v12  }
0x1d: {  	v11 =	vmin.f32 v11, v60;
	v10 =	vnsel vm0, $0xFF61B1E6, v10  }
0x1e: {  	v61 =	vperm.xlane v11, v4;
	v9 =	vmax.f32 v9, v10  }
0x1f: {  	[tilespmem:$0x1480] =	vst v9  }
0x20: {  	v62 =	vmin.f32 v11, v61;
	v63 =	vld [tilespmem:$0x1480]  }
0x21: {  	v9 =	vnsel vm0, $0x7F61B1E6, v62  }
0x22: {  	[tilespmem:$0x1700] =	vst v7;
	v8 =	vmin.f32 v8, v9  }
0x23: {  	s0 =	sadd.s32 $0x1, s0;
	[tilespmem:$0x1400] =	vst v8  }
0x24: {  	p0 =	sne.s32 s0, s8;
	[tilespmem:$0x1600] =	vst v8  }
.Ltmp1:
0x25: {  	[tilespmem:$0x1680] =	vst v63;
	(pc) =	sbr.rel @!p0 .LBB2_18-.Ltmp1, $4  }
0x26: {  	[hbm4b:s7+s2] =	stream.linear.scatter [tilespmem:s30], [sflag:$0x2], $0x180, $0x38;
	[tilespmem:$0x1800] =	vst v63  }
0x27: {  	_ =	swait.ge [sflag:s31], $0x180  }
0x28: {  	[sflag:s31] =	ssyncset.done $0x0  }
0x29: {  	[sflag:s31] =	ssyncadd.s32 $0xFFFFFE80  }
.LBB2_1:
0x2a: {  	[tilespmem:s2], [sflag:$0x1] =	stream.linear.gather [hbm4b:s4+s2], $0x400, $0x38;
	[tilespmem:$0x1800] =	vst v63  }
0x2b: {  	s1 =	simm.s32 $0x400  }
0x2c: {  	[tilespmem:s1], [sflag:$0x1] =	stream.linear.gather [hbm4b:s5+s2], $0x400, $0x38;
	[tilespmem:$0x1800] =	vst v63  }
0x2d: {  	s13 =	simm.s32 $0x800  }
0x2e: {  	[tilespmem:s13], [sflag:$0x1] =	stream.linear.gather [hbm4b:s6+s2], $0x400, $0x38;
	[tilespmem:$0x1800] =	vst v63  }
0x2f: {  	_ =	swait.ge [sflag:s11], $0x400  }
0x30: {  	[sflag:s11] =	ssyncset.done $0x0  }
0x31: {  	[sflag:s11] =	ssyncadd.s32 $0xFFFFFC00  }
0x32: {  	_ =	swait.ge [sflag:s11], $0x400  }
0x33: {  	[sflag:s11] =	ssyncset.done $0x0  }
0x34: {  	[sflag:s11] =	ssyncadd.s32 $0xFFFFFC00  }
0x35: {  	_ =	swait.ge [sflag:s11], $0x400  }
0x36: {  	[sflag:s11] =	ssyncset.done $0x0  }
0x37: {  	[sflag:s11] =	ssyncadd.s32 $0xFFFFFC00  }
0x38: {  	v7 =	vld [tilespmem:$0x0]  }
0x39: {  	v8 =	vld [tilespmem:$0x400]  }
0x3a: {  	v9 =	vld [tilespmem:$0x10]  }
0x3b: {  	v10 =	vld [tilespmem:$0x410]  }
0x3c: {  	v11 =	vld [tilespmem:$0x20]  }
0x3d: {  	v12 =	vld [tilespmem:$0x420]  }
0x3e: {  	v13 =	vld [tilespmem:$0x30]  }
0x3f: {  	v14 =	vld [tilespmem:$0x430]  }
0x40: {  	v15 =	vld [tilespmem:$0x40]  }
0x41: {  	v16 =	vld [tilespmem:$0x440]  }
0x42: {  	v17 =	vld [tilespmem:$0x50];
	v8 =	vadd.s32 $0xFFFFFFFF, v8  }
0x43: {  	v18 =	vld [tilespmem:$0x450];
	v7 =	vshll.u32 v7, $0xC;
	v10 =	vadd.s32 $0xFFFFFFFF, v10;
	v11 =	vshll.u32 v11, $0xC  }
0x44: {  	v19 =	vld [tilespmem:$0x460];
	v12 =	vadd.s32 $0xFFFFFFFF, v12;
	v14 =	vadd.s32 $0xFFFFFFFF, v14;
	v13 =	vshll.u32 v13, $0xC  }
0x45: {  	v20 =	vld [tilespmem:$0x470];
	v8 =	vand.u32 $0xFFF, v8;
	v12 =	vand.u32 $0xFFF, v12;
	v14 =	vand.u32 $0xFFF, v14  }
0x46: {  	v7 =	vor.u32 v7, v8;
	v8 =	vshll.u32 v9, $0xC;
	v9 =	vand.u32 $0xFFF, v10;
	v10 =	vld [tilespmem:$0x60]  }
0x47: {  	[tilespmem:$0x1000] =	vst v7;
	v7 =	vor.u32 v8, v9;
	v8 =	vor.u32 v11, v12;
	v9 =	vor.u32 v13, v14;
	v11 =	vld [tilespmem:$0x70]  }
0x48: {  	v12 =	vadd.s32 $0xFFFFFFFF, v16;
	v13 =	vadd.s32 $0xFFFFFFFF, v18;
	[tilespmem:$0x1010] =	vst v7;
	v7 =	vshll.u32 v15, $0xC  }
0x49: {  	[tilespmem:$0x1020] =	vst v8;
	v8 =	vand.u32 $0xFFF, v12;
	v12 =	vshll.u32 v17, $0xC;
	v13 =	vand.u32 $0xFFF, v13  }
0x4a: {  	[tilespmem:$0x1030] =	vst v9;
	v9 =	vadd.s32 $0xFFFFFFFF, v19;
	v7 =	vor.u32 v7, v8;
	v8 =	vor.u32 v12, v13  }
0x4b: {  	v9 =	vand.u32 $0xFFF, v9;
	[tilespmem:$0x1040] =	vst v7;
	v7 =	vshll.u32 v10, $0xC;
	v10 =	vadd.s32 $0xFFFFFFFF, v20  }
0x4c: {  	[tilespmem:$0x1050] =	vst v8;
	v7 =	vor.u32 v7, v9;
	v8 =	vshll.u32 v11, $0xC;
	v9 =	vand.u32 $0xFFF, v10  }
0x4d: {  	[tilespmem:$0x1060] =	vst v7;
	v7 =	vor.u32 v8, v9  }
0x4e: {  	s14 =	simm.s32 $0x1000;
	s9 =	simm.s32 $0xC00;
	[tilespmem:$0x1070] =	vst v7  }
0x4f: {  	[tilespmem:s9], [sflag:$0x1] =	stream.indirect.gather [hbm4b:s3+s12], $0x1, s14, s12, $0xb8;
	[tilespmem:$0x1800] =	vst v63  }
0x50: {  	v7 =	vld [tilespmem:$0x80]  }
0x51: {  	v8 =	vld [tilespmem:$0x480]  }
0x52: {  	v9 =	vld [tilespmem:$0x90]  }
0x53: {  	v10 =	vld [tilespmem:$0x490]  }
0x54: {  	v11 =	vld [tilespmem:$0xA0]  }
0x55: {  	v12 =	vld [tilespmem:$0x4A0]  }
0x56: {  	v13 =	vld [tilespmem:$0xB0]  }
0x57: {  	v14 =	vld [tilespmem:$0x4B0]  }
0x58: {  	v15 =	vld [tilespmem:$0xC0]  }
0x59: {  	v16 =	vld [tilespmem:$0x4C0]  }
0x5a: {  	v17 =	vld [tilespmem:$0xD0];
	v8 =	vadd.s32 $0xFFFFFFFF, v8  }
0x5b: {  	v43 =	vld [tilespmem:$0x4D0];
	v7 =	vshll.u32 v7, $0xC;
	v10 =	vadd.s32 $0xFFFFFFFF, v10;
	v11 =	vshll.u32 v11, $0xC  }
0x5c: {  	v44 =	vld [tilespmem:$0x4E0];
	v12 =	vadd.s32 $0xFFFFFFFF, v12;
	v14 =	vadd.s32 $0xFFFFFFFF, v14;
	v13 =	vshll.u32 v13, $0xC  }
0x5d: {  	v45 =	vld [tilespmem:$0x4F0];
	v8 =	vand.u32 $0xFFF, v8;
	v12 =	vand.u32 $0xFFF, v12;
	v14 =	vand.u32 $0xFFF, v14  }
0x5e: {  	v7 =	vor.u32 v7, v8;
	v8 =	vshll.u32 v9, $0xC;
	v9 =	vand.u32 $0xFFF, v10;
	v10 =	vld [tilespmem:$0xE0]  }
0x5f: {  	[tilespmem:$0x1080] =	vst v7;
	v7 =	vor.u32 v8, v9;
	v8 =	vor.u32 v11, v12;
	v9 =	vor.u32 v13, v14;
	v11 =	vld [tilespmem:$0xF0]  }
0x60: {  	v12 =	vadd.s32 $0xFFFFFFFF, v16;
	v13 =	vadd.s32 $0xFFFFFFFF, v43;
	[tilespmem:$0x1090] =	vst v7;
	v7 =	vshll.u32 v15, $0xC  }
0x61: {  	[tilespmem:$0x10A0] =	vst v8;
	v8 =	vand.u32 $0xFFF, v12;
	v12 =	vshll.u32 v17, $0xC;
	v13 =	vand.u32 $0xFFF, v13  }
0x62: {  	[tilespmem:$0x10B0] =	vst v9;
	v9 =	vadd.s32 $0xFFFFFFFF, v44;
	v7 =	vor.u32 v7, v8;
	v8 =	vor.u32 v12, v13  }
0x63: {  	v9 =	vand.u32 $0xFFF, v9;
	[tilespmem:$0x10C0] =	vst v7;
	v7 =	vshll.u32 v10, $0xC;
	v10 =	vadd.s32 $0xFFFFFFFF, v45  }
0x64: {  	[tilespmem:$0x10D0] =	vst v8;
	v7 =	vor.u32 v7, v9;
	v8 =	vshll.u32 v11, $0xC;
	v9 =	vand.u32 $0xFFF, v10  }
0x65: {  	[tilespmem:$0x10E0] =	vst v7;
	v7 =	vor.u32 v8, v9  }
0x66: {  	s15 =	simm.s32 $0x1080;
	s16 =	simm.s32 $0xC80;
	[tilespmem:$0x10F0] =	vst v7  }
0x67: {  	[tilespmem:s16], [sflag:$0x1] =	stream.indirect.gather [hbm4b:s3+s12], $0x1, s15, s12, $0xb8;
	[tilespmem:$0x1800] =	vst v63  }
0x68: {  	v7 =	vld [tilespmem:$0x100]  }
0x69: {  	v8 =	vld [tilespmem:$0x500]  }
0x6a: {  	v9 =	vld [tilespmem:$0x110]  }
0x6b: {  	v10 =	vld [tilespmem:$0x510]  }
0x6c: {  	v11 =	vld [tilespmem:$0x120]  }
0x6d: {  	v12 =	vld [tilespmem:$0x520]  }
0x6e: {  	v13 =	vld [tilespmem:$0x130]  }
0x6f: {  	v14 =	vld [tilespmem:$0x530]  }
0x70: {  	v15 =	vld [tilespmem:$0x140]  }
0x71: {  	v16 =	vld [tilespmem:$0x540]  }
0x72: {  	v17 =	vld [tilespmem:$0x150];
	v8 =	vadd.s32 $0xFFFFFFFF, v8  }
0x73: {  	v46 =	vld [tilespmem:$0x550];
	v7 =	vshll.u32 v7, $0xC;
	v10 =	vadd.s32 $0xFFFFFFFF, v10;
	v11 =	vshll.u32 v11, $0xC  }
0x74: {  	v47 =	vld [tilespmem:$0x560];
	v12 =	vadd.s32 $0xFFFFFFFF, v12;
	v14 =	vadd.s32 $0xFFFFFFFF, v14;
	v13 =	vshll.u32 v13, $0xC  }
0x75: {  	v48 =	vld [tilespmem:$0x570];
	v8 =	vand.u32 $0xFFF, v8;
	v12 =	vand.u32 $0xFFF, v12;
	v14 =	vand.u32 $0xFFF, v14  }
0x76: {  	v7 =	vor.u32 v7, v8;
	v8 =	vshll.u32 v9, $0xC;
	v9 =	vand.u32 $0xFFF, v10;
	v10 =	vld [tilespmem:$0x160]  }
0x77: {  	[tilespmem:$0x1100] =	vst v7;
	v7 =	vor.u32 v8, v9;
	v8 =	vor.u32 v11, v12;
	v9 =	vor.u32 v13, v14;
	v11 =	vld [tilespmem:$0x170]  }
0x78: {  	v12 =	vadd.s32 $0xFFFFFFFF, v16;
	v13 =	vadd.s32 $0xFFFFFFFF, v46;
	[tilespmem:$0x1110] =	vst v7;
	v7 =	vshll.u32 v15, $0xC  }
0x79: {  	[tilespmem:$0x1120] =	vst v8;
	v8 =	vand.u32 $0xFFF, v12;
	v12 =	vshll.u32 v17, $0xC;
	v13 =	vand.u32 $0xFFF, v13  }
0x7a: {  	[tilespmem:$0x1130] =	vst v9;
	v9 =	vadd.s32 $0xFFFFFFFF, v47;
	v7 =	vor.u32 v7, v8;
	v8 =	vor.u32 v12, v13  }
0x7b: {  	v9 =	vand.u32 $0xFFF, v9;
	[tilespmem:$0x1140] =	vst v7;
	v7 =	vshll.u32 v10, $0xC;
	v10 =	vadd.s32 $0xFFFFFFFF, v48  }
0x7c: {  	[tilespmem:$0x1150] =	vst v8;
	v7 =	vor.u32 v7, v9;
	v8 =	vshll.u32 v11, $0xC;
	v9 =	vand.u32 $0xFFF, v10  }
0x7d: {  	[tilespmem:$0x1160] =	vst v7;
	v7 =	vor.u32 v8, v9  }
0x7e: {  	s17 =	simm.s32 $0x1100;
	[tilespmem:$0x1170] =	vst v7  }
0x7f: {  	[tilespmem:s18], [sflag:$0x1] =	stream.indirect.gather [hbm4b:s3+s12], $0x1, s17, s12, $0xb8;
	[tilespmem:$0x1800] =	vst v63  }
0x80: {  	v7 =	vld [tilespmem:$0x180]  }
0x81: {  	v8 =	vld [tilespmem:$0x580]  }
0x82: {  	v9 =	vld [tilespmem:$0x190]  }
0x83: {  	v10 =	vld [tilespmem:$0x590]  }
0x84: {  	v11 =	vld [tilespmem:$0x1A0]  }
0x85: {  	v12 =	vld [tilespmem:$0x5A0]  }
0x86: {  	v13 =	vld [tilespmem:$0x1B0]  }
0x87: {  	v14 =	vld [tilespmem:$0x5B0]  }
0x88: {  	v15 =	vld [tilespmem:$0x1C0]  }
0x89: {  	v16 =	vld [tilespmem:$0x5C0]  }
0x8a: {  	v17 =	vld [tilespmem:$0x1D0];
	v8 =	vadd.s32 $0xFFFFFFFF, v8  }
0x8b: {  	v49 =	vld [tilespmem:$0x5D0];
	v7 =	vshll.u32 v7, $0xC;
	v10 =	vadd.s32 $0xFFFFFFFF, v10;
	v11 =	vshll.u32 v11, $0xC  }
0x8c: {  	v50 =	vld [tilespmem:$0x5E0];
	v12 =	vadd.s32 $0xFFFFFFFF, v12;
	v14 =	vadd.s32 $0xFFFFFFFF, v14;
	v13 =	vshll.u32 v13, $0xC  }
0x8d: {  	v51 =	vld [tilespmem:$0x5F0];
	v8 =	vand.u32 $0xFFF, v8;
	v12 =	vand.u32 $0xFFF, v12;
	v14 =	vand.u32 $0xFFF, v14  }
0x8e: {  	v7 =	vor.u32 v7, v8;
	v8 =	vshll.u32 v9, $0xC;
	v9 =	vand.u32 $0xFFF, v10;
	v10 =	vld [tilespmem:$0x1E0]  }
0x8f: {  	[tilespmem:$0x1180] =	vst v7;
	v7 =	vor.u32 v8, v9;
	v8 =	vor.u32 v11, v12;
	v9 =	vor.u32 v13, v14;
	v11 =	vld [tilespmem:$0x1F0]  }
0x90: {  	v12 =	vadd.s32 $0xFFFFFFFF, v16;
	v13 =	vadd.s32 $0xFFFFFFFF, v49;
	[tilespmem:$0x1190] =	vst v7;
	v7 =	vshll.u32 v15, $0xC  }
0x91: {  	[tilespmem:$0x11A0] =	vst v8;
	v8 =	vand.u32 $0xFFF, v12;
	v12 =	vshll.u32 v17, $0xC;
	v13 =	vand.u32 $0xFFF, v13  }
0x92: {  	[tilespmem:$0x11B0] =	vst v9;
	v9 =	vadd.s32 $0xFFFFFFFF, v50;
	v7 =	vor.u32 v7, v8;
	v8 =	vor.u32 v12, v13  }
0x93: {  	v9 =	vand.u32 $0xFFF, v9;
	[tilespmem:$0x11C0] =	vst v7;
	v7 =	vshll.u32 v10, $0xC;
	v10 =	vadd.s32 $0xFFFFFFFF, v51  }
0x94: {  	[tilespmem:$0x11D0] =	vst v8;
	v7 =	vor.u32 v7, v9;
	v8 =	vshll.u32 v11, $0xC;
	v9 =	vand.u32 $0xFFF, v10  }
0x95: {  	[tilespmem:$0x11E0] =	vst v7;
	v7 =	vor.u32 v8, v9  }
0x96: {  	[tilespmem:$0x11F0] =	vst v7  }
0x97: {  	[tilespmem:s20], [sflag:$0x1] =	stream.indirect.gather [hbm4b:s3+s12], $0x1, s19, s12, $0xb8;
	[tilespmem:$0x1800] =	vst v63  }
0x98: {  	v7 =	vld [tilespmem:$0x200]  }
0x99: {  	v8 =	vld [tilespmem:$0x600]  }
0x9a: {  	v9 =	vld [tilespmem:$0x210]  }
0x9b: {  	v10 =	vld [tilespmem:$0x610]  }
0x9c: {  	v11 =	vld [tilespmem:$0x220]  }
0x9d: {  	v12 =	vld [tilespmem:$0x620]  }
0x9e: {  	v13 =	vld [tilespmem:$0x230]  }
0x9f: {  	v14 =	vld [tilespmem:$0x630]  }
0xa0: {  	v15 =	vld [tilespmem:$0x240]  }
0xa1: {  	v16 =	vld [tilespmem:$0x640]  }
0xa2: {  	v17 =	vld [tilespmem:$0x250];
	v8 =	vadd.s32 $0xFFFFFFFF, v8  }
0xa3: {  	v52 =	vld [tilespmem:$0x650];
	v7 =	vshll.u32 v7, $0xC;
	v10 =	vadd.s32 $0xFFFFFFFF, v10;
	v11 =	vshll.u32 v11, $0xC  }
0xa4: {  	v53 =	vld [tilespmem:$0x660];
	v12 =	vadd.s32 $0xFFFFFFFF, v12;
	v14 =	vadd.s32 $0xFFFFFFFF, v14;
	v13 =	vshll.u32 v13, $0xC  }
0xa5: {  	v54 =	vld [tilespmem:$0x670];
	v8 =	vand.u32 $0xFFF, v8;
	v12 =	vand.u32 $0xFFF, v12;
	v14 =	vand.u32 $0xFFF, v14  }
0xa6: {  	v7 =	vor.u32 v7, v8;
	v8 =	vshll.u32 v9, $0xC;
	v9 =	vand.u32 $0xFFF, v10;
	v10 =	vld [tilespmem:$0x260]  }
0xa7: {  	[tilespmem:$0x1200] =	vst v7;
	v7 =	vor.u32 v8, v9;
	v8 =	vor.u32 v11, v12;
	v9 =	vor.u32 v13, v14;
	v11 =	vld [tilespmem:$0x270]  }
0xa8: {  	v12 =	vadd.s32 $0xFFFFFFFF, v16;
	v13 =	vadd.s32 $0xFFFFFFFF, v52;
	[tilespmem:$0x1210] =	vst v7;
	v7 =	vshll.u32 v15, $0xC  }
0xa9: {  	[tilespmem:$0x1220] =	vst v8;
	v8 =	vand.u32 $0xFFF, v12;
	v12 =	vshll.u32 v17, $0xC;
	v13 =	vand.u32 $0xFFF, v13  }
0xaa: {  	[tilespmem:$0x1230] =	vst v9;
	v9 =	vadd.s32 $0xFFFFFFFF, v53;
	v7 =	vor.u32 v7, v8;
	v8 =	vor.u32 v12, v13  }
0xab: {  	v9 =	vand.u32 $0xFFF, v9;
	[tilespmem:$0x1240] =	vst v7;
	v7 =	vshll.u32 v10, $0xC;
	v10 =	vadd.s32 $0xFFFFFFFF, v54  }
0xac: {  	[tilespmem:$0x1250] =	vst v8;
	v7 =	vor.u32 v7, v9;
	v8 =	vshll.u32 v11, $0xC;
	v9 =	vand.u32 $0xFFF, v10  }
0xad: {  	[tilespmem:$0x1260] =	vst v7;
	v7 =	vor.u32 v8, v9  }
0xae: {  	[tilespmem:$0x1270] =	vst v7  }
0xaf: {  	[tilespmem:s22], [sflag:$0x1] =	stream.indirect.gather [hbm4b:s3+s12], $0x1, s21, s12, $0xb8;
	[tilespmem:$0x1800] =	vst v63  }
0xb0: {  	v7 =	vld [tilespmem:$0x280]  }
0xb1: {  	v8 =	vld [tilespmem:$0x680]  }
0xb2: {  	v9 =	vld [tilespmem:$0x290]  }
0xb3: {  	v10 =	vld [tilespmem:$0x690]  }
0xb4: {  	v11 =	vld [tilespmem:$0x2A0]  }
0xb5: {  	v12 =	vld [tilespmem:$0x6A0]  }
0xb6: {  	v13 =	vld [tilespmem:$0x2B0]  }
0xb7: {  	v14 =	vld [tilespmem:$0x6B0]  }
0xb8: {  	v15 =	vld [tilespmem:$0x2C0]  }
0xb9: {  	v16 =	vld [tilespmem:$0x6C0]  }
0xba: {  	v17 =	vld [tilespmem:$0x2D0];
	v8 =	vadd.s32 $0xFFFFFFFF, v8  }
0xbb: {  	v55 =	vld [tilespmem:$0x6D0];
	v7 =	vshll.u32 v7, $0xC;
	v10 =	vadd.s32 $0xFFFFFFFF, v10;
	v11 =	vshll.u32 v11, $0xC  }
0xbc: {  	v56 =	vld [tilespmem:$0x6E0];
	v12 =	vadd.s32 $0xFFFFFFFF, v12;
	v14 =	vadd.s32 $0xFFFFFFFF, v14;
	v13 =	vshll.u32 v13, $0xC  }
0xbd: {  	v57 =	vld [tilespmem:$0x6F0];
	v8 =	vand.u32 $0xFFF, v8;
	v12 =	vand.u32 $0xFFF, v12;
	v14 =	vand.u32 $0xFFF, v14  }
0xbe: {  	v7 =	vor.u32 v7, v8;
	v8 =	vshll.u32 v9, $0xC;
	v9 =	vand.u32 $0xFFF, v10;
	v10 =	vld [tilespmem:$0x2E0]  }
0xbf: {  	[tilespmem:$0x1280] =	vst v7;
	v7 =	vor.u32 v8, v9;
	v8 =	vor.u32 v11, v12;
	v9 =	vor.u32 v13, v14;
	v11 =	vld [tilespmem:$0x2F0]  }
0xc0: {  	v12 =	vadd.s32 $0xFFFFFFFF, v16;
	v13 =	vadd.s32 $0xFFFFFFFF, v55;
	[tilespmem:$0x1290] =	vst v7;
	v7 =	vshll.u32 v15, $0xC  }
0xc1: {  	[tilespmem:$0x12A0] =	vst v8;
	v8 =	vand.u32 $0xFFF, v12;
	v12 =	vshll.u32 v17, $0xC;
	v13 =	vand.u32 $0xFFF, v13  }
0xc2: {  	[tilespmem:$0x12B0] =	vst v9;
	v9 =	vadd.s32 $0xFFFFFFFF, v56;
	v7 =	vor.u32 v7, v8;
	v8 =	vor.u32 v12, v13  }
0xc3: {  	v9 =	vand.u32 $0xFFF, v9;
	[tilespmem:$0x12C0] =	vst v7;
	v7 =	vshll.u32 v10, $0xC;
	v10 =	vadd.s32 $0xFFFFFFFF, v57  }
0xc4: {  	[tilespmem:$0x12D0] =	vst v8;
	v7 =	vor.u32 v7, v9;
	v8 =	vshll.u32 v11, $0xC;
	v9 =	vand.u32 $0xFFF, v10  }
0xc5: {  	[tilespmem:$0x12E0] =	vst v7;
	v7 =	vor.u32 v8, v9  }
0xc6: {  	[tilespmem:$0x12F0] =	vst v7  }
0xc7: {  	[tilespmem:s24], [sflag:$0x1] =	stream.indirect.gather [hbm4b:s3+s12], $0x1, s23, s12, $0xb8;
	[tilespmem:$0x1800] =	vst v63  }
0xc8: {  	v7 =	vld [tilespmem:$0x300]  }
0xc9: {  	v8 =	vld [tilespmem:$0x700]  }
0xca: {  	v9 =	vld [tilespmem:$0x310]  }
0xcb: {  	v10 =	vld [tilespmem:$0x710]  }
0xcc: {  	v11 =	vld [tilespmem:$0x320]  }
0xcd: {  	v12 =	vld [tilespmem:$0x720]  }
0xce: {  	v13 =	vld [tilespmem:$0x330]  }
0xcf: {  	v14 =	vld [tilespmem:$0x730]  }
0xd0: {  	v15 =	vld [tilespmem:$0x340]  }
0xd1: {  	v16 =	vld [tilespmem:$0x740]  }
0xd2: {  	v17 =	vld [tilespmem:$0x350];
	v8 =	vadd.s32 $0xFFFFFFFF, v8  }
0xd3: {  	v58 =	vld [tilespmem:$0x750];
	v7 =	vshll.u32 v7, $0xC;
	v10 =	vadd.s32 $0xFFFFFFFF, v10;
	v11 =	vshll.u32 v11, $0xC  }
0xd4: {  	v59 =	vld [tilespmem:$0x760];
	v12 =	vadd.s32 $0xFFFFFFFF, v12;
	v14 =	vadd.s32 $0xFFFFFFFF, v14;
	v13 =	vshll.u32 v13, $0xC  }
0xd5: {  	v60 =	vld [tilespmem:$0x770];
	v8 =	vand.u32 $0xFFF, v8;
	v12 =	vand.u32 $0xFFF, v12;
	v14 =	vand.u32 $0xFFF, v14  }
0xd6: {  	v7 =	vor.u32 v7, v8;
	v8 =	vshll.u32 v9, $0xC;
	v9 =	vand.u32 $0xFFF, v10;
	v10 =	vld [tilespmem:$0x360]  }
0xd7: {  	[tilespmem:$0x1300] =	vst v7;
	v7 =	vor.u32 v8, v9;
	v8 =	vor.u32 v11, v12;
	v9 =	vor.u32 v13, v14;
	v11 =	vld [tilespmem:$0x370]  }
0xd8: {  	v12 =	vadd.s32 $0xFFFFFFFF, v16;
	v13 =	vadd.s32 $0xFFFFFFFF, v58;
	[tilespmem:$0x1310] =	vst v7;
	v7 =	vshll.u32 v15, $0xC  }
0xd9: {  	[tilespmem:$0x1320] =	vst v8;
	v8 =	vand.u32 $0xFFF, v12;
	v12 =	vshll.u32 v17, $0xC;
	v13 =	vand.u32 $0xFFF, v13  }
0xda: {  	[tilespmem:$0x1330] =	vst v9;
	v9 =	vadd.s32 $0xFFFFFFFF, v59;
	v7 =	vor.u32 v7, v8;
	v8 =	vor.u32 v12, v13  }
0xdb: {  	v9 =	vand.u32 $0xFFF, v9;
	[tilespmem:$0x1340] =	vst v7;
	v7 =	vshll.u32 v10, $0xC;
	v10 =	vadd.s32 $0xFFFFFFFF, v60  }
0xdc: {  	[tilespmem:$0x1350] =	vst v8;
	v7 =	vor.u32 v7, v9;
	v8 =	vshll.u32 v11, $0xC;
	v9 =	vand.u32 $0xFFF, v10  }
0xdd: {  	[tilespmem:$0x1360] =	vst v7;
	v7 =	vor.u32 v8, v9  }
0xde: {  	[tilespmem:$0x1370] =	vst v7  }
0xdf: {  	[tilespmem:s26], [sflag:$0x1] =	stream.indirect.gather [hbm4b:s3+s12], $0x1, s25, s12, $0xb8;
	[tilespmem:$0x1800] =	vst v63  }
0xe0: {  	v7 =	vld [tilespmem:$0x380]  }
0xe1: {  	v8 =	vld [tilespmem:$0x780]  }
0xe2: {  	v9 =	vld [tilespmem:$0x390]  }
0xe3: {  	v10 =	vld [tilespmem:$0x790]  }
0xe4: {  	v11 =	vld [tilespmem:$0x3A0]  }
0xe5: {  	v12 =	vld [tilespmem:$0x7A0]  }
0xe6: {  	v13 =	vld [tilespmem:$0x3B0]  }
0xe7: {  	v14 =	vld [tilespmem:$0x7B0]  }
0xe8: {  	v15 =	vld [tilespmem:$0x3C0]  }
0xe9: {  	v16 =	vld [tilespmem:$0x7C0]  }
0xea: {  	v17 =	vld [tilespmem:$0x3D0];
	v8 =	vadd.s32 $0xFFFFFFFF, v8  }
0xeb: {  	v61 =	vld [tilespmem:$0x7D0];
	v7 =	vshll.u32 v7, $0xC;
	v10 =	vadd.s32 $0xFFFFFFFF, v10;
	v11 =	vshll.u32 v11, $0xC  }
0xec: {  	v62 =	vld [tilespmem:$0x7E0];
	v12 =	vadd.s32 $0xFFFFFFFF, v12;
	v14 =	vadd.s32 $0xFFFFFFFF, v14;
	v13 =	vshll.u32 v13, $0xC  }
0xed: {  	v63 =	vld [tilespmem:$0x7F0];
	v8 =	vand.u32 $0xFFF, v8;
	v12 =	vand.u32 $0xFFF, v12;
	v14 =	vand.u32 $0xFFF, v14  }
0xee: {  	v7 =	vor.u32 v7, v8;
	v8 =	vshll.u32 v9, $0xC;
	v9 =	vand.u32 $0xFFF, v10;
	v10 =	vld [tilespmem:$0x3E0]  }
0xef: {  	[tilespmem:$0x1380] =	vst v7;
	v7 =	vor.u32 v8, v9;
	v8 =	vor.u32 v11, v12;
	v9 =	vor.u32 v13, v14;
	v11 =	vld [tilespmem:$0x3F0]  }
0xf0: {  	v12 =	vadd.s32 $0xFFFFFFFF, v16;
	v13 =	vadd.s32 $0xFFFFFFFF, v61;
	[tilespmem:$0x1390] =	vst v7;
	v7 =	vshll.u32 v15, $0xC  }
0xf1: {  	[tilespmem:$0x13A0] =	vst v8;
	v8 =	vand.u32 $0xFFF, v12;
	v12 =	vshll.u32 v17, $0xC;
	v13 =	vand.u32 $0xFFF, v13  }
0xf2: {  	[tilespmem:$0x13B0] =	vst v9;
	v9 =	vadd.s32 $0xFFFFFFFF, v62;
	v7 =	vor.u32 v7, v8;
	v8 =	vor.u32 v12, v13  }
0xf3: {  	v9 =	vand.u32 $0xFFF, v9;
	[tilespmem:$0x13C0] =	vst v7;
	v7 =	vshll.u32 v10, $0xC;
	v10 =	vadd.s32 $0xFFFFFFFF, v63  }
0xf4: {  	[tilespmem:$0x13D0] =	vst v8;
	v7 =	vor.u32 v7, v9;
	v8 =	vshll.u32 v11, $0xC;
	v9 =	vand.u32 $0xFFF, v10  }
0xf5: {  	[tilespmem:$0x13E0] =	vst v7;
	v7 =	vor.u32 v8, v9  }
0xf6: {  	[tilespmem:$0x13F0] =	vst v7  }
0xf7: {  	[tilespmem:s29], [sflag:$0x1] =	stream.indirect.gather [hbm4b:s3+s12], $0x1, s28, s12, $0xb8;
	[tilespmem:$0x1800] =	vst v63  }
0xf8: {  	_ =	swait.ge [sflag:s11], $0x80  }
0xf9: {  	[sflag:s11] =	ssyncset.done $0x0  }
0xfa: {  	[sflag:s11] =	ssyncadd.s32 $0xFFFFFF80  }
0xfb: {  	_ =	swait.ge [sflag:s11], $0x80  }
0xfc: {  	[sflag:s11] =	ssyncset.done $0x0  }
0xfd: {  	[sflag:s11] =	ssyncadd.s32 $0xFFFFFF80  }
0xfe: {  	_ =	swait.ge [sflag:s11], $0x80  }
0xff: {  	[sflag:s11] =	ssyncset.done $0x0  }
0x100: {  	[sflag:s11] =	ssyncadd.s32 $0xFFFFFF80  }
0x101: {  	_ =	swait.ge [sflag:s11], $0x80  }
0x102: {  	[sflag:s11] =	ssyncset.done $0x0  }
0x103: {  	[sflag:s11] =	ssyncadd.s32 $0xFFFFFF80  }
0x104: {  	_ =	swait.ge [sflag:s11], $0x80  }
0x105: {  	[sflag:s11] =	ssyncset.done $0x0  }
0x106: {  	[sflag:s11] =	ssyncadd.s32 $0xFFFFFF80  }
0x107: {  	_ =	swait.ge [sflag:s11], $0x80  }
0x108: {  	[sflag:s11] =	ssyncset.done $0x0  }
0x109: {  	[sflag:s11] =	ssyncadd.s32 $0xFFFFFF80  }
0x10a: {  	_ =	swait.ge [sflag:s11], $0x80  }
0x10b: {  	[sflag:s11] =	ssyncset.done $0x0  }
0x10c: {  	[sflag:s11] =	ssyncadd.s32 $0xFFFFFF80  }
0x10d: {  	_ =	swait.ge [sflag:s11], $0x80  }
0x10e: {  	[sflag:s11] =	ssyncset.done $0x0  }
0x10f: {  	[sflag:s11] =	ssyncadd.s32 $0xFFFFFF80  }
0x110: {  	v7 =	vld [tilespmem:$0x0];
	_ =	sdelay $0x4  }
0x111: {  	(v2sf) =	vpush v7, $0x0;
	_ =	sdelay $0xb  }
.Ltmp2:
0x112: {  	_ = 	snop;
	(pc) =	sbr.rel .LBB2_2-.Ltmp2, $4  }
0x113: {  	[tilespmem:$0x1400] =	vst v5  }
0x114: {  	[tilespmem:$0x1480] =	vst v6  }
0x115: {  	v14 =	vimm.f32 $3.000000010e+38;
	v15 =	vimm.f32 $-3.000000010e+38;
	[tilespmem:$0x1500] =	vst v5;
	s10 =	spop (v2sf)  }
0x116: {  	s1 =	simm.s32 $0x0;
	v9 =	vimm.f32 $-3.000000010e+38;
	v8 =	vimm.f32 $3.000000010e+38;
	[tilespmem:$0x1580] =	vst v6;
	v7 =	vimm.f32 $0.0e+00;
	[smem:$0x0] =	sst s10  }
.LBB2_10:
0x117: {  	v14 =	vmin.f32 v16, v14  }
0x118: {  	v15 =	vmax.f32 v15, v13;
	[tilespmem:$0x1500] =	vst v14  }
0x119: {  	s10 =	smov.u32 s9;
	[tilespmem:$0x1580] =	vst v15  }
.LBB2_16:
0x11a: {  	p0 =	slt.u32 s1, $0x3E  }
.Ltmp3:
0x11b: {  	_ = 	snop;
	(pc) =	sbr.rel @!p0 .LBB2_17-.Ltmp3, $4  }
0x11c: {  	v10 =	vnsel vm0, $0x0, v10  }
0x11d: {  	v7 =	vadd.f32 v10, v7  }
0x11e: {  	s9 =	sadd.s32 $0x2, s1;
	v10 =	vnsel vm1, $0x0, v11  }
0x11f: {  	s1 =	smov.u32 s9;
	v7 =	vadd.f32 v10, v7  }
.LBB2_2:
0x120: {  	s13 =	sshll.u32 s1, $0x4  }
0x121: {  	v11 =	vld [tilespmem:s13+$0x0];
	_ =	sdelay $0x4  }
0x122: {  	(v2sf) =	vpush v11, $0x0  }
0x123: {  	(v2sf) =	vpush v11, $0xF;
	_ =	sdelay $0xb  }
0x124: {  	s9 =	sand.u32 $0x380, s13  }
0x125: {  	s15 =	sand.u32 $0x60, s13;
	s14 =	sor.u32 $0x800, s9  }
0x126: {  	s9 =	sor.u32 s15, s14;
	s15 =	spop (v2sf)  }
0x127: {  	v10 =	vld [tilespmem:s9+$0x0];
	s9 =	spop (v2sf);
	p0 =	sne.s32 s15, s10  }
0x128: {  	v12 =	vld [tilespmem:s13+$0xC00];
	p1 =	sne.s32 @!p0 s9, s10  }
0x129: {  	p0 =	por p0, p1  }
.Ltmp4:
0x12a: {  	_ = 	snop;
	(pc) =	sbr.rel @p0 .LBB2_4-.Ltmp4, $3  }
0x12b: {  	_ =	sdelay $0x1  }
0x12c: {  	vm0 =	vgt.s32 v12, $0x0  }
0x12d: {  	v13 =	vnsel vm0, $0x7F61B1E6, v10;
	v12 =	vsel vm0, $0xFF61B1E6, v10  }
.Ltmp5:
0x12e: {  	(pc) =	sbr.rel .LBB2_9-.Ltmp5, $4  }
0x12f: {  	_ = 	snop  }
0x130: {  	v16 =	vmin.f32 v14, v13  }
0x131: {  	v15 =	vmax.f32 v15, v12;
	[tilespmem:$0x1500] =	vst v16  }
0x132: {  	s9 =	smov.u32 s10;
	[tilespmem:$0x1580] =	vst v15  }
.LBB2_4:
0x133: {  	v16 =	vperm.xlane v14, v1;
	v17 =	vperm.xlane v15, v1;
	_ =	sdelay $0x1  }
0x134: {  	v14 =	vmin.f32 v14, v16;
	v15 =	vmax.f32 v15, v17  }
0x135: {  	v16 =	vperm.xlane v14, v2;
	v17 =	vperm.xlane v15, v2;
	_ =	sdelay $0x1  }
0x136: {  	v14 =	vmin.f32 v14, v16;
	v15 =	vmax.f32 v15, v17  }
0x137: {  	v16 =	vperm.xlane v14, v3;
	v17 =	vperm.xlane v15, v3  }
0x138: {  	v18 =	vmov s10;
	s10 =	sadd.s32 $0x1, s9  }
0x139: {  	p0 =	sge.s32 s15, s10;
	v14 =	vmin.f32 v14, v16;
	v15 =	vmax.f32 v15, v17  }
.Ltmp6:
0x13a: {  	v16 =	vperm.xlane v14, v4;
	v17 =	vperm.xlane v15, v4;
	(pc) =	sbr.rel @p0 .LBB2_8-.Ltmp6, $4  }
0x13b: {  	_ = 	snop  }
0x13c: {  	vm1 =	veq.s32 v18, v0;
	v14 =	vmin.f32 v14, v16;
	v15 =	vmax.f32 v15, v17  }
0x13d: {  	[tilespmem:$0x1500] =	vst v5;
	v14 =	vnsel vm1, $0x7F61B1E6, v14;
	v15 =	vnsel vm1, $0xFF61B1E6, v15  }
0x13e: {  	[tilespmem:$0x1580] =	vst v6;
	[smem:$0x0] =	sst s9;
	v8 =	vmin.f32 v8, v14;
	v9 =	vmax.f32 v9, v15  }
0x13f: {  	vm1 =	veq.s32 v11, s15  }
0x140: {  	v14 =	vnsel vm1, $0xFF61B1E6, v12  }
0x141: {  	s16 =	sadd.s32 $0x1, s15;
	v15 =	vnsel vm1, $0x7F61B1E6, v13;
	v16 =	vperm.xlane v14, v1  }
0x142: {  	p0 =	sne.s32 s10, s16;
	v17 =	vperm.xlane v15, v1  }
.Ltmp7:
0x143: {  	v14 =	vmax.f32 v14, v16;
	(pc) =	sbr.rel @!p0 .LBB2_7-.Ltmp7, $4  }
0x144: {  	v16 =	vmin.f32 v15, v17;
	v15 =	vperm.xlane v14, v2  }
0x145: {  	v17 =	vperm.xlane v16, v2  }
0x146: {  	v15 =	vmax.f32 v14, v15  }
0x147: {  	v14 =	vmin.f32 v16, v17;
	v16 =	vperm.xlane v15, v3  }
.LBB2_6:
0x148: {  	vm1 =	veq.s32 v11, s16;
	v17 =	vperm.xlane v14, v3;
	s17 =	smov.u32 s16;
	s16 =	sadd.s32 $0x1, s16  }
0x149: {  	v18 =	vnsel vm1, $0x7F61B1E6, v13;
	v19 =	vnsel vm1, $0xFF61B1E6, v12;
	p0 =	sne.s32 s10, s16;
	v15 =	vmax.f32 v15, v16  }
0x14a: {  	v16 =	vperm.xlane v19, v1;
	v14 =	vmin.f32 v14, v17;
	v17 =	vperm.xlane v15, v4  }
0x14b: {  	v21 =	vmov s15;
	s15 =	smov.u32 s17;
	v20 =	vperm.xlane v18, v1;
	v22 =	vperm.xlane v14, v4  }
.Ltmp8:
0x14c: {  	vm1 =	veq.s32 v21, v0;
	v16 =	vmax.f32 v19, v16;
	v15 =	vmax.f32 v15, v17;
	(pc) =	sbr.rel @p0 .LBB2_6-.Ltmp8, $4  }
0x14d: {  	v17 =	vmin.f32 v18, v20;
	v18 =	vperm.xlane v16, v2;
	v15 =	vnsel vm1, $0xFF61B1E6, v15  }
0x14e: {  	v19 =	vperm.xlane v17, v2;
	v14 =	vmin.f32 v14, v22;
	v9 =	vmax.f32 v9, v15  }
0x14f: {  	v15 =	vmax.f32 v16, v18;
	v18 =	vnsel vm1, $0x7F61B1E6, v14  }
0x150: {  	v14 =	vmin.f32 v17, v19;
	v16 =	vperm.xlane v15, v3;
	v8 =	vmin.f32 v8, v18  }
.LBB2_7:
0x151: {  	v11 =	vperm.xlane v14, v3;
	_ =	sdelay $0x1  }
0x152: {  	v12 =	vmax.f32 v15, v16;
	v11 =	vmin.f32 v14, v11  }
0x153: {  	v13 =	vperm.xlane v12, v4;
	v14 =	vperm.xlane v11, v4  }
0x154: {  	v63 =	vmov s15  }
0x155: {  	vm1 =	veq.s32 v63, v0;
	v12 =	vmax.f32 v12, v13;
	v11 =	vmin.f32 v11, v14  }
0x156: {  	v12 =	vnsel vm1, $0xFF61B1E6, v12;
	v11 =	vnsel vm1, $0x7F61B1E6, v11  }
0x157: {  	v9 =	vmax.f32 v9, v12;
	v8 =	vmin.f32 v8, v11  }
.LBB2_8:
0x158: {  	[tilespmem:$0x1400] =	vst v8  }
0x159: {  	[tilespmem:$0x1480] =	vst v9;
	v16 =	vimm.f32 $3.000000010e+38;
	v15 =	vimm.f32 $-3.000000010e+38  }
.LBB2_9:
0x15a: {  	s10 =	sor.u32 $0x10, s13  }
0x15b: {  	v12 =	vld [tilespmem:s10+$0x0];
	_ =	sdelay $0x4  }
0x15c: {  	(v2sf) =	vpush v12, $0x0  }
0x15d: {  	(v2sf) =	vpush v12, $0xF;
	_ =	sdelay $0xc  }
0x15e: {  	s10 =	sand.u32 $0x70, s10  }
0x15f: {  	v13 =	vld [tilespmem:s13+$0xC10];
	s10 =	sadd.s32 s10, s14;
	s13 =	spop (v2sf)  }
0x160: {  	v11 =	vld [tilespmem:s10+$0x0];
	s10 =	spop (v2sf);
	p0 =	sne.s32 s13, s9  }
0x161: {  	p1 =	sne.s32 @!p0 s10, s9  }
0x162: {  	p0 =	por p0, p1  }
.Ltmp9:
0x163: {  	_ = 	snop;
	(pc) =	sbr.rel @!p0 .LBB2_10-.Ltmp9, $3  }
0x164: {  	_ =	sdelay $0x1  }
0x165: {  	vm1 =	vgt.s32 v13, $0x0  }
0x166: {  	v14 =	vnsel vm1, $0x7F61B1E6, v11;
	v13 =	vsel vm1, $0xFF61B1E6, v11  }
0x167: {  	v17 =	vperm.xlane v16, v1;
	v18 =	vperm.xlane v15, v1;
	_ =	sdelay $0x1  }
0x168: {  	v16 =	vmin.f32 v16, v17;
	v15 =	vmax.f32 v15, v18  }
0x169: {  	v17 =	vperm.xlane v16, v2;
	v18 =	vperm.xlane v15, v2;
	_ =	sdelay $0x1  }
0x16a: {  	v16 =	vmin.f32 v16, v17;
	v15 =	vmax.f32 v15, v18  }
0x16b: {  	v17 =	vperm.xlane v16, v3;
	v18 =	vperm.xlane v15, v3  }
0x16c: {  	v19 =	vmov s9;
	s9 =	sadd.s32 $0x1, s10  }
0x16d: {  	p0 =	sge.s32 s13, s9;
	v16 =	vmin.f32 v16, v17;
	v15 =	vmax.f32 v15, v18  }
.Ltmp10:
0x16e: {  	v17 =	vperm.xlane v16, v4;
	v18 =	vperm.xlane v15, v4;
	(pc) =	sbr.rel @p0 .LBB2_15-.Ltmp10, $4  }
0x16f: {  	_ = 	snop  }
0x170: {  	vm2 =	veq.s32 v19, v0;
	v16 =	vmin.f32 v16, v17;
	v15 =	vmax.f32 v15, v18  }
0x171: {  	[tilespmem:$0x1500] =	vst v5;
	v16 =	vnsel vm2, $0x7F61B1E6, v16;
	v15 =	vnsel vm2, $0xFF61B1E6, v15  }
0x172: {  	[tilespmem:$0x1580] =	vst v6;
	[smem:$0x0] =	sst s10;
	v8 =	vmin.f32 v8, v16;
	v9 =	vmax.f32 v9, v15  }
0x173: {  	vm2 =	veq.s32 v12, s13  }
0x174: {  	v15 =	vnsel vm2, $0xFF61B1E6, v13  }
0x175: {  	s14 =	sadd.s32 $0x1, s13;
	v16 =	vnsel vm2, $0x7F61B1E6, v14;
	v17 =	vperm.xlane v15, v1  }
0x176: {  	p0 =	sne.s32 s9, s14;
	v18 =	vperm.xlane v16, v1  }
.Ltmp11:
0x177: {  	v15 =	vmax.f32 v15, v17;
	(pc) =	sbr.rel @!p0 .LBB2_14-.Ltmp11, $4  }
0x178: {  	v17 =	vmin.f32 v16, v18;
	v16 =	vperm.xlane v15, v2  }
0x179: {  	v18 =	vperm.xlane v17, v2  }
0x17a: {  	v16 =	vmax.f32 v15, v16  }
0x17b: {  	v15 =	vmin.f32 v17, v18;
	v17 =	vperm.xlane v16, v3  }
.LBB2_13:
0x17c: {  	vm2 =	veq.s32 v12, s14;
	v18 =	vperm.xlane v15, v3;
	s15 =	smov.u32 s14;
	s14 =	sadd.s32 $0x1, s14  }
0x17d: {  	v19 =	vnsel vm2, $0x7F61B1E6, v14;
	v20 =	vnsel vm2, $0xFF61B1E6, v13;
	p0 =	sne.s32 s9, s14;
	v16 =	vmax.f32 v16, v17  }
0x17e: {  	v17 =	vperm.xlane v20, v1;
	v15 =	vmin.f32 v15, v18;
	v18 =	vperm.xlane v16, v4  }
0x17f: {  	v22 =	vmov s13;
	s13 =	smov.u32 s15;
	v21 =	vperm.xlane v19, v1;
	v23 =	vperm.xlane v15, v4  }
.Ltmp12:
0x180: {  	vm2 =	veq.s32 v22, v0;
	v17 =	vmax.f32 v20, v17;
	v16 =	vmax.f32 v16, v18;
	(pc) =	sbr.rel @p0 .LBB2_13-.Ltmp12, $4  }
0x181: {  	v18 =	vmin.f32 v19, v21;
	v19 =	vperm.xlane v17, v2;
	v16 =	vnsel vm2, $0xFF61B1E6, v16  }
0x182: {  	v20 =	vperm.xlane v18, v2;
	v15 =	vmin.f32 v15, v23;
	v9 =	vmax.f32 v9, v16  }
0x183: {  	v16 =	vmax.f32 v17, v19;
	v19 =	vnsel vm2, $0x7F61B1E6, v15  }
0x184: {  	v15 =	vmin.f32 v18, v20;
	v17 =	vperm.xlane v16, v3;
	v8 =	vmin.f32 v8, v19  }
.LBB2_14:
0x185: {  	v12 =	vperm.xlane v15, v3;
	_ =	sdelay $0x1  }
0x186: {  	v13 =	vmax.f32 v16, v17;
	v12 =	vmin.f32 v15, v12  }
0x187: {  	v14 =	vperm.xlane v13, v4;
	v15 =	vperm.xlane v12, v4  }
0x188: {  	v63 =	vmov s13  }
0x189: {  	vm2 =	veq.s32 v63, v0;
	v13 =	vmax.f32 v13, v14;
	v12 =	vmin.f32 v12, v15  }
0x18a: {  	v13 =	vnsel vm2, $0xFF61B1E6, v13;
	v12 =	vnsel vm2, $0x7F61B1E6, v12  }
0x18b: {  	v9 =	vmax.f32 v9, v13;
	v8 =	vmin.f32 v8, v12  }
.LBB2_15:
.Ltmp13:
0x18c: {  	(pc) =	sbr.rel .LBB2_16-.Ltmp13, $3  }
0x18d: {  	_ =	sdelay $0x1  }
0x18e: {  	[tilespmem:$0x1400] =	vst v8  }
0x18f: {  	[tilespmem:$0x1480] =	vst v9;
	v14 =	vimm.f32 $3.000000010e+38;
	v15 =	vimm.f32 $-3.000000010e+38  }
.LBB2_18:
0x190: {  	_ =	sfence.sel $0x180000  }
0x191: {  	[bflag:$0x0] =	sbarrier.arrive $0xFFFF  }
0x192: {  	_ =	strace $0x90000047  }
0x193: {  	s0 =	stileid.u32;
	[bflag:$0x2] =	sbarrier.arrive $0xFFFF  }
0x194: {  	p0 =	sne.s32 s0, $0x0;
	s0 =	rddreg [dreg:$0x4]  }
0x195: {  	s0 =	sadd.s32 @!p0 $0x100000, s0  }
0x196: {  	[sflag:s0] =	ssyncadd.tile.s32 @!p0 $0x1;
	_ =	shalt  }
.Lfunc_end2:
_tile_overlayer_lowered:
.L_overlay_start_2:
0x197: {  	(tag) =	ssettag $0x2  }
0x198: {  	s0 =	rddreg [dreg:$0x0];
	s2 =	stileid.u32  }
0x199: {  	s1 =	rddreg [dreg:$0x1];
	p0 =	sne.s32 s2, $0x0  }
0x19a: {  	s3 =	rddreg [dreg:$0x2];
	[bflag:$0x3] =	sbarrier.arrive $0xFFFF;
	s2 =	simm.s32 @!p0 $0x1C02  }
0x19b: {  	[timem:s3], [sflag:s2] =	dma.local @!p0 [hbm:s0], s1  }
0x19c: {  	s0 =	simm.s32 @!p0 $0x2  }
0x19d: {  	_ =	swait.ge @!p0 [sflag:s0], s1  }
0x19e: {  	s1 =	ssub.s32 @!p0 $0x0, s1;
	[sflag:s0] =	ssyncset.done @!p0 $0x0  }
0x19f: {  	[sflag:s0] =	ssyncadd.s32 @!p0 s1  }
0x1a0: {  	[bflag:$0x3] =	sbarrier.arrive $0xFFFF  }
0x1a1: {  	_ =	shalt  }

</sc_bundles>
